<compile_context>
chip_gen: v7x
topology: tpu7x:2x2x1
jax: 0.10.2.dev20260603
libtpu: 0.0.44.dev20260713+nightly
codegen_flags: <defaults>
</compile_context>

<pallas_src>
import functools

import jax
import jax.numpy as jnp
from jax import lax
from jax.experimental import pallas as pl
from jax.experimental.pallas import tpu as pltpu
from jax.experimental.pallas import tpu_sc as plsc

N = 10000
E = 320000
D = 128
M = 256

NC = 2
NS = 16
NW = NC * NS

N_PAD = 10240
ROWS_PER_TILE = N_PAD // NS
CHUNK = 64
E_PAD = 327680
CHUNKS_PER_TILE = E_PAD // (NW * CHUNK)
PHASES = 4
PCH = CHUNKS_PER_TILE // PHASES

_mesh = plsc.VectorSubcoreMesh(core_axis_name="c", subcore_axis_name="s")


DEG_DEPTH = 8


@functools.partial(
    pl.kernel,
    out_type=jax.ShapeDtypeStruct((NC, N_PAD, D), jnp.float32),
    mesh=_mesh,
    scratch_types=[
        pltpu.VMEM((CHUNKS_PER_TILE, CHUNK), jnp.int32),
        pltpu.VMEM((CHUNK, D), jnp.float32),
        pltpu.VMEM_SHARED((N_PAD, D), jnp.float32),
        pltpu.SemaphoreType.DMA,
    ],
)
def _deg_kernel(dstp_hbm, zrows_hbm, ones_hbm, out_hbm, dst_v, ones_v, deg_acc,
                dsem):
    c = lax.axis_index("c")
    s = lax.axis_index("s")
    wid = c * NS + s
    pltpu.sync_copy(zrows_hbm, deg_acc.at[pl.ds(s * ROWS_PER_TILE, ROWS_PER_TILE)])
    pltpu.sync_copy(ones_hbm, ones_v)
    pltpu.sync_copy(dstp_hbm.at[pl.ds(wid * CHUNKS_PER_TILE, CHUNKS_PER_TILE)], dst_v)
    plsc.subcore_barrier()

    def body(j, carry):
        @pl.when(j >= DEG_DEPTH)
        def _():
            pltpu.make_async_copy(ones_v, deg_acc.at[dst_v.at[0]], dsem).wait()

        pltpu.async_copy(ones_v, deg_acc.at[dst_v.at[j]], dsem, add=True)
        return carry

    lax.fori_loop(0, CHUNKS_PER_TILE, body, 0)

    def drain(j, carry):
        pltpu.make_async_copy(ones_v, deg_acc.at[dst_v.at[0]], dsem).wait()
        return carry

    lax.fori_loop(0, DEG_DEPTH, drain, 0)
    plsc.subcore_barrier()
    pltpu.sync_copy(
        deg_acc.at[pl.ds(s * ROWS_PER_TILE, ROWS_PER_TILE)],
        out_hbm.at[c].at[pl.ds(s * ROWS_PER_TILE, ROWS_PER_TILE)],
    )


NBUF = 4
LOOKA = 2
CA = 280
CB = 40
NPH_MAX = max(CA, CB) // PCH


@functools.partial(
    pl.kernel,
    out_type=jax.ShapeDtypeStruct((NC, N_PAD, D), jnp.float32),
    mesh=_mesh,
    scratch_types=[
        pltpu.VMEM((PCH, CHUNK), jnp.int32),
        pltpu.VMEM((PCH, CHUNK), jnp.int32),
        [pltpu.VMEM((CHUNK, D), jnp.float32)] * NBUF,
        pltpu.VMEM_SHARED((N_PAD, D), jnp.float32),
        [pltpu.SemaphoreType.DMA] * NBUF,
        [pltpu.SemaphoreType.DMA] * NBUF,
    ],
)
def _scatter_kernel(y_hbm, srcp_hbm, dstp_hbm, zrows_hbm, out_hbm,
                    src_v, dst_v, rows, acc, gsem, ssem):
    c = lax.axis_index("c")
    s = lax.axis_index("s")
    cnt = lax.select(c == 0, CA, CB)
    base = c * (NS * CA) + s * cnt
    pltpu.sync_copy(zrows_hbm, acc.at[pl.ds(s * ROWS_PER_TILE, ROWS_PER_TILE)])
    plsc.subcore_barrier()

    for p in range(NPH_MAX):

        @pl.when(p * PCH < cnt)
        def _():
            pltpu.sync_copy(srcp_hbm.at[pl.ds(base + p * PCH, PCH)], src_v)
            pltpu.sync_copy(dstp_hbm.at[pl.ds(base + p * PCH, PCH)], dst_v)

            for k in range(LOOKA):
                pltpu.async_copy(y_hbm.at[src_v.at[k]], rows[k % NBUF],
                                 gsem[k % NBUF])

            def outer(g, carry):
                for b in range(NBUF):
                    k = g * NBUF + b
                    pltpu.make_async_copy(
                        y_hbm.at[src_v.at[0]], rows[b], gsem[b]).wait()
                    pltpu.async_copy(rows[b], acc.at[dst_v.at[k]], ssem[b],
                                     add=True)
                    b2 = (b + LOOKA) % NBUF

                    @pl.when(k + LOOKA >= NBUF)
                    def _():
                        pltpu.make_async_copy(
                            rows[b2], acc.at[dst_v.at[0]], ssem[b2]).wait()

                    @pl.when(k + LOOKA < PCH)
                    def _():
                        pltpu.async_copy(
                            y_hbm.at[src_v.at[k + LOOKA]], rows[b2], gsem[b2])
                return carry

            lax.fori_loop(0, PCH // NBUF, outer, 0)

            for k in range(PCH - NBUF + LOOKA, PCH):
                b = k % NBUF
                pltpu.make_async_copy(rows[b], acc.at[dst_v.at[0]],
                                      ssem[b]).wait()

    plsc.subcore_barrier()
    pltpu.sync_copy(
        acc.at[pl.ds(s * ROWS_PER_TILE, ROWS_PER_TILE)],
        out_hbm.at[c].at[pl.ds(s * ROWS_PER_TILE, ROWS_PER_TILE)],
    )


def _y_body(x_ref, w_ref, d0_ref, d1_ref, y_ref):
    deg = d0_ref[:, 0:1] + d1_ref[:, 0:1] + 1.0
    xl = jnp.dot(x_ref[:], w_ref[:], preferred_element_type=jnp.float32)
    y_ref[:] = xl * lax.rsqrt(deg)


def _mlp_body(z0_ref, z1_ref, y_ref, d0_ref, d1_ref, x_ref, bc_ref,
              w1_ref, b1_ref, w2_ref, b2_ref, w3_ref, b3_ref, o_ref):
    deg = d0_ref[:, 0:1] + d1_ref[:, 0:1] + 1.0
    dinv = lax.rsqrt(deg)
    agg = (z0_ref[:] + z1_ref[:] + y_ref[:]) * dinv
    out = jnp.maximum(agg + bc_ref[:], 0.0)
    h = out + x_ref[:]
    h = jnp.maximum(
        jnp.dot(h, w1_ref[:], preferred_element_type=jnp.float32) + b1_ref[:], 0.0)
    h = jnp.maximum(
        jnp.dot(h, w2_ref[:], preferred_element_type=jnp.float32) + b2_ref[:], 0.0)
    o_ref[:] = jnp.dot(h, w3_ref[:], preferred_element_type=jnp.float32) + b3_ref[:]


ROW_BLK = 640


@jax.jit
def kernel(x, edge_index, W_conv, b_conv, W1, b1, W2, b2, W3, b3):
    src = edge_index[0]
    dst = edge_index[1]
    pad = E_PAD - E
    srcp = jnp.concatenate([src, jnp.zeros((pad,), jnp.int32)]).reshape(
        NW * CHUNKS_PER_TILE, CHUNK)
    dstp = jnp.concatenate([dst, jnp.full((pad,), N, jnp.int32)]).reshape(
        NW * CHUNKS_PER_TILE, CHUNK)
    x_pad = jnp.zeros((N_PAD, D), jnp.float32).at[:N].set(x)

    ones_rows = jnp.ones((CHUNK, D), jnp.float32)
    zrows = jnp.zeros((ROWS_PER_TILE, D), jnp.float32)

    deg_parts = _deg_kernel(dstp, zrows, ones_rows)
    deg0, deg1 = deg_parts[0], deg_parts[1]

    y = pl.pallas_call(
        _y_body,
        grid=(N_PAD // ROW_BLK,),
        in_specs=[
            pl.BlockSpec((ROW_BLK, D), lambda i: (i, 0)),
            pl.BlockSpec((D, D), lambda i: (0, 0)),
            pl.BlockSpec((ROW_BLK, D), lambda i: (i, 0)),
            pl.BlockSpec((ROW_BLK, D), lambda i: (i, 0)),
        ],
        out_specs=pl.BlockSpec((ROW_BLK, D), lambda i: (i, 0)),
        out_shape=jax.ShapeDtypeStruct((N_PAD, D), jnp.float32),
    )(x_pad, W_conv, deg0, deg1)

    z_parts = _scatter_kernel(y, srcp, dstp, zrows)
    z0, z1 = z_parts[0], z_parts[1]

    out_pad = pl.pallas_call(
        _mlp_body,
        grid=(N_PAD // ROW_BLK,),
        in_specs=[
            pl.BlockSpec((ROW_BLK, D), lambda i: (i, 0)),
            pl.BlockSpec((ROW_BLK, D), lambda i: (i, 0)),
            pl.BlockSpec((ROW_BLK, D), lambda i: (i, 0)),
            pl.BlockSpec((ROW_BLK, D), lambda i: (i, 0)),
            pl.BlockSpec((ROW_BLK, D), lambda i: (i, 0)),
            pl.BlockSpec((ROW_BLK, D), lambda i: (i, 0)),
            pl.BlockSpec((1, D), lambda i: (0, 0)),
            pl.BlockSpec((D, M), lambda i: (0, 0)),
            pl.BlockSpec((1, M), lambda i: (0, 0)),
            pl.BlockSpec((M, M), lambda i: (0, 0)),
            pl.BlockSpec((1, M), lambda i: (0, 0)),
            pl.BlockSpec((M, 1), lambda i: (0, 0)),
            pl.BlockSpec((1, 1), lambda i: (0, 0)),
        ],
        out_specs=pl.BlockSpec((ROW_BLK, 1), lambda i: (i, 0)),
        out_shape=jax.ShapeDtypeStruct((N_PAD, 1), jnp.float32),
    )(z0, z1, y, deg0, deg1, x_pad,
      b_conv.reshape(1, D), W1, b1.reshape(1, M), W2, b2.reshape(1, M),
      W3, b3.reshape(1, 1))

    return out_pad[:N]

# --- scband reference (transcript-rebuilt; emitter-appended) ---
"""Pipeline reference for scband-gnnactor-base-7181185319506 (READ-ONLY COPY).

The authoritative reference and input builder live on the scoring server;
editing this copy changes nothing except your own understanding.
"""

import jax, jax.numpy as jnp
import numpy as np

N, E, D, M = 10000, 320000, 128, 256

def _glorot(key, shape):
    fan_in, fan_out = shape[0], shape[1]
    s = jnp.sqrt(6.0 / (fan_in + fan_out))
    return jax.random.uniform(key, shape, dtype=jnp.float32, minval=-s, maxval=s)

def setup_inputs(seed: int = 0) -> dict:
    key = jax.random.key(seed)
    ks = jax.random.split(key, 10)
    x = jax.random.normal(ks[0], (N, D), dtype=jnp.float32)
    edge_index = jax.random.randint(ks[1], (2, E), 0, N, dtype=jnp.int32)
    W_conv = _glorot(ks[2], (D, D))
    b_conv = jnp.zeros((D,), dtype=jnp.float32)
    W1 = _glorot(ks[3], (D, M))
    b1 = jnp.zeros((M,), dtype=jnp.float32)
    W2 = _glorot(ks[4], (M, M))
    b2 = jnp.zeros((M,), dtype=jnp.float32)
    W3 = _glorot(ks[5], (M, 1))
    b3 = jnp.zeros((1,), dtype=jnp.float32)
    return {"x": x, "edge_index": edge_index, "W_conv": W_conv, "b_conv": b_conv,
            "W1": W1, "b1": b1, "W2": W2, "b2": b2, "W3": W3, "b3": b3}

def _gcn_conv(x, edge_index, W, b):
    n = x.shape[0]
    src = edge_index[0]
    dst = edge_index[1]
    loop = jnp.arange(n, dtype=edge_index.dtype)
    src = jnp.concatenate([src, loop])
    dst = jnp.concatenate([dst, loop])
    deg = jax.ops.segment_sum(jnp.ones_like(src, dtype=x.dtype), dst, num_segments=n)
    deg_inv_sqrt = jnp.where(deg > 0, jax.lax.rsqrt(jnp.maximum(deg, 1e-12)), 0.0)
    norm = deg_inv_sqrt[src] * deg_inv_sqrt[dst]
    xl = x @ W
    msgs = jnp.take(xl, src, axis=0) * norm[:, None]
    agg = jax.ops.segment_sum(msgs, dst, num_segments=n)
    return agg + b

def reference(x, edge_index, W_conv, b_conv, W1, b1, W2, b2, W3, b3):
    out = jax.nn.relu(_gcn_conv(x, edge_index, W_conv, b_conv))
    h = out + x
    h = jax.nn.relu(h @ W1 + b1)
    h = jax.nn.relu(h @ W2 + b2)
    return h @ W3 + b3

if __name__ == "__main__":
    import jax
    _d = setup_inputs()
    print(jax.jit(kernel)(*tuple(_d.values())))

</pallas_src>

<mosaic_0001>
#map = affine_map<(d0, d1) -> (0, 0)>
#map1 = affine_map<(d0, d1) -> (0, 0, 0)>
module attributes {stable_mosaic.version = 14 : i64} {
  func.func @_deg_kernel(%arg0: i32, %arg1: i32, %arg2: memref<5120x64xi32, #tpu.memory_space<hbm>>, %arg3: memref<640x128xf32, #tpu.memory_space<hbm>>, %arg4: memref<64x128xf32, #tpu.memory_space<hbm>>, %arg5: memref<2x10240x128xf32, #tpu.memory_space<hbm>>, %arg6: memref<160x64xi32, #tpu.memory_space<vmem>>, %arg7: memref<64x128xf32, #tpu.memory_space<vmem>>, %arg8: memref<10240x128xf32, #tpu.memory_space<vmem_shared>>, %arg9: memref<!tpu.dma_semaphore, #tpu.memory_space<semaphore_mem>>) attributes {dimension_semantics = [#tpu.dimension_semantics<core_parallel>, #tpu.dimension_semantics<subcore_parallel>], iteration_bounds = array<i64: 2, 16>, scalar_prefetch = 0 : i64, scratch_operands = 4 : i64, tpu.core_type = #tpu.core_type<sc_vector_subcore>, window_params = [{transform_indices = #map}, {transform_indices = #map}, {transform_indices = #map}, {transform_indices = #map1}]} {
    %mul3A = arith.constant 16 : i32
    %mul3A_0 = arith.muli %arg0, %mul3A : i32
    %add3A = arith.addi %mul3A_0, %arg1 : i32
    %mul3A_1 = arith.constant 640 : i32
    %mul3A_2 = arith.muli %arg1, %mul3A_1 : i32
    "tpu.region"() ({
      %run_scoped3A = tpu.sem_alloc : memref<!tpu.dma_semaphore, #tpu.memory_space<semaphore_mem>>
      %dma_start3A = arith.constant 0 : i32
      %dma_start3A_21 = tpu.memref_slice %arg8[%mul3A_2, %dma_start3A] : memref<10240x128xf32, #tpu.memory_space<vmem_shared>> -> memref<640x128xf32, #tpu.memory_space<vmem_shared>>
      tpu.enqueue_dma source(%arg3 : memref<640x128xf32, #tpu.memory_space<hbm>>) target(%dma_start3A_21 : memref<640x128xf32, #tpu.memory_space<vmem_shared>>) target_semaphore(%run_scoped3A : memref<!tpu.dma_semaphore, #tpu.memory_space<semaphore_mem>>)
      %dma_wait3A = arith.constant 0 : i32
      %dma_wait3A_22 = tpu.memref_slice %arg8[%mul3A_2, %dma_wait3A] : memref<10240x128xf32, #tpu.memory_space<vmem_shared>> -> memref<640x128xf32, #tpu.memory_space<vmem_shared>>
      tpu.wait_dma2 semaphore(%run_scoped3A : memref<!tpu.dma_semaphore, #tpu.memory_space<semaphore_mem>>) src(%arg3 : memref<640x128xf32, #tpu.memory_space<hbm>>) dst(%dma_wait3A_22 : memref<640x128xf32, #tpu.memory_space<vmem_shared>>)
      tpu.yield
    }) : () -> ()
    "tpu.region"() ({
      %run_scoped3A = tpu.sem_alloc : memref<!tpu.dma_semaphore, #tpu.memory_space<semaphore_mem>>
      tpu.enqueue_dma source(%arg4 : memref<64x128xf32, #tpu.memory_space<hbm>>) target(%arg7 : memref<64x128xf32, #tpu.memory_space<vmem>>) target_semaphore(%run_scoped3A : memref<!tpu.dma_semaphore, #tpu.memory_space<semaphore_mem>>)
      tpu.wait_dma2 semaphore(%run_scoped3A : memref<!tpu.dma_semaphore, #tpu.memory_space<semaphore_mem>>) src(%arg4 : memref<64x128xf32, #tpu.memory_space<hbm>>) dst(%arg7 : memref<64x128xf32, #tpu.memory_space<vmem>>)
      tpu.yield
    }) : () -> ()
    %mul3A_3 = arith.constant 160 : i32
    %mul3A_4 = arith.muli %add3A, %mul3A_3 : i32
    "tpu.region"() ({
      %run_scoped3A = tpu.sem_alloc : memref<!tpu.dma_semaphore, #tpu.memory_space<semaphore_mem>>
      %dma_start3A = arith.constant 0 : i32
      %dma_start3A_21 = tpu.memref_slice %arg2[%mul3A_4, %dma_start3A] : memref<5120x64xi32, #tpu.memory_space<hbm>> -> memref<160x64xi32, #tpu.memory_space<hbm>>
      %dma_start3A_22 = arith.constant 0 : i32
      %dma_start3A_23 = tpu.memref_slice %arg2[%mul3A_4, %dma_start3A_22] : memref<5120x64xi32, #tpu.memory_space<hbm>> -> memref<160x64xi32, #tpu.memory_space<hbm>>
      tpu.enqueue_dma source(%dma_start3A_23 : memref<160x64xi32, #tpu.memory_space<hbm>>) target(%arg6 : memref<160x64xi32, #tpu.memory_space<vmem>>) target_semaphore(%run_scoped3A : memref<!tpu.dma_semaphore, #tpu.memory_space<semaphore_mem>>)
      %dma_wait3A = arith.constant 0 : i32
      %dma_wait3A_24 = tpu.memref_slice %arg2[%mul3A_4, %dma_wait3A] : memref<5120x64xi32, #tpu.memory_space<hbm>> -> memref<160x64xi32, #tpu.memory_space<hbm>>
      %dma_wait3A_25 = arith.constant 0 : i32
      %dma_wait3A_26 = tpu.memref_slice %arg2[%mul3A_4, %dma_wait3A_25] : memref<5120x64xi32, #tpu.memory_space<hbm>> -> memref<160x64xi32, #tpu.memory_space<hbm>>
      tpu.wait_dma2 semaphore(%run_scoped3A : memref<!tpu.dma_semaphore, #tpu.memory_space<semaphore_mem>>) src(%dma_wait3A_26 : memref<160x64xi32, #tpu.memory_space<hbm>>) dst(%arg6 : memref<160x64xi32, #tpu.memory_space<vmem>>)
      tpu.yield
    }) : () -> ()
    %barrier3A = arith.constant 0 : index
    tpu.barrier barrier_id(%barrier3A)
    %scan3A = arith.constant 0 : i32
    %scan3A_5 = arith.constant 0 : i32
    %scan3A_6 = arith.constant 160 : i32
    %scan3A_7 = arith.addi %scan3A_5, %scan3A_6 : i32
    %scan3A_8 = arith.constant 1 : i32
    scf.for %scan3A_21 = %scan3A_5 to %scan3A_7 step %scan3A_8  : i32 {
      %ge3A = arith.constant 8 : i32
      %ge3A_22 = arith.cmpi sge, %scan3A_21, %ge3A : i32
      %convert_element_type3A = arith.extui %ge3A_22 : i1 to i32
      %cond3A = arith.constant 0 : i32
      %cond3A_23 = arith.cmpi ne, %convert_element_type3A, %cond3A : i32
      scf.if %cond3A_23 {
        %dma_wait3A = arith.constant 0 : i32
        %dma_wait3A_29 = arith.constant 0 : i32
        %dma_wait3A_30 = tpu.memref_slice %arg6[%dma_wait3A, %dma_wait3A_29] : memref<160x64xi32, #tpu.memory_space<vmem>> -> memref<1x64xi32, #tpu.memory_space<vmem>>
        %dma_wait3A_31 = tpu.memref_squeeze %dma_wait3A_30 : memref<1x64xi32, #tpu.memory_space<vmem>> -> memref<64xi32, #tpu.memory_space<vmem>>
        %dma_wait3A_32 = arith.constant 0 : i32
        %dma_wait3A_33 = arith.constant 0 : i32
        %dma_wait3A_34 = tpu.memref_slice %arg8[%dma_wait3A_32, %dma_wait3A_33] : memref<10240x128xf32, #tpu.memory_space<vmem_shared>> -> memref<10240x128xf32, #tpu.memory_space<vmem_shared>>
        tpu.wait_indirect_dma semaphore(%arg9 : memref<!tpu.dma_semaphore, #tpu.memory_space<semaphore_mem>>) src(%arg7 : memref<64x128xf32, #tpu.memory_space<vmem>>) dst(%dma_wait3A_34 : memref<10240x128xf32, #tpu.memory_space<vmem_shared>>)
      } else {
      }
      %dma_start3A = arith.constant 0 : i32
      %dma_start3A_24 = tpu.memref_slice %arg6[%scan3A_21, %dma_start3A] : memref<160x64xi32, #tpu.memory_space<vmem>> -> memref<1x64xi32, #tpu.memory_space<vmem>>
      %dma_start3A_25 = tpu.memref_squeeze %dma_start3A_24 : memref<1x64xi32, #tpu.memory_space<vmem>> -> memref<64xi32, #tpu.memory_space<vmem>>
      %dma_start3A_26 = arith.constant 0 : i32
      %dma_start3A_27 = arith.constant 0 : i32
      %dma_start3A_28 = tpu.memref_slice %arg8[%dma_start3A_26, %dma_start3A_27] : memref<10240x128xf32, #tpu.memory_space<vmem_shared>> -> memref<10240x128xf32, #tpu.memory_space<vmem_shared>>
      tpu.enqueue_indirect_dma source(%arg7 : memref<64x128xf32, #tpu.memory_space<vmem>>) target(%dma_start3A_28 : memref<10240x128xf32, #tpu.memory_space<vmem_shared>>) offsets(%dma_start3A_25 : memref<64xi32, #tpu.memory_space<vmem>>) semaphore(%arg9 : memref<!tpu.dma_semaphore, #tpu.memory_space<semaphore_mem>>) {add = true}
    }
    %scan3A_9 = arith.constant 160 : i32
    %scan3A_10 = arith.constant 0 : i32
    %scan3A_11 = arith.constant 0 : i32
    %scan3A_12 = arith.constant 8 : i32
    %scan3A_13 = arith.addi %scan3A_11, %scan3A_12 : i32
    %scan3A_14 = arith.constant 1 : i32
    scf.for %scan3A_21 = %scan3A_11 to %scan3A_13 step %scan3A_14  : i32 {
      %dma_wait3A = arith.constant 0 : i32
      %dma_wait3A_22 = arith.constant 0 : i32
      %dma_wait3A_23 = tpu.memref_slice %arg6[%dma_wait3A, %dma_wait3A_22] : memref<160x64xi32, #tpu.memory_space<vmem>> -> memref<1x64xi32, #tpu.memory_space<vmem>>
      %dma_wait3A_24 = tpu.memref_squeeze %dma_wait3A_23 : memref<1x64xi32, #tpu.memory_space<vmem>> -> memref<64xi32, #tpu.memory_space<vmem>>
      %dma_wait3A_25 = arith.constant 0 : i32
      %dma_wait3A_26 = arith.constant 0 : i32
      %dma_wait3A_27 = tpu.memref_slice %arg8[%dma_wait3A_25, %dma_wait3A_26] : memref<10240x128xf32, #tpu.memory_space<vmem_shared>> -> memref<10240x128xf32, #tpu.memory_space<vmem_shared>>
      tpu.wait_indirect_dma semaphore(%arg9 : memref<!tpu.dma_semaphore, #tpu.memory_space<semaphore_mem>>) src(%arg7 : memref<64x128xf32, #tpu.memory_space<vmem>>) dst(%dma_wait3A_27 : memref<10240x128xf32, #tpu.memory_space<vmem_shared>>)
    }
    %scan3A_15 = arith.constant 8 : i32
    %barrier3A_16 = arith.constant 0 : index
    tpu.barrier barrier_id(%barrier3A_16)
    %mul3A_17 = arith.constant 640 : i32
    %mul3A_18 = arith.muli %arg1, %mul3A_17 : i32
    %mul3A_19 = arith.constant 640 : i32
    %mul3A_20 = arith.muli %arg1, %mul3A_19 : i32
    "tpu.region"() ({
      %run_scoped3A = tpu.sem_alloc : memref<!tpu.dma_semaphore, #tpu.memory_space<semaphore_mem>>
      %dma_start3A = arith.constant 0 : i32
      %dma_start3A_21 = arith.constant 0 : i32
      %dma_start3A_22 = tpu.memref_slice %arg5[%arg0, %dma_start3A, %dma_start3A_21] : memref<2x10240x128xf32, #tpu.memory_space<hbm>> -> memref<1x10240x128xf32, #tpu.memory_space<hbm>>
      %dma_start3A_23 = tpu.memref_squeeze %dma_start3A_22 : memref<1x10240x128xf32, #tpu.memory_space<hbm>> -> memref<10240x128xf32, #tpu.memory_space<hbm>>
      %dma_start3A_24 = arith.constant 0 : i32
      %dma_start3A_25 = tpu.memref_slice %dma_start3A_23[%mul3A_20, %dma_start3A_24] : memref<10240x128xf32, #tpu.memory_space<hbm>> -> memref<640x128xf32, #tpu.memory_space<hbm>>
      %dma_start3A_26 = arith.constant 0 : i32
      %dma_start3A_27 = tpu.memref_slice %arg8[%mul3A_18, %dma_start3A_26] : memref<10240x128xf32, #tpu.memory_space<vmem_shared>> -> memref<640x128xf32, #tpu.memory_space<vmem_shared>>
      tpu.enqueue_dma source(%dma_start3A_27 : memref<640x128xf32, #tpu.memory_space<vmem_shared>>) target(%dma_start3A_25 : memref<640x128xf32, #tpu.memory_space<hbm>>) target_semaphore(%run_scoped3A : memref<!tpu.dma_semaphore, #tpu.memory_space<semaphore_mem>>)
      %dma_wait3A = arith.constant 0 : i32
      %dma_wait3A_28 = arith.constant 0 : i32
      %dma_wait3A_29 = tpu.memref_slice %arg5[%arg0, %dma_wait3A, %dma_wait3A_28] : memref<2x10240x128xf32, #tpu.memory_space<hbm>> -> memref<1x10240x128xf32, #tpu.memory_space<hbm>>
      %dma_wait3A_30 = tpu.memref_squeeze %dma_wait3A_29 : memref<1x10240x128xf32, #tpu.memory_space<hbm>> -> memref<10240x128xf32, #tpu.memory_space<hbm>>
      %dma_wait3A_31 = arith.constant 0 : i32
      %dma_wait3A_32 = tpu.memref_slice %dma_wait3A_30[%mul3A_20, %dma_wait3A_31] : memref<10240x128xf32, #tpu.memory_space<hbm>> -> memref<640x128xf32, #tpu.memory_space<hbm>>
      %dma_wait3A_33 = arith.constant 0 : i32
      %dma_wait3A_34 = tpu.memref_slice %arg8[%mul3A_18, %dma_wait3A_33] : memref<10240x128xf32, #tpu.memory_space<vmem_shared>> -> memref<640x128xf32, #tpu.memory_space<vmem_shared>>
      tpu.wait_dma2 semaphore(%run_scoped3A : memref<!tpu.dma_semaphore, #tpu.memory_space<semaphore_mem>>) src(%dma_wait3A_34 : memref<640x128xf32, #tpu.memory_space<vmem_shared>>) dst(%dma_wait3A_32 : memref<640x128xf32, #tpu.memory_space<hbm>>)
      tpu.yield
    }) : () -> ()
    return
  }
}

#map = affine_map<(d0, d1) -> (0, 0)>
#map1 = affine_map<(d0, d1) -> (0, 0, 0)>
module attributes {stable_mosaic.version = 14 : i64} {
  func.func @_scatter_kernel(%arg0: i32, %arg1: i32, %arg2: memref<10240x128xf32, #tpu.memory_space<hbm>>, %arg3: memref<5120x64xi32, #tpu.memory_space<hbm>>, %arg4: memref<5120x64xi32, #tpu.memory_space<hbm>>, %arg5: memref<640x128xf32, #tpu.memory_space<hbm>>, %arg6: memref<2x10240x128xf32, #tpu.memory_space<hbm>>, %arg7: memref<40x64xi32, #tpu.memory_space<vmem>>, %arg8: memref<40x64xi32, #tpu.memory_space<vmem>>, %arg9: memref<64x128xf32, #tpu.memory_space<vmem>>, %arg10: memref<64x128xf32, #tpu.memory_space<vmem>>, %arg11: memref<64x128xf32, #tpu.memory_space<vmem>>, %arg12: memref<64x128xf32, #tpu.memory_space<vmem>>, %arg13: memref<10240x128xf32, #tpu.memory_space<vmem_shared>>, %arg14: memref<!tpu.dma_semaphore, #tpu.memory_space<semaphore_mem>>, %arg15: memref<!tpu.dma_semaphore, #tpu.memory_space<semaphore_mem>>, %arg16: memref<!tpu.dma_semaphore, #tpu.memory_space<semaphore_mem>>, %arg17: memref<!tpu.dma_semaphore, #tpu.memory_space<semaphore_mem>>, %arg18: memref<!tpu.dma_semaphore, #tpu.memory_space<semaphore_mem>>, %arg19: memref<!tpu.dma_semaphore, #tpu.memory_space<semaphore_mem>>, %arg20: memref<!tpu.dma_semaphore, #tpu.memory_space<semaphore_mem>>, %arg21: memref<!tpu.dma_semaphore, #tpu.memory_space<semaphore_mem>>) attributes {dimension_semantics = [#tpu.dimension_semantics<core_parallel>, #tpu.dimension_semantics<subcore_parallel>], iteration_bounds = array<i64: 2, 16>, scalar_prefetch = 0 : i64, scratch_operands = 15 : i64, tpu.core_type = #tpu.core_type<sc_vector_subcore>, window_params = [{transform_indices = #map}, {transform_indices = #map}, {transform_indices = #map}, {transform_indices = #map}, {transform_indices = #map1}]} {
    %eq3A = arith.constant 0 : i32
    %eq3A_0 = arith.cmpi eq, %arg0, %eq3A : i32
    %select_n3A = arith.constant 40 : i32
    %select_n3A_1 = arith.constant 280 : i32
    %select_n3A_2 = arith.select %eq3A_0, %select_n3A_1, %select_n3A : i32
    %mul3A = arith.constant 4480 : i32
    %mul3A_3 = arith.muli %arg0, %mul3A : i32
    %mul3A_4 = arith.muli %arg1, %select_n3A_2 : i32
    %add3A = arith.addi %mul3A_3, %mul3A_4 : i32
    %mul3A_5 = arith.constant 640 : i32
    %mul3A_6 = arith.muli %arg1, %mul3A_5 : i32
    "tpu.region"() ({
      %run_scoped3A = tpu.sem_alloc : memref<!tpu.dma_semaphore, #tpu.memory_space<semaphore_mem>>
      %dma_start3A = arith.constant 0 : i32
      %dma_start3A_44 = tpu.memref_slice %arg13[%mul3A_6, %dma_start3A] : memref<10240x128xf32, #tpu.memory_space<vmem_shared>> -> memref<640x128xf32, #tpu.memory_space<vmem_shared>>
      tpu.enqueue_dma source(%arg5 : memref<640x128xf32, #tpu.memory_space<hbm>>) target(%dma_start3A_44 : memref<640x128xf32, #tpu.memory_space<vmem_shared>>) target_semaphore(%run_scoped3A : memref<!tpu.dma_semaphore, #tpu.memory_space<semaphore_mem>>)
      %dma_wait3A = arith.constant 0 : i32
      %dma_wait3A_45 = tpu.memref_slice %arg13[%mul3A_6, %dma_wait3A] : memref<10240x128xf32, #tpu.memory_space<vmem_shared>> -> memref<640x128xf32, #tpu.memory_space<vmem_shared>>
      tpu.wait_dma2 semaphore(%run_scoped3A : memref<!tpu.dma_semaphore, #tpu.memory_space<semaphore_mem>>) src(%arg5 : memref<640x128xf32, #tpu.memory_space<hbm>>) dst(%dma_wait3A_45 : memref<640x128xf32, #tpu.memory_space<vmem_shared>>)
      tpu.yield
    }) : () -> ()
    %barrier3A = arith.constant 0 : index
    tpu.barrier barrier_id(%barrier3A)
    %gt3A = arith.constant 0 : i32
    %gt3A_7 = arith.cmpi sgt, %select_n3A_2, %gt3A : i32
    %convert_element_type3A = arith.extui %gt3A_7 : i1 to i32
    %cond3A = arith.constant 0 : i32
    %cond3A_8 = arith.cmpi ne, %convert_element_type3A, %cond3A : i32
    scf.if %cond3A_8 {
      %add3A_44 = arith.constant 0 : i32
      %add3A_45 = arith.addi %add3A, %add3A_44 : i32
      "tpu.region"() ({
        %run_scoped3A = tpu.sem_alloc : memref<!tpu.dma_semaphore, #tpu.memory_space<semaphore_mem>>
        %dma_start3A_79 = arith.constant 0 : i32
        %dma_start3A_80 = tpu.memref_slice %arg3[%add3A_45, %dma_start3A_79] : memref<5120x64xi32, #tpu.memory_space<hbm>> -> memref<40x64xi32, #tpu.memory_space<hbm>>
        %dma_start3A_81 = arith.constant 0 : i32
        %dma_start3A_82 = tpu.memref_slice %arg3[%add3A_45, %dma_start3A_81] : memref<5120x64xi32, #tpu.memory_space<hbm>> -> memref<40x64xi32, #tpu.memory_space<hbm>>
        tpu.enqueue_dma source(%dma_start3A_82 : memref<40x64xi32, #tpu.memory_space<hbm>>) target(%arg7 : memref<40x64xi32, #tpu.memory_space<vmem>>) target_semaphore(%run_scoped3A : memref<!tpu.dma_semaphore, #tpu.memory_space<semaphore_mem>>)
        %dma_wait3A_83 = arith.constant 0 : i32
        %dma_wait3A_84 = tpu.memref_slice %arg3[%add3A_45, %dma_wait3A_83] : memref<5120x64xi32, #tpu.memory_space<hbm>> -> memref<40x64xi32, #tpu.memory_space<hbm>>
        %dma_wait3A_85 = arith.constant 0 : i32
        %dma_wait3A_86 = tpu.memref_slice %arg3[%add3A_45, %dma_wait3A_85] : memref<5120x64xi32, #tpu.memory_space<hbm>> -> memref<40x64xi32, #tpu.memory_space<hbm>>
        tpu.wait_dma2 semaphore(%run_scoped3A : memref<!tpu.dma_semaphore, #tpu.memory_space<semaphore_mem>>) src(%dma_wait3A_86 : memref<40x64xi32, #tpu.memory_space<hbm>>) dst(%arg7 : memref<40x64xi32, #tpu.memory_space<vmem>>)
        tpu.yield
      }) : () -> ()
      %add3A_46 = arith.constant 0 : i32
      %add3A_47 = arith.addi %add3A, %add3A_46 : i32
      "tpu.region"() ({
        %run_scoped3A = tpu.sem_alloc : memref<!tpu.dma_semaphore, #tpu.memory_space<semaphore_mem>>
        %dma_start3A_79 = arith.constant 0 : i32
        %dma_start3A_80 = tpu.memref_slice %arg4[%add3A_47, %dma_start3A_79] : memref<5120x64xi32, #tpu.memory_space<hbm>> -> memref<40x64xi32, #tpu.memory_space<hbm>>
        %dma_start3A_81 = arith.constant 0 : i32
        %dma_start3A_82 = tpu.memref_slice %arg4[%add3A_47, %dma_start3A_81] : memref<5120x64xi32, #tpu.memory_space<hbm>> -> memref<40x64xi32, #tpu.memory_space<hbm>>
        tpu.enqueue_dma source(%dma_start3A_82 : memref<40x64xi32, #tpu.memory_space<hbm>>) target(%arg8 : memref<40x64xi32, #tpu.memory_space<vmem>>) target_semaphore(%run_scoped3A : memref<!tpu.dma_semaphore, #tpu.memory_space<semaphore_mem>>)
        %dma_wait3A_83 = arith.constant 0 : i32
        %dma_wait3A_84 = tpu.memref_slice %arg4[%add3A_47, %dma_wait3A_83] : memref<5120x64xi32, #tpu.memory_space<hbm>> -> memref<40x64xi32, #tpu.memory_space<hbm>>
        %dma_wait3A_85 = arith.constant 0 : i32
        %dma_wait3A_86 = tpu.memref_slice %arg4[%add3A_47, %dma_wait3A_85] : memref<5120x64xi32, #tpu.memory_space<hbm>> -> memref<40x64xi32, #tpu.memory_space<hbm>>
        tpu.wait_dma2 semaphore(%run_scoped3A : memref<!tpu.dma_semaphore, #tpu.memory_space<semaphore_mem>>) src(%dma_wait3A_86 : memref<40x64xi32, #tpu.memory_space<hbm>>) dst(%arg8 : memref<40x64xi32, #tpu.memory_space<vmem>>)
        tpu.yield
      }) : () -> ()
      %dma_start3A = arith.constant 0 : i32
      %dma_start3A_48 = arith.constant 0 : i32
      %dma_start3A_49 = tpu.memref_slice %arg7[%dma_start3A, %dma_start3A_48] : memref<40x64xi32, #tpu.memory_space<vmem>> -> memref<1x64xi32, #tpu.memory_space<vmem>>
      %dma_start3A_50 = tpu.memref_squeeze %dma_start3A_49 : memref<1x64xi32, #tpu.memory_space<vmem>> -> memref<64xi32, #tpu.memory_space<vmem>>
      %dma_start3A_51 = arith.constant 0 : i32
      %dma_start3A_52 = arith.constant 0 : i32
      %dma_start3A_53 = tpu.memref_slice %arg2[%dma_start3A_51, %dma_start3A_52] : memref<10240x128xf32, #tpu.memory_space<hbm>> -> memref<10240x128xf32, #tpu.memory_space<hbm>>
      tpu.enqueue_indirect_dma source(%dma_start3A_53 : memref<10240x128xf32, #tpu.memory_space<hbm>>) target(%arg9 : memref<64x128xf32, #tpu.memory_space<vmem>>) offsets(%dma_start3A_50 : memref<64xi32, #tpu.memory_space<vmem>>) semaphore(%arg14 : memref<!tpu.dma_semaphore, #tpu.memory_space<semaphore_mem>>)
      %dma_start3A_54 = arith.constant 1 : i32
      %dma_start3A_55 = arith.constant 0 : i32
      %dma_start3A_56 = tpu.memref_slice %arg7[%dma_start3A_54, %dma_start3A_55] : memref<40x64xi32, #tpu.memory_space<vmem>> -> memref<1x64xi32, #tpu.memory_space<vmem>>
      %dma_start3A_57 = tpu.memref_squeeze %dma_start3A_56 : memref<1x64xi32, #tpu.memory_space<vmem>> -> memref<64xi32, #tpu.memory_space<vmem>>
      %dma_start3A_58 = arith.constant 0 : i32
      %dma_start3A_59 = arith.constant 0 : i32
      %dma_start3A_60 = tpu.memref_slice %arg2[%dma_start3A_58, %dma_start3A_59] : memref<10240x128xf32, #tpu.memory_space<hbm>> -> memref<10240x128xf32, #tpu.memory_space<hbm>>
      tpu.enqueue_indirect_dma source(%dma_start3A_60 : memref<10240x128xf32, #tpu.memory_space<hbm>>) target(%arg10 : memref<64x128xf32, #tpu.memory_space<vmem>>) offsets(%dma_start3A_57 : memref<64xi32, #tpu.memory_space<vmem>>) semaphore(%arg15 : memref<!tpu.dma_semaphore, #tpu.memory_space<semaphore_mem>>)
      %scan3A = arith.constant 0 : i32
      %scan3A_61 = arith.constant 0 : i32
      %scan3A_62 = arith.constant 10 : i32
      %scan3A_63 = arith.addi %scan3A_61, %scan3A_62 : i32
      %scan3A_64 = arith.constant 1 : i32
      scf.for %scan3A_79 = %scan3A_61 to %scan3A_63 step %scan3A_64  : i32 {
        %mul3A_80 = arith.constant 4 : i32
        %mul3A_81 = arith.muli %scan3A_79, %mul3A_80 : i32
        %add3A_82 = arith.constant 0 : i32
        %add3A_83 = arith.addi %mul3A_81, %add3A_82 : i32
        %dma_wait3A_84 = arith.constant 0 : i32
        %dma_wait3A_85 = arith.constant 0 : i32
        %dma_wait3A_86 = tpu.memref_slice %arg7[%dma_wait3A_84, %dma_wait3A_85] : memref<40x64xi32, #tpu.memory_space<vmem>> -> memref<1x64xi32, #tpu.memory_space<vmem>>
        %dma_wait3A_87 = tpu.memref_squeeze %dma_wait3A_86 : memref<1x64xi32, #tpu.memory_space<vmem>> -> memref<64xi32, #tpu.memory_space<vmem>>
        %dma_wait3A_88 = arith.constant 0 : i32
        %dma_wait3A_89 = arith.constant 0 : i32
        %dma_wait3A_90 = tpu.memref_slice %arg2[%dma_wait3A_88, %dma_wait3A_89] : memref<10240x128xf32, #tpu.memory_space<hbm>> -> memref<10240x128xf32, #tpu.memory_space<hbm>>
        tpu.wait_indirect_dma semaphore(%arg14 : memref<!tpu.dma_semaphore, #tpu.memory_space<semaphore_mem>>) src(%dma_wait3A_90 : memref<10240x128xf32, #tpu.memory_space<hbm>>) dst(%arg9 : memref<64x128xf32, #tpu.memory_space<vmem>>)
        %dma_start3A_91 = arith.constant 0 : i32
        %dma_start3A_92 = tpu.memref_slice %arg8[%add3A_83, %dma_start3A_91] : memref<40x64xi32, #tpu.memory_space<vmem>> -> memref<1x64xi32, #tpu.memory_space<vmem>>
        %dma_start3A_93 = tpu.memref_squeeze %dma_start3A_92 : memref<1x64xi32, #tpu.memory_space<vmem>> -> memref<64xi32, #tpu.memory_space<vmem>>
        %dma_start3A_94 = arith.constant 0 : i32
        %dma_start3A_95 = arith.constant 0 : i32
        %dma_start3A_96 = tpu.memref_slice %arg13[%dma_start3A_94, %dma_start3A_95] : memref<10240x128xf32, #tpu.memory_space<vmem_shared>> -> memref<10240x128xf32, #tpu.memory_space<vmem_shared>>
        tpu.enqueue_indirect_dma source(%arg9 : memref<64x128xf32, #tpu.memory_space<vmem>>) target(%dma_start3A_96 : memref<10240x128xf32, #tpu.memory_space<vmem_shared>>) offsets(%dma_start3A_93 : memref<64xi32, #tpu.memory_space<vmem>>) semaphore(%arg18 : memref<!tpu.dma_semaphore, #tpu.memory_space<semaphore_mem>>) {add = true}
        %add3A_97 = arith.constant 2 : i32
        %add3A_98 = arith.addi %add3A_83, %add3A_97 : i32
        %ge3A = arith.constant 4 : i32
        %ge3A_99 = arith.cmpi sge, %add3A_98, %ge3A : i32
        %convert_element_type3A_100 = arith.extui %ge3A_99 : i1 to i32
        %cond3A_101 = arith.constant 0 : i32
        %cond3A_102 = arith.cmpi ne, %convert_element_type3A_100, %cond3A_101 : i32
        scf.if %cond3A_102 {
          %dma_wait3A_202 = arith.constant 0 : i32
          %dma_wait3A_203 = arith.constant 0 : i32
          %dma_wait3A_204 = tpu.memref_slice %arg8[%dma_wait3A_202, %dma_wait3A_203] : memref<40x64xi32, #tpu.memory_space<vmem>> -> memref<1x64xi32, #tpu.memory_space<vmem>>
          %dma_wait3A_205 = tpu.memref_squeeze %dma_wait3A_204 : memref<1x64xi32, #tpu.memory_space<vmem>> -> memref<64xi32, #tpu.memory_space<vmem>>
          %dma_wait3A_206 = arith.constant 0 : i32
          %dma_wait3A_207 = arith.constant 0 : i32
          %dma_wait3A_208 = tpu.memref_slice %arg13[%dma_wait3A_206, %dma_wait3A_207] : memref<10240x128xf32, #tpu.memory_space<vmem_shared>> -> memref<10240x128xf32, #tpu.memory_space<vmem_shared>>
          tpu.wait_indirect_dma semaphore(%arg20 : memref<!tpu.dma_semaphore, #tpu.memory_space<semaphore_mem>>) src(%arg11 : memref<64x128xf32, #tpu.memory_space<vmem>>) dst(%dma_wait3A_208 : memref<10240x128xf32, #tpu.memory_space<vmem_shared>>)
        } else {
        }
        %add3A_103 = arith.constant 2 : i32
        %add3A_104 = arith.addi %add3A_83, %add3A_103 : i32
        %lt3A = arith.constant 40 : i32
        %lt3A_105 = arith.cmpi slt, %add3A_104, %lt3A : i32
        %convert_element_type3A_106 = arith.extui %lt3A_105 : i1 to i32
        %cond3A_107 = arith.constant 0 : i32
        %cond3A_108 = arith.cmpi ne, %convert_element_type3A_106, %cond3A_107 : i32
        scf.if %cond3A_108 {
          %add3A_202 = arith.constant 2 : i32
          %add3A_203 = arith.addi %add3A_83, %add3A_202 : i32
          %dma_start3A_204 = arith.constant 0 : i32
          %dma_start3A_205 = tpu.memref_slice %arg7[%add3A_203, %dma_start3A_204] : memref<40x64xi32, #tpu.memory_space<vmem>> -> memref<1x64xi32, #tpu.memory_space<vmem>>
          %dma_start3A_206 = tpu.memref_squeeze %dma_start3A_205 : memref<1x64xi32, #tpu.memory_space<vmem>> -> memref<64xi32, #tpu.memory_space<vmem>>
          %dma_start3A_207 = arith.constant 0 : i32
          %dma_start3A_208 = arith.constant 0 : i32
          %dma_start3A_209 = tpu.memref_slice %arg2[%dma_start3A_207, %dma_start3A_208] : memref<10240x128xf32, #tpu.memory_space<hbm>> -> memref<10240x128xf32, #tpu.memory_space<hbm>>
          tpu.enqueue_indirect_dma source(%dma_start3A_209 : memref<10240x128xf32, #tpu.memory_space<hbm>>) target(%arg11 : memref<64x128xf32, #tpu.memory_space<vmem>>) offsets(%dma_start3A_206 : memref<64xi32, #tpu.memory_space<vmem>>) semaphore(%arg16 : memref<!tpu.dma_semaphore, #tpu.memory_space<semaphore_mem>>)
        } else {
        }
        %mul3A_109 = arith.constant 4 : i32
        %mul3A_110 = arith.muli %scan3A_79, %mul3A_109 : i32
        %add3A_111 = arith.constant 1 : i32
        %add3A_112 = arith.addi %mul3A_110, %add3A_111 : i32
        %dma_wait3A_113 = arith.constant 0 : i32
        %dma_wait3A_114 = arith.constant 0 : i32
        %dma_wait3A_115 = tpu.memref_slice %arg7[%dma_wait3A_113, %dma_wait3A_114] : memref<40x64xi32, #tpu.memory_space<vmem>> -> memref<1x64xi32, #tpu.memory_space<vmem>>
        %dma_wait3A_116 = tpu.memref_squeeze %dma_wait3A_115 : memref<1x64xi32, #tpu.memory_space<vmem>> -> memref<64xi32, #tpu.memory_space<vmem>>
        %dma_wait3A_117 = arith.constant 0 : i32
        %dma_wait3A_118 = arith.constant 0 : i32
        %dma_wait3A_119 = tpu.memref_slice %arg2[%dma_wait3A_117, %dma_wait3A_118] : memref<10240x128xf32, #tpu.memory_space<hbm>> -> memref<10240x128xf32, #tpu.memory_space<hbm>>
        tpu.wait_indirect_dma semaphore(%arg15 : memref<!tpu.dma_semaphore, #tpu.memory_space<semaphore_mem>>) src(%dma_wait3A_119 : memref<10240x128xf32, #tpu.memory_space<hbm>>) dst(%arg10 : memref<64x128xf32, #tpu.memory_space<vmem>>)
        %dma_start3A_120 = arith.constant 0 : i32
        %dma_start3A_121 = tpu.memref_slice %arg8[%add3A_112, %dma_start3A_120] : memref<40x64xi32, #tpu.memory_space<vmem>> -> memref<1x64xi32, #tpu.memory_space<vmem>>
        %dma_start3A_122 = tpu.memref_squeeze %dma_start3A_121 : memref<1x64xi32, #tpu.memory_space<vmem>> -> memref<64xi32, #tpu.memory_space<vmem>>
        %dma_start3A_123 = arith.constant 0 : i32
        %dma_start3A_124 = arith.constant 0 : i32
        %dma_start3A_125 = tpu.memref_slice %arg13[%dma_start3A_123, %dma_start3A_124] : memref<10240x128xf32, #tpu.memory_space<vmem_shared>> -> memref<10240x128xf32, #tpu.memory_space<vmem_shared>>
        tpu.enqueue_indirect_dma source(%arg10 : memref<64x128xf32, #tpu.memory_space<vmem>>) target(%dma_start3A_125 : memref<10240x128xf32, #tpu.memory_space<vmem_shared>>) offsets(%dma_start3A_122 : memref<64xi32, #tpu.memory_space<vmem>>) semaphore(%arg19 : memref<!tpu.dma_semaphore, #tpu.memory_space<semaphore_mem>>) {add = true}
        %add3A_126 = arith.constant 2 : i32
        %add3A_127 = arith.addi %add3A_112, %add3A_126 : i32
        %ge3A_128 = arith.constant 4 : i32
        %ge3A_129 = arith.cmpi sge, %add3A_127, %ge3A_128 : i32
        %convert_element_type3A_130 = arith.extui %ge3A_129 : i1 to i32
        %cond3A_131 = arith.constant 0 : i32
        %cond3A_132 = arith.cmpi ne, %convert_element_type3A_130, %cond3A_131 : i32
        scf.if %cond3A_132 {
          %dma_wait3A_202 = arith.constant 0 : i32
          %dma_wait3A_203 = arith.constant 0 : i32
          %dma_wait3A_204 = tpu.memref_slice %arg8[%dma_wait3A_202, %dma_wait3A_203] : memref<40x64xi32, #tpu.memory_space<vmem>> -> memref<1x64xi32, #tpu.memory_space<vmem>>
          %dma_wait3A_205 = tpu.memref_squeeze %dma_wait3A_204 : memref<1x64xi32, #tpu.memory_space<vmem>> -> memref<64xi32, #tpu.memory_space<vmem>>
          %dma_wait3A_206 = arith.constant 0 : i32
          %dma_wait3A_207 = arith.constant 0 : i32
          %dma_wait3A_208 = tpu.memref_slice %arg13[%dma_wait3A_206, %dma_wait3A_207] : memref<10240x128xf32, #tpu.memory_space<vmem_shared>> -> memref<10240x128xf32, #tpu.memory_space<vmem_shared>>
          tpu.wait_indirect_dma semaphore(%arg21 : memref<!tpu.dma_semaphore, #tpu.memory_space<semaphore_mem>>) src(%arg12 : memref<64x128xf32, #tpu.memory_space<vmem>>) dst(%dma_wait3A_208 : memref<10240x128xf32, #tpu.memory_space<vmem_shared>>)
        } else {
        }
        %add3A_133 = arith.constant 2 : i32
        %add3A_134 = arith.addi %add3A_112, %add3A_133 : i32
        %lt3A_135 = arith.constant 40 : i32
        %lt3A_136 = arith.cmpi slt, %add3A_134, %lt3A_135 : i32
        %convert_element_type3A_137 = arith.extui %lt3A_136 : i1 to i32
        %cond3A_138 = arith.constant 0 : i32
        %cond3A_139 = arith.cmpi ne, %convert_element_type3A_137, %cond3A_138 : i32
        scf.if %cond3A_139 {
          %add3A_202 = arith.constant 2 : i32
          %add3A_203 = arith.addi %add3A_112, %add3A_202 : i32
          %dma_start3A_204 = arith.constant 0 : i32
          %dma_start3A_205 = tpu.memref_slice %arg7[%add3A_203, %dma_start3A_204] : memref<40x64xi32, #tpu.memory_space<vmem>> -> memref<1x64xi32, #tpu.memory_space<vmem>>
          %dma_start3A_206 = tpu.memref_squeeze %dma_start3A_205 : memref<1x64xi32, #tpu.memory_space<vmem>> -> memref<64xi32, #tpu.memory_space<vmem>>
          %dma_start3A_207 = arith.constant 0 : i32
          %dma_start3A_208 = arith.constant 0 : i32
          %dma_start3A_209 = tpu.memref_slice %arg2[%dma_start3A_207, %dma_start3A_208] : memref<10240x128xf32, #tpu.memory_space<hbm>> -> memref<10240x128xf32, #tpu.memory_space<hbm>>
          tpu.enqueue_indirect_dma source(%dma_start3A_209 : memref<10240x128xf32, #tpu.memory_space<hbm>>) target(%arg12 : memref<64x128xf32, #tpu.memory_space<vmem>>) offsets(%dma_start3A_206 : memref<64xi32, #tpu.memory_space<vmem>>) semaphore(%arg17 : memref<!tpu.dma_semaphore, #tpu.memory_space<semaphore_mem>>)
        } else {
        }
        %mul3A_140 = arith.constant 4 : i32
        %mul3A_141 = arith.muli %scan3A_79, %mul3A_140 : i32
        %add3A_142 = arith.constant 2 : i32
        %add3A_143 = arith.addi %mul3A_141, %add3A_142 : i32
        %dma_wait3A_144 = arith.constant 0 : i32
        %dma_wait3A_145 = arith.constant 0 : i32
        %dma_wait3A_146 = tpu.memref_slice %arg7[%dma_wait3A_144, %dma_wait3A_145] : memref<40x64xi32, #tpu.memory_space<vmem>> -> memref<1x64xi32, #tpu.memory_space<vmem>>
        %dma_wait3A_147 = tpu.memref_squeeze %dma_wait3A_146 : memref<1x64xi32, #tpu.memory_space<vmem>> -> memref<64xi32, #tpu.memory_space<vmem>>
        %dma_wait3A_148 = arith.constant 0 : i32
        %dma_wait3A_149 = arith.constant 0 : i32
        %dma_wait3A_150 = tpu.memref_slice %arg2[%dma_wait3A_148, %dma_wait3A_149] : memref<10240x128xf32, #tpu.memory_space<hbm>> -> memref<10240x128xf32, #tpu.memory_space<hbm>>
        tpu.wait_indirect_dma semaphore(%arg16 : memref<!tpu.dma_semaphore, #tpu.memory_space<semaphore_mem>>) src(%dma_wait3A_150 : memref<10240x128xf32, #tpu.memory_space<hbm>>) dst(%arg11 : memref<64x128xf32, #tpu.memory_space<vmem>>)
        %dma_start3A_151 = arith.constant 0 : i32
        %dma_start3A_152 = tpu.memref_slice %arg8[%add3A_143, %dma_start3A_151] : memref<40x64xi32, #tpu.memory_space<vmem>> -> memref<1x64xi32, #tpu.memory_space<vmem>>
        %dma_start3A_153 = tpu.memref_squeeze %dma_start3A_152 : memref<1x64xi32, #tpu.memory_space<vmem>> -> memref<64xi32, #tpu.memory_space<vmem>>
        %dma_start3A_154 = arith.constant 0 : i32
        %dma_start3A_155 = arith.constant 0 : i32
        %dma_start3A_156 = tpu.memref_slice %arg13[%dma_start3A_154, %dma_start3A_155] : memref<10240x128xf32, #tpu.memory_space<vmem_shared>> -> memref<10240x128xf32, #tpu.memory_space<vmem_shared>>
        tpu.enqueue_indirect_dma source(%arg11 : memref<64x128xf32, #tpu.memory_space<vmem>>) target(%dma_start3A_156 : memref<10240x128xf32, #tpu.memory_space<vmem_shared>>) offsets(%dma_start3A_153 : memref<64xi32, #tpu.memory_space<vmem>>) semaphore(%arg20 : memref<!tpu.dma_semaphore, #tpu.memory_space<semaphore_mem>>) {add = true}
        %add3A_157 = arith.constant 2 : i32
        %add3A_158 = arith.addi %add3A_143, %add3A_157 : i32
        %ge3A_159 = arith.constant 4 : i32
        %ge3A_160 = arith.cmpi sge, %add3A_158, %ge3A_159 : i32
        %convert_element_type3A_161 = arith.extui %ge3A_160 : i1 to i32
        %cond3A_162 = arith.constant 0 : i32
        %cond3A_163 = arith.cmpi ne, %convert_element_type3A_161, %cond3A_162 : i32
        scf.if %cond3A_163 {
          %dma_wait3A_202 = arith.constant 0 : i32
          %dma_wait3A_203 = arith.constant 0 : i32
          %dma_wait3A_204 = tpu.memref_slice %arg8[%dma_wait3A_202, %dma_wait3A_203] : memref<40x64xi32, #tpu.memory_space<vmem>> -> memref<1x64xi32, #tpu.memory_space<vmem>>
          %dma_wait3A_205 = tpu.memref_squeeze %dma_wait3A_204 : memref<1x64xi32, #tpu.memory_space<vmem>> -> memref<64xi32, #tpu.memory_space<vmem>>
          %dma_wait3A_206 = arith.constant 0 : i32
          %dma_wait3A_207 = arith.constant 0 : i32
          %dma_wait3A_208 = tpu.memref_slice %arg13[%dma_wait3A_206, %dma_wait3A_207] : memref<10240x128xf32, #tpu.memory_space<vmem_shared>> -> memref<10240x128xf32, #tpu.memory_space<vmem_shared>>
          tpu.wait_indirect_dma semaphore(%arg18 : memref<!tpu.dma_semaphore, #tpu.memory_space<semaphore_mem>>) src(%arg9 : memref<64x128xf32, #tpu.memory_space<vmem>>) dst(%dma_wait3A_208 : memref<10240x128xf32, #tpu.memory_space<vmem_shared>>)
        } else {
        }
        %add3A_164 = arith.constant 2 : i32
        %add3A_165 = arith.addi %add3A_143, %add3A_164 : i32
        %lt3A_166 = arith.constant 40 : i32
        %lt3A_167 = arith.cmpi slt, %add3A_165, %lt3A_166 : i32
        %convert_element_type3A_168 = arith.extui %lt3A_167 : i1 to i32
        %cond3A_169 = arith.constant 0 : i32
        %cond3A_170 = arith.cmpi ne, %convert_element_type3A_168, %cond3A_169 : i32
        scf.if %cond3A_170 {
          %add3A_202 = arith.constant 2 : i32
          %add3A_203 = arith.addi %add3A_143, %add3A_202 : i32
          %dma_start3A_204 = arith.constant 0 : i32
          %dma_start3A_205 = tpu.memref_slice %arg7[%add3A_203, %dma_start3A_204] : memref<40x64xi32, #tpu.memory_space<vmem>> -> memref<1x64xi32, #tpu.memory_space<vmem>>
          %dma_start3A_206 = tpu.memref_squeeze %dma_start3A_205 : memref<1x64xi32, #tpu.memory_space<vmem>> -> memref<64xi32, #tpu.memory_space<vmem>>
          %dma_start3A_207 = arith.constant 0 : i32
          %dma_start3A_208 = arith.constant 0 : i32
          %dma_start3A_209 = tpu.memref_slice %arg2[%dma_start3A_207, %dma_start3A_208] : memref<10240x128xf32, #tpu.memory_space<hbm>> -> memref<10240x128xf32, #tpu.memory_space<hbm>>
          tpu.enqueue_indirect_dma source(%dma_start3A_209 : memref<10240x128xf32, #tpu.memory_space<hbm>>) target(%arg9 : memref<64x128xf32, #tpu.memory_space<vmem>>) offsets(%dma_start3A_206 : memref<64xi32, #tpu.memory_space<vmem>>) semaphore(%arg14 : memref<!tpu.dma_semaphore, #tpu.memory_space<semaphore_mem>>)
        } else {
        }
        %mul3A_171 = arith.constant 4 : i32
        %mul3A_172 = arith.muli %scan3A_79, %mul3A_171 : i32
        %add3A_173 = arith.constant 3 : i32
        %add3A_174 = arith.addi %mul3A_172, %add3A_173 : i32
        %dma_wait3A_175 = arith.constant 0 : i32
        %dma_wait3A_176 = arith.constant 0 : i32
        %dma_wait3A_177 = tpu.memref_slice %arg7[%dma_wait3A_175, %dma_wait3A_176] : memref<40x64xi32, #tpu.memory_space<vmem>> -> memref<1x64xi32, #tpu.memory_space<vmem>>
        %dma_wait3A_178 = tpu.memref_squeeze %dma_wait3A_177 : memref<1x64xi32, #tpu.memory_space<vmem>> -> memref<64xi32, #tpu.memory_space<vmem>>
        %dma_wait3A_179 = arith.constant 0 : i32
        %dma_wait3A_180 = arith.constant 0 : i32
        %dma_wait3A_181 = tpu.memref_slice %arg2[%dma_wait3A_179, %dma_wait3A_180] : memref<10240x128xf32, #tpu.memory_space<hbm>> -> memref<10240x128xf32, #tpu.memory_space<hbm>>
        tpu.wait_indirect_dma semaphore(%arg17 : memref<!tpu.dma_semaphore, #tpu.memory_space<semaphore_mem>>) src(%dma_wait3A_181 : memref<10240x128xf32, #tpu.memory_space<hbm>>) dst(%arg12 : memref<64x128xf32, #tpu.memory_space<vmem>>)
        %dma_start3A_182 = arith.constant 0 : i32
        %dma_start3A_183 = tpu.memref_slice %arg8[%add3A_174, %dma_start3A_182] : memref<40x64xi32, #tpu.memory_space<vmem>> -> memref<1x64xi32, #tpu.memory_space<vmem>>
        %dma_start3A_184 = tpu.memref_squeeze %dma_start3A_183 : memref<1x64xi32, #tpu.memory_space<vmem>> -> memref<64xi32, #tpu.memory_space<vmem>>
        %dma_start3A_185 = arith.constant 0 : i32
        %dma_start3A_186 = arith.constant 0 : i32
        %dma_start3A_187 = tpu.memref_slice %arg13[%dma_start3A_185, %dma_start3A_186] : memref<10240x128xf32, #tpu.memory_space<vmem_shared>> -> memref<10240x128xf32, #tpu.memory_space<vmem_shared>>
        tpu.enqueue_indirect_dma source(%arg12 : memref<64x128xf32, #tpu.memory_space<vmem>>) target(%dma_start3A_187 : memref<10240x128xf32, #tpu.memory_space<vmem_shared>>) offsets(%dma_start3A_184 : memref<64xi32, #tpu.memory_space<vmem>>) semaphore(%arg21 : memref<!tpu.dma_semaphore, #tpu.memory_space<semaphore_mem>>) {add = true}
        %add3A_188 = arith.constant 2 : i32
        %add3A_189 = arith.addi %add3A_174, %add3A_188 : i32
        %ge3A_190 = arith.constant 4 : i32
        %ge3A_191 = arith.cmpi sge, %add3A_189, %ge3A_190 : i32
        %convert_element_type3A_192 = arith.extui %ge3A_191 : i1 to i32
        %cond3A_193 = arith.constant 0 : i32
        %cond3A_194 = arith.cmpi ne, %convert_element_type3A_192, %cond3A_193 : i32
        scf.if %cond3A_194 {
          %dma_wait3A_202 = arith.constant 0 : i32
          %dma_wait3A_203 = arith.constant 0 : i32
          %dma_wait3A_204 = tpu.memref_slice %arg8[%dma_wait3A_202, %dma_wait3A_203] : memref<40x64xi32, #tpu.memory_space<vmem>> -> memref<1x64xi32, #tpu.memory_space<vmem>>
          %dma_wait3A_205 = tpu.memref_squeeze %dma_wait3A_204 : memref<1x64xi32, #tpu.memory_space<vmem>> -> memref<64xi32, #tpu.memory_space<vmem>>
          %dma_wait3A_206 = arith.constant 0 : i32
          %dma_wait3A_207 = arith.constant 0 : i32
          %dma_wait3A_208 = tpu.memref_slice %arg13[%dma_wait3A_206, %dma_wait3A_207] : memref<10240x128xf32, #tpu.memory_space<vmem_shared>> -> memref<10240x128xf32, #tpu.memory_space<vmem_shared>>
          tpu.wait_indirect_dma semaphore(%arg19 : memref<!tpu.dma_semaphore, #tpu.memory_space<semaphore_mem>>) src(%arg10 : memref<64x128xf32, #tpu.memory_space<vmem>>) dst(%dma_wait3A_208 : memref<10240x128xf32, #tpu.memory_space<vmem_shared>>)
        } else {
        }
        %add3A_195 = arith.constant 2 : i32
        %add3A_196 = arith.addi %add3A_174, %add3A_195 : i32
        %lt3A_197 = arith.constant 40 : i32
        %lt3A_198 = arith.cmpi slt, %add3A_196, %lt3A_197 : i32
        %convert_element_type3A_199 = arith.extui %lt3A_198 : i1 to i32
        %cond3A_200 = arith.constant 0 : i32
        %cond3A_201 = arith.cmpi ne, %convert_element_type3A_199, %cond3A_200 : i32
        scf.if %cond3A_201 {
          %add3A_202 = arith.constant 2 : i32
          %add3A_203 = arith.addi %add3A_174, %add3A_202 : i32
          %dma_start3A_204 = arith.constant 0 : i32
          %dma_start3A_205 = tpu.memref_slice %arg7[%add3A_203, %dma_start3A_204] : memref<40x64xi32, #tpu.memory_space<vmem>> -> memref<1x64xi32, #tpu.memory_space<vmem>>
          %dma_start3A_206 = tpu.memref_squeeze %dma_start3A_205 : memref<1x64xi32, #tpu.memory_space<vmem>> -> memref<64xi32, #tpu.memory_space<vmem>>
          %dma_start3A_207 = arith.constant 0 : i32
          %dma_start3A_208 = arith.constant 0 : i32
          %dma_start3A_209 = tpu.memref_slice %arg2[%dma_start3A_207, %dma_start3A_208] : memref<10240x128xf32, #tpu.memory_space<hbm>> -> memref<10240x128xf32, #tpu.memory_space<hbm>>
          tpu.enqueue_indirect_dma source(%dma_start3A_209 : memref<10240x128xf32, #tpu.memory_space<hbm>>) target(%arg10 : memref<64x128xf32, #tpu.memory_space<vmem>>) offsets(%dma_start3A_206 : memref<64xi32, #tpu.memory_space<vmem>>) semaphore(%arg15 : memref<!tpu.dma_semaphore, #tpu.memory_space<semaphore_mem>>)
        } else {
        }
      }
      %scan3A_65 = arith.constant 10 : i32
      %dma_wait3A = arith.constant 0 : i32
      %dma_wait3A_66 = arith.constant 0 : i32
      %dma_wait3A_67 = tpu.memref_slice %arg8[%dma_wait3A, %dma_wait3A_66] : memref<40x64xi32, #tpu.memory_space<vmem>> -> memref<1x64xi32, #tpu.memory_space<vmem>>
      %dma_wait3A_68 = tpu.memref_squeeze %dma_wait3A_67 : memref<1x64xi32, #tpu.memory_space<vmem>> -> memref<64xi32, #tpu.memory_space<vmem>>
      %dma_wait3A_69 = arith.constant 0 : i32
      %dma_wait3A_70 = arith.constant 0 : i32
      %dma_wait3A_71 = tpu.memref_slice %arg13[%dma_wait3A_69, %dma_wait3A_70] : memref<10240x128xf32, #tpu.memory_space<vmem_shared>> -> memref<10240x128xf32, #tpu.memory_space<vmem_shared>>
      tpu.wait_indirect_dma semaphore(%arg20 : memref<!tpu.dma_semaphore, #tpu.memory_space<semaphore_mem>>) src(%arg11 : memref<64x128xf32, #tpu.memory_space<vmem>>) dst(%dma_wait3A_71 : memref<10240x128xf32, #tpu.memory_space<vmem_shared>>)
      %dma_wait3A_72 = arith.constant 0 : i32
      %dma_wait3A_73 = arith.constant 0 : i32
      %dma_wait3A_74 = tpu.memref_slice %arg8[%dma_wait3A_72, %dma_wait3A_73] : memref<40x64xi32, #tpu.memory_space<vmem>> -> memref<1x64xi32, #tpu.memory_space<vmem>>
      %dma_wait3A_75 = tpu.memref_squeeze %dma_wait3A_74 : memref<1x64xi32, #tpu.memory_space<vmem>> -> memref<64xi32, #tpu.memory_space<vmem>>
      %dma_wait3A_76 = arith.constant 0 : i32
      %dma_wait3A_77 = arith.constant 0 : i32
      %dma_wait3A_78 = tpu.memref_slice %arg13[%dma_wait3A_76, %dma_wait3A_77] : memref<10240x128xf32, #tpu.memory_space<vmem_shared>> -> memref<10240x128xf32, #tpu.memory_space<vmem_shared>>
      tpu.wait_indirect_dma semaphore(%arg21 : memref<!tpu.dma_semaphore, #tpu.memory_space<semaphore_mem>>) src(%arg12 : memref<64x128xf32, #tpu.memory_space<vmem>>) dst(%dma_wait3A_78 : memref<10240x128xf32, #tpu.memory_space<vmem_shared>>)
    } else {
    }
    %gt3A_9 = arith.constant 40 : i32
    %gt3A_10 = arith.cmpi sgt, %select_n3A_2, %gt3A_9 : i32
    %convert_element_type3A_11 = arith.extui %gt3A_10 : i1 to i32
    %cond3A_12 = arith.constant 0 : i32
    %cond3A_13 = arith.cmpi ne, %convert_element_type3A_11, %cond3A_12 : i32
    scf.if %cond3A_13 {
      %add3A_44 = arith.constant 40 : i32
      %add3A_45 = arith.addi %add3A, %add3A_44 : i32
      "tpu.region"() ({
        %run_scoped3A = tpu.sem_alloc : memref<!tpu.dma_semaphore, #tpu.memory_space<semaphore_mem>>
        %dma_start3A_79 = arith.constant 0 : i32
        %dma_start3A_80 = tpu.memref_slice %arg3[%add3A_45, %dma_start3A_79] : memref<5120x64xi32, #tpu.memory_space<hbm>> -> memref<40x64xi32, #tpu.memory_space<hbm>>
        %dma_start3A_81 = arith.constant 0 : i32
        %dma_start3A_82 = tpu.memref_slice %arg3[%add3A_45, %dma_start3A_81] : memref<5120x64xi32, #tpu.memory_space<hbm>> -> memref<40x64xi32, #tpu.memory_space<hbm>>
        tpu.enqueue_dma source(%dma_start3A_82 : memref<40x64xi32, #tpu.memory_space<hbm>>) target(%arg7 : memref<40x64xi32, #tpu.memory_space<vmem>>) target_semaphore(%run_scoped3A : memref<!tpu.dma_semaphore, #tpu.memory_space<semaphore_mem>>)
        %dma_wait3A_83 = arith.constant 0 : i32
        %dma_wait3A_84 = tpu.memref_slice %arg3[%add3A_45, %dma_wait3A_83] : memref<5120x64xi32, #tpu.memory_space<hbm>> -> memref<40x64xi32, #tpu.memory_space<hbm>>
        %dma_wait3A_85 = arith.constant 0 : i32
        %dma_wait3A_86 = tpu.memref_slice %arg3[%add3A_45, %dma_wait3A_85] : memref<5120x64xi32, #tpu.memory_space<hbm>> -> memref<40x64xi32, #tpu.memory_space<hbm>>
        tpu.wait_dma2 semaphore(%run_scoped3A : memref<!tpu.dma_semaphore, #tpu.memory_space<semaphore_mem>>) src(%dma_wait3A_86 : memref<40x64xi32, #tpu.memory_space<hbm>>) dst(%arg7 : memref<40x64xi32, #tpu.memory_space<vmem>>)
        tpu.yield
      }) : () -> ()
      %add3A_46 = arith.constant 40 : i32
      %add3A_47 = arith.addi %add3A, %add3A_46 : i32
      "tpu.region"() ({
        %run_scoped3A = tpu.sem_alloc : memref<!tpu.dma_semaphore, #tpu.memory_space<semaphore_mem>>
        %dma_start3A_79 = arith.constant 0 : i32
        %dma_start3A_80 = tpu.memref_slice %arg4[%add3A_47, %dma_start3A_79] : memref<5120x64xi32, #tpu.memory_space<hbm>> -> memref<40x64xi32, #tpu.memory_space<hbm>>
        %dma_start3A_81 = arith.constant 0 : i32
        %dma_start3A_82 = tpu.memref_slice %arg4[%add3A_47, %dma_start3A_81] : memref<5120x64xi32, #tpu.memory_space<hbm>> -> memref<40x64xi32, #tpu.memory_space<hbm>>
        tpu.enqueue_dma source(%dma_start3A_82 : memref<40x64xi32, #tpu.memory_space<hbm>>) target(%arg8 : memref<40x64xi32, #tpu.memory_space<vmem>>) target_semaphore(%run_scoped3A : memref<!tpu.dma_semaphore, #tpu.memory_space<semaphore_mem>>)
        %dma_wait3A_83 = arith.constant 0 : i32
        %dma_wait3A_84 = tpu.memref_slice %arg4[%add3A_47, %dma_wait3A_83] : memref<5120x64xi32, #tpu.memory_space<hbm>> -> memref<40x64xi32, #tpu.memory_space<hbm>>
        %dma_wait3A_85 = arith.constant 0 : i32
        %dma_wait3A_86 = tpu.memref_slice %arg4[%add3A_47, %dma_wait3A_85] : memref<5120x64xi32, #tpu.memory_space<hbm>> -> memref<40x64xi32, #tpu.memory_space<hbm>>
        tpu.wait_dma2 semaphore(%run_scoped3A : memref<!tpu.dma_semaphore, #tpu.memory_space<semaphore_mem>>) src(%dma_wait3A_86 : memref<40x64xi32, #tpu.memory_space<hbm>>) dst(%arg8 : memref<40x64xi32, #tpu.memory_space<vmem>>)
        tpu.yield
      }) : () -> ()
      %dma_start3A = arith.constant 0 : i32
      %dma_start3A_48 = arith.constant 0 : i32
      %dma_start3A_49 = tpu.memref_slice %arg7[%dma_start3A, %dma_start3A_48] : memref<40x64xi32, #tpu.memory_space<vmem>> -> memref<1x64xi32, #tpu.memory_space<vmem>>
      %dma_start3A_50 = tpu.memref_squeeze %dma_start3A_49 : memref<1x64xi32, #tpu.memory_space<vmem>> -> memref<64xi32, #tpu.memory_space<vmem>>
      %dma_start3A_51 = arith.constant 0 : i32
      %dma_start3A_52 = arith.constant 0 : i32
      %dma_start3A_53 = tpu.memref_slice %arg2[%dma_start3A_51, %dma_start3A_52] : memref<10240x128xf32, #tpu.memory_space<hbm>> -> memref<10240x128xf32, #tpu.memory_space<hbm>>
      tpu.enqueue_indirect_dma source(%dma_start3A_53 : memref<10240x128xf32, #tpu.memory_space<hbm>>) target(%arg9 : memref<64x128xf32, #tpu.memory_space<vmem>>) offsets(%dma_start3A_50 : memref<64xi32, #tpu.memory_space<vmem>>) semaphore(%arg14 : memref<!tpu.dma_semaphore, #tpu.memory_space<semaphore_mem>>)
      %dma_start3A_54 = arith.constant 1 : i32
      %dma_start3A_55 = arith.constant 0 : i32
      %dma_start3A_56 = tpu.memref_slice %arg7[%dma_start3A_54, %dma_start3A_55] : memref<40x64xi32, #tpu.memory_space<vmem>> -> memref<1x64xi32, #tpu.memory_space<vmem>>
      %dma_start3A_57 = tpu.memref_squeeze %dma_start3A_56 : memref<1x64xi32, #tpu.memory_space<vmem>> -> memref<64xi32, #tpu.memory_space<vmem>>
      %dma_start3A_58 = arith.constant 0 : i32
      %dma_start3A_59 = arith.constant 0 : i32
      %dma_start3A_60 = tpu.memref_slice %arg2[%dma_start3A_58, %dma_start3A_59] : memref<10240x128xf32, #tpu.memory_space<hbm>> -> memref<10240x128xf32, #tpu.memory_space<hbm>>
      tpu.enqueue_indirect_dma source(%dma_start3A_60 : memref<10240x128xf32, #tpu.memory_space<hbm>>) target(%arg10 : memref<64x128xf32, #tpu.memory_space<vmem>>) offsets(%dma_start3A_57 : memref<64xi32, #tpu.memory_space<vmem>>) semaphore(%arg15 : memref<!tpu.dma_semaphore, #tpu.memory_space<semaphore_mem>>)
      %scan3A = arith.constant 0 : i32
      %scan3A_61 = arith.constant 0 : i32
      %scan3A_62 = arith.constant 10 : i32
      %scan3A_63 = arith.addi %scan3A_61, %scan3A_62 : i32
      %scan3A_64 = arith.constant 1 : i32
      scf.for %scan3A_79 = %scan3A_61 to %scan3A_63 step %scan3A_64  : i32 {
        %mul3A_80 = arith.constant 4 : i32
        %mul3A_81 = arith.muli %scan3A_79, %mul3A_80 : i32
        %add3A_82 = arith.constant 0 : i32
        %add3A_83 = arith.addi %mul3A_81, %add3A_82 : i32
        %dma_wait3A_84 = arith.constant 0 : i32
        %dma_wait3A_85 = arith.constant 0 : i32
        %dma_wait3A_86 = tpu.memref_slice %arg7[%dma_wait3A_84, %dma_wait3A_85] : memref<40x64xi32, #tpu.memory_space<vmem>> -> memref<1x64xi32, #tpu.memory_space<vmem>>
        %dma_wait3A_87 = tpu.memref_squeeze %dma_wait3A_86 : memref<1x64xi32, #tpu.memory_space<vmem>> -> memref<64xi32, #tpu.memory_space<vmem>>
        %dma_wait3A_88 = arith.constant 0 : i32
        %dma_wait3A_89 = arith.constant 0 : i32
        %dma_wait3A_90 = tpu.memref_slice %arg2[%dma_wait3A_88, %dma_wait3A_89] : memref<10240x128xf32, #tpu.memory_space<hbm>> -> memref<10240x128xf32, #tpu.memory_space<hbm>>
        tpu.wait_indirect_dma semaphore(%arg14 : memref<!tpu.dma_semaphore, #tpu.memory_space<semaphore_mem>>) src(%dma_wait3A_90 : memref<10240x128xf32, #tpu.memory_space<hbm>>) dst(%arg9 : memref<64x128xf32, #tpu.memory_space<vmem>>)
        %dma_start3A_91 = arith.constant 0 : i32
        %dma_start3A_92 = tpu.memref_slice %arg8[%add3A_83, %dma_start3A_91] : memref<40x64xi32, #tpu.memory_space<vmem>> -> memref<1x64xi32, #tpu.memory_space<vmem>>
        %dma_start3A_93 = tpu.memref_squeeze %dma_start3A_92 : memref<1x64xi32, #tpu.memory_space<vmem>> -> memref<64xi32, #tpu.memory_space<vmem>>
        %dma_start3A_94 = arith.constant 0 : i32
        %dma_start3A_95 = arith.constant 0 : i32
        %dma_start3A_96 = tpu.memref_slice %arg13[%dma_start3A_94, %dma_start3A_95] : memref<10240x128xf32, #tpu.memory_space<vmem_shared>> -> memref<10240x128xf32, #tpu.memory_space<vmem_shared>>
        tpu.enqueue_indirect_dma source(%arg9 : memref<64x128xf32, #tpu.memory_space<vmem>>) target(%dma_start3A_96 : memref<10240x128xf32, #tpu.memory_space<vmem_shared>>) offsets(%dma_start3A_93 : memref<64xi32, #tpu.memory_space<vmem>>) semaphore(%arg18 : memref<!tpu.dma_semaphore, #tpu.memory_space<semaphore_mem>>) {add = true}
        %add3A_97 = arith.constant 2 : i32
        %add3A_98 = arith.addi %add3A_83, %add3A_97 : i32
        %ge3A = arith.constant 4 : i32
        %ge3A_99 = arith.cmpi sge, %add3A_98, %ge3A : i32
        %convert_element_type3A_100 = arith.extui %ge3A_99 : i1 to i32
        %cond3A_101 = arith.constant 0 : i32
        %cond3A_102 = arith.cmpi ne, %convert_element_type3A_100, %cond3A_101 : i32
        scf.if %cond3A_102 {
          %dma_wait3A_202 = arith.constant 0 : i32
          %dma_wait3A_203 = arith.constant 0 : i32
          %dma_wait3A_204 = tpu.memref_slice %arg8[%dma_wait3A_202, %dma_wait3A_203] : memref<40x64xi32, #tpu.memory_space<vmem>> -> memref<1x64xi32, #tpu.memory_space<vmem>>
          %dma_wait3A_205 = tpu.memref_squeeze %dma_wait3A_204 : memref<1x64xi32, #tpu.memory_space<vmem>> -> memref<64xi32, #tpu.memory_space<vmem>>
          %dma_wait3A_206 = arith.constant 0 : i32
          %dma_wait3A_207 = arith.constant 0 : i32
          %dma_wait3A_208 = tpu.memref_slice %arg13[%dma_wait3A_206, %dma_wait3A_207] : memref<10240x128xf32, #tpu.memory_space<vmem_shared>> -> memref<10240x128xf32, #tpu.memory_space<vmem_shared>>
          tpu.wait_indirect_dma semaphore(%arg20 : memref<!tpu.dma_semaphore, #tpu.memory_space<semaphore_mem>>) src(%arg11 : memref<64x128xf32, #tpu.memory_space<vmem>>) dst(%dma_wait3A_208 : memref<10240x128xf32, #tpu.memory_space<vmem_shared>>)
        } else {
        }
        %add3A_103 = arith.constant 2 : i32
        %add3A_104 = arith.addi %add3A_83, %add3A_103 : i32
        %lt3A = arith.constant 40 : i32
        %lt3A_105 = arith.cmpi slt, %add3A_104, %lt3A : i32
        %convert_element_type3A_106 = arith.extui %lt3A_105 : i1 to i32
        %cond3A_107 = arith.constant 0 : i32
        %cond3A_108 = arith.cmpi ne, %convert_element_type3A_106, %cond3A_107 : i32
        scf.if %cond3A_108 {
          %add3A_202 = arith.constant 2 : i32
          %add3A_203 = arith.addi %add3A_83, %add3A_202 : i32
          %dma_start3A_204 = arith.constant 0 : i32
          %dma_start3A_205 = tpu.memref_slice %arg7[%add3A_203, %dma_start3A_204] : memref<40x64xi32, #tpu.memory_space<vmem>> -> memref<1x64xi32, #tpu.memory_space<vmem>>
          %dma_start3A_206 = tpu.memref_squeeze %dma_start3A_205 : memref<1x64xi32, #tpu.memory_space<vmem>> -> memref<64xi32, #tpu.memory_space<vmem>>
          %dma_start3A_207 = arith.constant 0 : i32
          %dma_start3A_208 = arith.constant 0 : i32
          %dma_start3A_209 = tpu.memref_slice %arg2[%dma_start3A_207, %dma_start3A_208] : memref<10240x128xf32, #tpu.memory_space<hbm>> -> memref<10240x128xf32, #tpu.memory_space<hbm>>
          tpu.enqueue_indirect_dma source(%dma_start3A_209 : memref<10240x128xf32, #tpu.memory_space<hbm>>) target(%arg11 : memref<64x128xf32, #tpu.memory_space<vmem>>) offsets(%dma_start3A_206 : memref<64xi32, #tpu.memory_space<vmem>>) semaphore(%arg16 : memref<!tpu.dma_semaphore, #tpu.memory_space<semaphore_mem>>)
        } else {
        }
        %mul3A_109 = arith.constant 4 : i32
        %mul3A_110 = arith.muli %scan3A_79, %mul3A_109 : i32
        %add3A_111 = arith.constant 1 : i32
        %add3A_112 = arith.addi %mul3A_110, %add3A_111 : i32
        %dma_wait3A_113 = arith.constant 0 : i32
        %dma_wait3A_114 = arith.constant 0 : i32
        %dma_wait3A_115 = tpu.memref_slice %arg7[%dma_wait3A_113, %dma_wait3A_114] : memref<40x64xi32, #tpu.memory_space<vmem>> -> memref<1x64xi32, #tpu.memory_space<vmem>>
        %dma_wait3A_116 = tpu.memref_squeeze %dma_wait3A_115 : memref<1x64xi32, #tpu.memory_space<vmem>> -> memref<64xi32, #tpu.memory_space<vmem>>
        %dma_wait3A_117 = arith.constant 0 : i32
        %dma_wait3A_118 = arith.constant 0 : i32
        %dma_wait3A_119 = tpu.memref_slice %arg2[%dma_wait3A_117, %dma_wait3A_118] : memref<10240x128xf32, #tpu.memory_space<hbm>> -> memref<10240x128xf32, #tpu.memory_space<hbm>>
        tpu.wait_indirect_dma semaphore(%arg15 : memref<!tpu.dma_semaphore, #tpu.memory_space<semaphore_mem>>) src(%dma_wait3A_119 : memref<10240x128xf32, #tpu.memory_space<hbm>>) dst(%arg10 : memref<64x128xf32, #tpu.memory_space<vmem>>)
        %dma_start3A_120 = arith.constant 0 : i32
        %dma_start3A_121 = tpu.memref_slice %arg8[%add3A_112, %dma_start3A_120] : memref<40x64xi32, #tpu.memory_space<vmem>> -> memref<1x64xi32, #tpu.memory_space<vmem>>
        %dma_start3A_122 = tpu.memref_squeeze %dma_start3A_121 : memref<1x64xi32, #tpu.memory_space<vmem>> -> memref<64xi32, #tpu.memory_space<vmem>>
        %dma_start3A_123 = arith.constant 0 : i32
        %dma_start3A_124 = arith.constant 0 : i32
        %dma_start3A_125 = tpu.memref_slice %arg13[%dma_start3A_123, %dma_start3A_124] : memref<10240x128xf32, #tpu.memory_space<vmem_shared>> -> memref<10240x128xf32, #tpu.memory_space<vmem_shared>>
        tpu.enqueue_indirect_dma source(%arg10 : memref<64x128xf32, #tpu.memory_space<vmem>>) target(%dma_start3A_125 : memref<10240x128xf32, #tpu.memory_space<vmem_shared>>) offsets(%dma_start3A_122 : memref<64xi32, #tpu.memory_space<vmem>>) semaphore(%arg19 : memref<!tpu.dma_semaphore, #tpu.memory_space<semaphore_mem>>) {add = true}
        %add3A_126 = arith.constant 2 : i32
        %add3A_127 = arith.addi %add3A_112, %add3A_126 : i32
        %ge3A_128 = arith.constant 4 : i32
        %ge3A_129 = arith.cmpi sge, %add3A_127, %ge3A_128 : i32
        %convert_element_type3A_130 = arith.extui %ge3A_129 : i1 to i32
        %cond3A_131 = arith.constant 0 : i32
        %cond3A_132 = arith.cmpi ne, %convert_element_type3A_130, %cond3A_131 : i32
        scf.if %cond3A_132 {
          %dma_wait3A_202 = arith.constant 0 : i32
          %dma_wait3A_203 = arith.constant 0 : i32
          %dma_wait3A_204 = tpu.memref_slice %arg8[%dma_wait3A_202, %dma_wait3A_203] : memref<40x64xi32, #tpu.memory_space<vmem>> -> memref<1x64xi32, #tpu.memory_space<vmem>>
          %dma_wait3A_205 = tpu.memref_squeeze %dma_wait3A_204 : memref<1x64xi32, #tpu.memory_space<vmem>> -> memref<64xi32, #tpu.memory_space<vmem>>
          %dma_wait3A_206 = arith.constant 0 : i32
          %dma_wait3A_207 = arith.constant 0 : i32
          %dma_wait3A_208 = tpu.memref_slice %arg13[%dma_wait3A_206, %dma_wait3A_207] : memref<10240x128xf32, #tpu.memory_space<vmem_shared>> -> memref<10240x128xf32, #tpu.memory_space<vmem_shared>>
          tpu.wait_indirect_dma semaphore(%arg21 : memref<!tpu.dma_semaphore, #tpu.memory_space<semaphore_mem>>) src(%arg12 : memref<64x128xf32, #tpu.memory_space<vmem>>) dst(%dma_wait3A_208 : memref<10240x128xf32, #tpu.memory_space<vmem_shared>>)
        } else {
        }
        %add3A_133 = arith.constant 2 : i32
        %add3A_134 = arith.addi %add3A_112, %add3A_133 : i32
        %lt3A_135 = arith.constant 40 : i32
        %lt3A_136 = arith.cmpi slt, %add3A_134, %lt3A_135 : i32
        %convert_element_type3A_137 = arith.extui %lt3A_136 : i1 to i32
        %cond3A_138 = arith.constant 0 : i32
        %cond3A_139 = arith.cmpi ne, %convert_element_type3A_137, %cond3A_138 : i32
        scf.if %cond3A_139 {
          %add3A_202 = arith.constant 2 : i32
          %add3A_203 = arith.addi %add3A_112, %add3A_202 : i32
          %dma_start3A_204 = arith.constant 0 : i32
          %dma_start3A_205 = tpu.memref_slice %arg7[%add3A_203, %dma_start3A_204] : memref<40x64xi32, #tpu.memory_space<vmem>> -> memref<1x64xi32, #tpu.memory_space<vmem>>
          %dma_start3A_206 = tpu.memref_squeeze %dma_start3A_205 : memref<1x64xi32, #tpu.memory_space<vmem>> -> memref<64xi32, #tpu.memory_space<vmem>>
          %dma_start3A_207 = arith.constant 0 : i32
          %dma_start3A_208 = arith.constant 0 : i32
          %dma_start3A_209 = tpu.memref_slice %arg2[%dma_start3A_207, %dma_start3A_208] : memref<10240x128xf32, #tpu.memory_space<hbm>> -> memref<10240x128xf32, #tpu.memory_space<hbm>>
          tpu.enqueue_indirect_dma source(%dma_start3A_209 : memref<10240x128xf32, #tpu.memory_space<hbm>>) target(%arg12 : memref<64x128xf32, #tpu.memory_space<vmem>>) offsets(%dma_start3A_206 : memref<64xi32, #tpu.memory_space<vmem>>) semaphore(%arg17 : memref<!tpu.dma_semaphore, #tpu.memory_space<semaphore_mem>>)
        } else {
        }
        %mul3A_140 = arith.constant 4 : i32
        %mul3A_141 = arith.muli %scan3A_79, %mul3A_140 : i32
        %add3A_142 = arith.constant 2 : i32
        %add3A_143 = arith.addi %mul3A_141, %add3A_142 : i32
        %dma_wait3A_144 = arith.constant 0 : i32
        %dma_wait3A_145 = arith.constant 0 : i32
        %dma_wait3A_146 = tpu.memref_slice %arg7[%dma_wait3A_144, %dma_wait3A_145] : memref<40x64xi32, #tpu.memory_space<vmem>> -> memref<1x64xi32, #tpu.memory_space<vmem>>
        %dma_wait3A_147 = tpu.memref_squeeze %dma_wait3A_146 : memref<1x64xi32, #tpu.memory_space<vmem>> -> memref<64xi32, #tpu.memory_space<vmem>>
        %dma_wait3A_148 = arith.constant 0 : i32
        %dma_wait3A_149 = arith.constant 0 : i32
        %dma_wait3A_150 = tpu.memref_slice %arg2[%dma_wait3A_148, %dma_wait3A_149] : memref<10240x128xf32, #tpu.memory_space<hbm>> -> memref<10240x128xf32, #tpu.memory_space<hbm>>
        tpu.wait_indirect_dma semaphore(%arg16 : memref<!tpu.dma_semaphore, #tpu.memory_space<semaphore_mem>>) src(%dma_wait3A_150 : memref<10240x128xf32, #tpu.memory_space<hbm>>) dst(%arg11 : memref<64x128xf32, #tpu.memory_space<vmem>>)
        %dma_start3A_151 = arith.constant 0 : i32
        %dma_start3A_152 = tpu.memref_slice %arg8[%add3A_143, %dma_start3A_151] : memref<40x64xi32, #tpu.memory_space<vmem>> -> memref<1x64xi32, #tpu.memory_space<vmem>>
        %dma_start3A_153 = tpu.memref_squeeze %dma_start3A_152 : memref<1x64xi32, #tpu.memory_space<vmem>> -> memref<64xi32, #tpu.memory_space<vmem>>
        %dma_start3A_154 = arith.constant 0 : i32
        %dma_start3A_155 = arith.constant 0 : i32
        %dma_start3A_156 = tpu.memref_slice %arg13[%dma_start3A_154, %dma_start3A_155] : memref<10240x128xf32, #tpu.memory_space<vmem_shared>> -> memref<10240x128xf32, #tpu.memory_space<vmem_shared>>
        tpu.enqueue_indirect_dma source(%arg11 : memref<64x128xf32, #tpu.memory_space<vmem>>) target(%dma_start3A_156 : memref<10240x128xf32, #tpu.memory_space<vmem_shared>>) offsets(%dma_start3A_153 : memref<64xi32, #tpu.memory_space<vmem>>) semaphore(%arg20 : memref<!tpu.dma_semaphore, #tpu.memory_space<semaphore_mem>>) {add = true}
        %add3A_157 = arith.constant 2 : i32
        %add3A_158 = arith.addi %add3A_143, %add3A_157 : i32
        %ge3A_159 = arith.constant 4 : i32
        %ge3A_160 = arith.cmpi sge, %add3A_158, %ge3A_159 : i32
        %convert_element_type3A_161 = arith.extui %ge3A_160 : i1 to i32
        %cond3A_162 = arith.constant 0 : i32
        %cond3A_163 = arith.cmpi ne, %convert_element_type3A_161, %cond3A_162 : i32
        scf.if %cond3A_163 {
          %dma_wait3A_202 = arith.constant 0 : i32
          %dma_wait3A_203 = arith.constant 0 : i32
          %dma_wait3A_204 = tpu.memref_slice %arg8[%dma_wait3A_202, %dma_wait3A_203] : memref<40x64xi32, #tpu.memory_space<vmem>> -> memref<1x64xi32, #tpu.memory_space<vmem>>
          %dma_wait3A_205 = tpu.memref_squeeze %dma_wait3A_204 : memref<1x64xi32, #tpu.memory_space<vmem>> -> memref<64xi32, #tpu.memory_space<vmem>>
          %dma_wait3A_206 = arith.constant 0 : i32
          %dma_wait3A_207 = arith.constant 0 : i32
          %dma_wait3A_208 = tpu.memref_slice %arg13[%dma_wait3A_206, %dma_wait3A_207] : memref<10240x128xf32, #tpu.memory_space<vmem_shared>> -> memref<10240x128xf32, #tpu.memory_space<vmem_shared>>
          tpu.wait_indirect_dma semaphore(%arg18 : memref<!tpu.dma_semaphore, #tpu.memory_space<semaphore_mem>>) src(%arg9 : memref<64x128xf32, #tpu.memory_space<vmem>>) dst(%dma_wait3A_208 : memref<10240x128xf32, #tpu.memory_space<vmem_shared>>)
        } else {
        }
        %add3A_164 = arith.constant 2 : i32
        %add3A_165 = arith.addi %add3A_143, %add3A_164 : i32
        %lt3A_166 = arith.constant 40 : i32
        %lt3A_167 = arith.cmpi slt, %add3A_165, %lt3A_166 : i32
        %convert_element_type3A_168 = arith.extui %lt3A_167 : i1 to i32
        %cond3A_169 = arith.constant 0 : i32
        %cond3A_170 = arith.cmpi ne, %convert_element_type3A_168, %cond3A_169 : i32
        scf.if %cond3A_170 {
          %add3A_202 = arith.constant 2 : i32
          %add3A_203 = arith.addi %add3A_143, %add3A_202 : i32
          %dma_start3A_204 = arith.constant 0 : i32
          %dma_start3A_205 = tpu.memref_slice %arg7[%add3A_203, %dma_start3A_204] : memref<40x64xi32, #tpu.memory_space<vmem>> -> memref<1x64xi32, #tpu.memory_space<vmem>>
          %dma_start3A_206 = tpu.memref_squeeze %dma_start3A_205 : memref<1x64xi32, #tpu.memory_space<vmem>> -> memref<64xi32, #tpu.memory_space<vmem>>
          %dma_start3A_207 = arith.constant 0 : i32
          %dma_start3A_208 = arith.constant 0 : i32
          %dma_start3A_209 = tpu.memref_slice %arg2[%dma_start3A_207, %dma_start3A_208] : memref<10240x128xf32, #tpu.memory_space<hbm>> -> memref<10240x128xf32, #tpu.memory_space<hbm>>
          tpu.enqueue_indirect_dma source(%dma_start3A_209 : memref<10240x128xf32, #tpu.memory_space<hbm>>) target(%arg9 : memref<64x128xf32, #tpu.memory_space<vmem>>) offsets(%dma_start3A_206 : memref<64xi32, #tpu.memory_space<vmem>>) semaphore(%arg14 : memref<!tpu.dma_semaphore, #tpu.memory_space<semaphore_mem>>)
        } else {
        }
        %mul3A_171 = arith.constant 4 : i32
        %mul3A_172 = arith.muli %scan3A_79, %mul3A_171 : i32
        %add3A_173 = arith.constant 3 : i32
        %add3A_174 = arith.addi %mul3A_172, %add3A_173 : i32
        %dma_wait3A_175 = arith.constant 0 : i32
        %dma_wait3A_176 = arith.constant 0 : i32
        %dma_wait3A_177 = tpu.memref_slice %arg7[%dma_wait3A_175, %dma_wait3A_176] : memref<40x64xi32, #tpu.memory_space<vmem>> -> memref<1x64xi32, #tpu.memory_space<vmem>>
        %dma_wait3A_178 = tpu.memref_squeeze %dma_wait3A_177 : memref<1x64xi32, #tpu.memory_space<vmem>> -> memref<64xi32, #tpu.memory_space<vmem>>
        %dma_wait3A_179 = arith.constant 0 : i32
        %dma_wait3A_180 = arith.constant 0 : i32
        %dma_wait3A_181 = tpu.memref_slice %arg2[%dma_wait3A_179, %dma_wait3A_180] : memref<10240x128xf32, #tpu.memory_space<hbm>> -> memref<10240x128xf32, #tpu.memory_space<hbm>>
        tpu.wait_indirect_dma semaphore(%arg17 : memref<!tpu.dma_semaphore, #tpu.memory_space<semaphore_mem>>) src(%dma_wait3A_181 : memref<10240x128xf32, #tpu.memory_space<hbm>>) dst(%arg12 : memref<64x128xf32, #tpu.memory_space<vmem>>)
        %dma_start3A_182 = arith.constant 0 : i32
        %dma_start3A_183 = tpu.memref_slice %arg8[%add3A_174, %dma_start3A_182] : memref<40x64xi32, #tpu.memory_space<vmem>> -> memref<1x64xi32, #tpu.memory_space<vmem>>
        %dma_start3A_184 = tpu.memref_squeeze %dma_start3A_183 : memref<1x64xi32, #tpu.memory_space<vmem>> -> memref<64xi32, #tpu.memory_space<vmem>>
        %dma_start3A_185 = arith.constant 0 : i32
        %dma_start3A_186 = arith.constant 0 : i32
        %dma_start3A_187 = tpu.memref_slice %arg13[%dma_start3A_185, %dma_start3A_186] : memref<10240x128xf32, #tpu.memory_space<vmem_shared>> -> memref<10240x128xf32, #tpu.memory_space<vmem_shared>>
        tpu.enqueue_indirect_dma source(%arg12 : memref<64x128xf32, #tpu.memory_space<vmem>>) target(%dma_start3A_187 : memref<10240x128xf32, #tpu.memory_space<vmem_shared>>) offsets(%dma_start3A_184 : memref<64xi32, #tpu.memory_space<vmem>>) semaphore(%arg21 : memref<!tpu.dma_semaphore, #tpu.memory_space<semaphore_mem>>) {add = true}
        %add3A_188 = arith.constant 2 : i32
        %add3A_189 = arith.addi %add3A_174, %add3A_188 : i32
        %ge3A_190 = arith.constant 4 : i32
        %ge3A_191 = arith.cmpi sge, %add3A_189, %ge3A_190 : i32
        %convert_element_type3A_192 = arith.extui %ge3A_191 : i1 to i32
        %cond3A_193 = arith.constant 0 : i32
        %cond3A_194 = arith.cmpi ne, %convert_element_type3A_192, %cond3A_193 : i32
        scf.if %cond3A_194 {
          %dma_wait3A_202 = arith.constant 0 : i32
          %dma_wait3A_203 = arith.constant 0 : i32
          %dma_wait3A_204 = tpu.memref_slice %arg8[%dma_wait3A_202, %dma_wait3A_203] : memref<40x64xi32, #tpu.memory_space<vmem>> -> memref<1x64xi32, #tpu.memory_space<vmem>>
          %dma_wait3A_205 = tpu.memref_squeeze %dma_wait3A_204 : memref<1x64xi32, #tpu.memory_space<vmem>> -> memref<64xi32, #tpu.memory_space<vmem>>
          %dma_wait3A_206 = arith.constant 0 : i32
          %dma_wait3A_207 = arith.constant 0 : i32
          %dma_wait3A_208 = tpu.memref_slice %arg13[%dma_wait3A_206, %dma_wait3A_207] : memref<10240x128xf32, #tpu.memory_space<vmem_shared>> -> memref<10240x128xf32, #tpu.memory_space<vmem_shared>>
          tpu.wait_indirect_dma semaphore(%arg19 : memref<!tpu.dma_semaphore, #tpu.memory_space<semaphore_mem>>) src(%arg10 : memref<64x128xf32, #tpu.memory_space<vmem>>) dst(%dma_wait3A_208 : memref<10240x128xf32, #tpu.memory_space<vmem_shared>>)
        } else {
        }
        %add3A_195 = arith.constant 2 : i32
        %add3A_196 = arith.addi %add3A_174, %add3A_195 : i32
        %lt3A_197 = arith.constant 40 : i32
        %lt3A_198 = arith.cmpi slt, %add3A_196, %lt3A_197 : i32
        %convert_element_type3A_199 = arith.extui %lt3A_198 : i1 to i32
        %cond3A_200 = arith.constant 0 : i32
        %cond3A_201 = arith.cmpi ne, %convert_element_type3A_199, %cond3A_200 : i32
        scf.if %cond3A_201 {
          %add3A_202 = arith.constant 2 : i32
          %add3A_203 = arith.addi %add3A_174, %add3A_202 : i32
          %dma_start3A_204 = arith.constant 0 : i32
          %dma_start3A_205 = tpu.memref_slice %arg7[%add3A_203, %dma_start3A_204] : memref<40x64xi32, #tpu.memory_space<vmem>> -> memref<1x64xi32, #tpu.memory_space<vmem>>
          %dma_start3A_206 = tpu.memref_squeeze %dma_start3A_205 : memref<1x64xi32, #tpu.memory_space<vmem>> -> memref<64xi32, #tpu.memory_space<vmem>>
          %dma_start3A_207 = arith.constant 0 : i32
          %dma_start3A_208 = arith.constant 0 : i32
          %dma_start3A_209 = tpu.memref_slice %arg2[%dma_start3A_207, %dma_start3A_208] : memref<10240x128xf32, #tpu.memory_space<hbm>> -> memref<10240x128xf32, #tpu.memory_space<hbm>>
          tpu.enqueue_indirect_dma source(%dma_start3A_209 : memref<10240x128xf32, #tpu.memory_space<hbm>>) target(%arg10 : memref<64x128xf32, #tpu.memory_space<vmem>>) offsets(%dma_start3A_206 : memref<64xi32, #tpu.memory_space<vmem>>) semaphore(%arg15 : memref<!tpu.dma_semaphore, #tpu.memory_space<semaphore_mem>>)
        } else {
        }
      }
      %scan3A_65 = arith.constant 10 : i32
      %dma_wait3A = arith.constant 0 : i32
      %dma_wait3A_66 = arith.constant 0 : i32
      %dma_wait3A_67 = tpu.memref_slice %arg8[%dma_wait3A, %dma_wait3A_66] : memref<40x64xi32, #tpu.memory_space<vmem>> -> memref<1x64xi32, #tpu.memory_space<vmem>>
      %dma_wait3A_68 = tpu.memref_squeeze %dma_wait3A_67 : memref<1x64xi32, #tpu.memory_space<vmem>> -> memref<64xi32, #tpu.memory_space<vmem>>
      %dma_wait3A_69 = arith.constant 0 : i32
      %dma_wait3A_70 = arith.constant 0 : i32
      %dma_wait3A_71 = tpu.memref_slice %arg13[%dma_wait3A_69, %dma_wait3A_70] : memref<10240x128xf32, #tpu.memory_space<vmem_shared>> -> memref<10240x128xf32, #tpu.memory_space<vmem_shared>>
      tpu.wait_indirect_dma semaphore(%arg20 : memref<!tpu.dma_semaphore, #tpu.memory_space<semaphore_mem>>) src(%arg11 : memref<64x128xf32, #tpu.memory_space<vmem>>) dst(%dma_wait3A_71 : memref<10240x128xf32, #tpu.memory_space<vmem_shared>>)
      %dma_wait3A_72 = arith.constant 0 : i32
      %dma_wait3A_73 = arith.constant 0 : i32
      %dma_wait3A_74 = tpu.memref_slice %arg8[%dma_wait3A_72, %dma_wait3A_73] : memref<40x64xi32, #tpu.memory_space<vmem>> -> memref<1x64xi32, #tpu.memory_space<vmem>>
      %dma_wait3A_75 = tpu.memref_squeeze %dma_wait3A_74 : memref<1x64xi32, #tpu.memory_space<vmem>> -> memref<64xi32, #tpu.memory_space<vmem>>
      %dma_wait3A_76 = arith.constant 0 : i32
      %dma_wait3A_77 = arith.constant 0 : i32
      %dma_wait3A_78 = tpu.memref_slice %arg13[%dma_wait3A_76, %dma_wait3A_77] : memref<10240x128xf32, #tpu.memory_space<vmem_shared>> -> memref<10240x128xf32, #tpu.memory_space<vmem_shared>>
      tpu.wait_indirect_dma semaphore(%arg21 : memref<!tpu.dma_semaphore, #tpu.memory_space<semaphore_mem>>) src(%arg12 : memref<64x128xf32, #tpu.memory_space<vmem>>) dst(%dma_wait3A_78 : memref<10240x128xf32, #tpu.memory_space<vmem_shared>>)
    } else {
    }
    %gt3A_14 = arith.constant 80 : i32
    %gt3A_15 = arith.cmpi sgt, %select_n3A_2, %gt3A_14 : i32
    %convert_element_type3A_16 = arith.extui %gt3A_15 : i1 to i32
    %cond3A_17 = arith.constant 0 : i32
    %cond3A_18 = arith.cmpi ne, %convert_element_type3A_16, %cond3A_17 : i32
    scf.if %cond3A_18 {
      %add3A_44 = arith.constant 80 : i32
      %add3A_45 = arith.addi %add3A, %add3A_44 : i32
      "tpu.region"() ({
        %run_scoped3A = tpu.sem_alloc : memref<!tpu.dma_semaphore, #tpu.memory_space<semaphore_mem>>
        %dma_start3A_79 = arith.constant 0 : i32
        %dma_start3A_80 = tpu.memref_slice %arg3[%add3A_45, %dma_start3A_79] : memref<5120x64xi32, #tpu.memory_space<hbm>> -> memref<40x64xi32, #tpu.memory_space<hbm>>
        %dma_start3A_81 = arith.constant 0 : i32
        %dma_start3A_82 = tpu.memref_slice %arg3[%add3A_45, %dma_start3A_81] : memref<5120x64xi32, #tpu.memory_space<hbm>> -> memref<40x64xi32, #tpu.memory_space<hbm>>
        tpu.enqueue_dma source(%dma_start3A_82 : memref<40x64xi32, #tpu.memory_space<hbm>>) target(%arg7 : memref<40x64xi32, #tpu.memory_space<vmem>>) target_semaphore(%run_scoped3A : memref<!tpu.dma_semaphore, #tpu.memory_space<semaphore_mem>>)
        %dma_wait3A_83 = arith.constant 0 : i32
        %dma_wait3A_84 = tpu.memref_slice %arg3[%add3A_45, %dma_wait3A_83] : memref<5120x64xi32, #tpu.memory_space<hbm>> -> memref<40x64xi32, #tpu.memory_space<hbm>>
        %dma_wait3A_85 = arith.constant 0 : i32
        %dma_wait3A_86 = tpu.memref_slice %arg3[%add3A_45, %dma_wait3A_85] : memref<5120x64xi32, #tpu.memory_space<hbm>> -> memref<40x64xi32, #tpu.memory_space<hbm>>
        tpu.wait_dma2 semaphore(%run_scoped3A : memref<!tpu.dma_semaphore, #tpu.memory_space<semaphore_mem>>) src(%dma_wait3A_86 : memref<40x64xi32, #tpu.memory_space<hbm>>) dst(%arg7 : memref<40x64xi32, #tpu.memory_space<vmem>>)
        tpu.yield
      }) : () -> ()
      %add3A_46 = arith.constant 80 : i32
      %add3A_47 = arith.addi %add3A, %add3A_46 : i32
      "tpu.region"() ({
        %run_scoped3A = tpu.sem_alloc : memref<!tpu.dma_semaphore, #tpu.memory_space<semaphore_mem>>
        %dma_start3A_79 = arith.constant 0 : i32
        %dma_start3A_80 = tpu.memref_slice %arg4[%add3A_47, %dma_start3A_79] : memref<5120x64xi32, #tpu.memory_space<hbm>> -> memref<40x64xi32, #tpu.memory_space<hbm>>
        %dma_start3A_81 = arith.constant 0 : i32
        %dma_start3A_82 = tpu.memref_slice %arg4[%add3A_47, %dma_start3A_81] : memref<5120x64xi32, #tpu.memory_space<hbm>> -> memref<40x64xi32, #tpu.memory_space<hbm>>
        tpu.enqueue_dma source(%dma_start3A_82 : memref<40x64xi32, #tpu.memory_space<hbm>>) target(%arg8 : memref<40x64xi32, #tpu.memory_space<vmem>>) target_semaphore(%run_scoped3A : memref<!tpu.dma_semaphore, #tpu.memory_space<semaphore_mem>>)
        %dma_wait3A_83 = arith.constant 0 : i32
        %dma_wait3A_84 = tpu.memref_slice %arg4[%add3A_47, %dma_wait3A_83] : memref<5120x64xi32, #tpu.memory_space<hbm>> -> memref<40x64xi32, #tpu.memory_space<hbm>>
        %dma_wait3A_85 = arith.constant 0 : i32
        %dma_wait3A_86 = tpu.memref_slice %arg4[%add3A_47, %dma_wait3A_85] : memref<5120x64xi32, #tpu.memory_space<hbm>> -> memref<40x64xi32, #tpu.memory_space<hbm>>
        tpu.wait_dma2 semaphore(%run_scoped3A : memref<!tpu.dma_semaphore, #tpu.memory_space<semaphore_mem>>) src(%dma_wait3A_86 : memref<40x64xi32, #tpu.memory_space<hbm>>) dst(%arg8 : memref<40x64xi32, #tpu.memory_space<vmem>>)
        tpu.yield
      }) : () -> ()
      %dma_start3A = arith.constant 0 : i32
      %dma_start3A_48 = arith.constant 0 : i32
      %dma_start3A_49 = tpu.memref_slice %arg7[%dma_start3A, %dma_start3A_48] : memref<40x64xi32, #tpu.memory_space<vmem>> -> memref<1x64xi32, #tpu.memory_space<vmem>>
      %dma_start3A_50 = tpu.memref_squeeze %dma_start3A_49 : memref<1x64xi32, #tpu.memory_space<vmem>> -> memref<64xi32, #tpu.memory_space<vmem>>
      %dma_start3A_51 = arith.constant 0 : i32
      %dma_start3A_52 = arith.constant 0 : i32
      %dma_start3A_53 = tpu.memref_slice %arg2[%dma_start3A_51, %dma_start3A_52] : memref<10240x128xf32, #tpu.memory_space<hbm>> -> memref<10240x128xf32, #tpu.memory_space<hbm>>
      tpu.enqueue_indirect_dma source(%dma_start3A_53 : memref<10240x128xf32, #tpu.memory_space<hbm>>) target(%arg9 : memref<64x128xf32, #tpu.memory_space<vmem>>) offsets(%dma_start3A_50 : memref<64xi32, #tpu.memory_space<vmem>>) semaphore(%arg14 : memref<!tpu.dma_semaphore, #tpu.memory_space<semaphore_mem>>)
      %dma_start3A_54 = arith.constant 1 : i32
      %dma_start3A_55 = arith.constant 0 : i32
      %dma_start3A_56 = tpu.memref_slice %arg7[%dma_start3A_54, %dma_start3A_55] : memref<40x64xi32, #tpu.memory_space<vmem>> -> memref<1x64xi32, #tpu.memory_space<vmem>>
      %dma_start3A_57 = tpu.memref_squeeze %dma_start3A_56 : memref<1x64xi32, #tpu.memory_space<vmem>> -> memref<64xi32, #tpu.memory_space<vmem>>
      %dma_start3A_58 = arith.constant 0 : i32
      %dma_start3A_59 = arith.constant 0 : i32
      %dma_start3A_60 = tpu.memref_slice %arg2[%dma_start3A_58, %dma_start3A_59] : memref<10240x128xf32, #tpu.memory_space<hbm>> -> memref<10240x128xf32, #tpu.memory_space<hbm>>
      tpu.enqueue_indirect_dma source(%dma_start3A_60 : memref<10240x128xf32, #tpu.memory_space<hbm>>) target(%arg10 : memref<64x128xf32, #tpu.memory_space<vmem>>) offsets(%dma_start3A_57 : memref<64xi32, #tpu.memory_space<vmem>>) semaphore(%arg15 : memref<!tpu.dma_semaphore, #tpu.memory_space<semaphore_mem>>)
      %scan3A = arith.constant 0 : i32
      %scan3A_61 = arith.constant 0 : i32
      %scan3A_62 = arith.constant 10 : i32
      %scan3A_63 = arith.addi %scan3A_61, %scan3A_62 : i32
      %scan3A_64 = arith.constant 1 : i32
      scf.for %scan3A_79 = %scan3A_61 to %scan3A_63 step %scan3A_64  : i32 {
        %mul3A_80 = arith.constant 4 : i32
        %mul3A_81 = arith.muli %scan3A_79, %mul3A_80 : i32
        %add3A_82 = arith.constant 0 : i32
        %add3A_83 = arith.addi %mul3A_81, %add3A_82 : i32
        %dma_wait3A_84 = arith.constant 0 : i32
        %dma_wait3A_85 = arith.constant 0 : i32
        %dma_wait3A_86 = tpu.memref_slice %arg7[%dma_wait3A_84, %dma_wait3A_85] : memref<40x64xi32, #tpu.memory_space<vmem>> -> memref<1x64xi32, #tpu.memory_space<vmem>>
        %dma_wait3A_87 = tpu.memref_squeeze %dma_wait3A_86 : memref<1x64xi32, #tpu.memory_space<vmem>> -> memref<64xi32, #tpu.memory_space<vmem>>
        %dma_wait3A_88 = arith.constant 0 : i32
        %dma_wait3A_89 = arith.constant 0 : i32
        %dma_wait3A_90 = tpu.memref_slice %arg2[%dma_wait3A_88, %dma_wait3A_89] : memref<10240x128xf32, #tpu.memory_space<hbm>> -> memref<10240x128xf32, #tpu.memory_space<hbm>>
        tpu.wait_indirect_dma semaphore(%arg14 : memref<!tpu.dma_semaphore, #tpu.memory_space<semaphore_mem>>) src(%dma_wait3A_90 : memref<10240x128xf32, #tpu.memory_space<hbm>>) dst(%arg9 : memref<64x128xf32, #tpu.memory_space<vmem>>)
        %dma_start3A_91 = arith.constant 0 : i32
        %dma_start3A_92 = tpu.memref_slice %arg8[%add3A_83, %dma_start3A_91] : memref<40x64xi32, #tpu.memory_space<vmem>> -> memref<1x64xi32, #tpu.memory_space<vmem>>
        %dma_start3A_93 = tpu.memref_squeeze %dma_start3A_92 : memref<1x64xi32, #tpu.memory_space<vmem>> -> memref<64xi32, #tpu.memory_space<vmem>>
        %dma_start3A_94 = arith.constant 0 : i32
        %dma_start3A_95 = arith.constant 0 : i32
        %dma_start3A_96 = tpu.memref_slice %arg13[%dma_start3A_94, %dma_start3A_95] : memref<10240x128xf32, #tpu.memory_space<vmem_shared>> -> memref<10240x128xf32, #tpu.memory_space<vmem_shared>>
        tpu.enqueue_indirect_dma source(%arg9 : memref<64x128xf32, #tpu.memory_space<vmem>>) target(%dma_start3A_96 : memref<10240x128xf32, #tpu.memory_space<vmem_shared>>) offsets(%dma_start3A_93 : memref<64xi32, #tpu.memory_space<vmem>>) semaphore(%arg18 : memref<!tpu.dma_semaphore, #tpu.memory_space<semaphore_mem>>) {add = true}
        %add3A_97 = arith.constant 2 : i32
        %add3A_98 = arith.addi %add3A_83, %add3A_97 : i32
        %ge3A = arith.constant 4 : i32
        %ge3A_99 = arith.cmpi sge, %add3A_98, %ge3A : i32
        %convert_element_type3A_100 = arith.extui %ge3A_99 : i1 to i32
        %cond3A_101 = arith.constant 0 : i32
        %cond3A_102 = arith.cmpi ne, %convert_element_type3A_100, %cond3A_101 : i32
        scf.if %cond3A_102 {
          %dma_wait3A_202 = arith.constant 0 : i32
          %dma_wait3A_203 = arith.constant 0 : i32
          %dma_wait3A_204 = tpu.memref_slice %arg8[%dma_wait3A_202, %dma_wait3A_203] : memref<40x64xi32, #tpu.memory_space<vmem>> -> memref<1x64xi32, #tpu.memory_space<vmem>>
          %dma_wait3A_205 = tpu.memref_squeeze %dma_wait3A_204 : memref<1x64xi32, #tpu.memory_space<vmem>> -> memref<64xi32, #tpu.memory_space<vmem>>
          %dma_wait3A_206 = arith.constant 0 : i32
          %dma_wait3A_207 = arith.constant 0 : i32
          %dma_wait3A_208 = tpu.memref_slice %arg13[%dma_wait3A_206, %dma_wait3A_207] : memref<10240x128xf32, #tpu.memory_space<vmem_shared>> -> memref<10240x128xf32, #tpu.memory_space<vmem_shared>>
          tpu.wait_indirect_dma semaphore(%arg20 : memref<!tpu.dma_semaphore, #tpu.memory_space<semaphore_mem>>) src(%arg11 : memref<64x128xf32, #tpu.memory_space<vmem>>) dst(%dma_wait3A_208 : memref<10240x128xf32, #tpu.memory_space<vmem_shared>>)
        } else {
        }
        %add3A_103 = arith.constant 2 : i32
        %add3A_104 = arith.addi %add3A_83, %add3A_103 : i32
        %lt3A = arith.constant 40 : i32
        %lt3A_105 = arith.cmpi slt, %add3A_104, %lt3A : i32
        %convert_element_type3A_106 = arith.extui %lt3A_105 : i1 to i32
        %cond3A_107 = arith.constant 0 : i32
        %cond3A_108 = arith.cmpi ne, %convert_element_type3A_106, %cond3A_107 : i32
        scf.if %cond3A_108 {
          %add3A_202 = arith.constant 2 : i32
          %add3A_203 = arith.addi %add3A_83, %add3A_202 : i32
          %dma_start3A_204 = arith.constant 0 : i32
          %dma_start3A_205 = tpu.memref_slice %arg7[%add3A_203, %dma_start3A_204] : memref<40x64xi32, #tpu.memory_space<vmem>> -> memref<1x64xi32, #tpu.memory_space<vmem>>
          %dma_start3A_206 = tpu.memref_squeeze %dma_start3A_205 : memref<1x64xi32, #tpu.memory_space<vmem>> -> memref<64xi32, #tpu.memory_space<vmem>>
          %dma_start3A_207 = arith.constant 0 : i32
          %dma_start3A_208 = arith.constant 0 : i32
          %dma_start3A_209 = tpu.memref_slice %arg2[%dma_start3A_207, %dma_start3A_208] : memref<10240x128xf32, #tpu.memory_space<hbm>> -> memref<10240x128xf32, #tpu.memory_space<hbm>>
          tpu.enqueue_indirect_dma source(%dma_start3A_209 : memref<10240x128xf32, #tpu.memory_space<hbm>>) target(%arg11 : memref<64x128xf32, #tpu.memory_space<vmem>>) offsets(%dma_start3A_206 : memref<64xi32, #tpu.memory_space<vmem>>) semaphore(%arg16 : memref<!tpu.dma_semaphore, #tpu.memory_space<semaphore_mem>>)
        } else {
        }
        %mul3A_109 = arith.constant 4 : i32
        %mul3A_110 = arith.muli %scan3A_79, %mul3A_109 : i32
        %add3A_111 = arith.constant 1 : i32
        %add3A_112 = arith.addi %mul3A_110, %add3A_111 : i32
        %dma_wait3A_113 = arith.constant 0 : i32
        %dma_wait3A_114 = arith.constant 0 : i32
        %dma_wait3A_115 = tpu.memref_slice %arg7[%dma_wait3A_113, %dma_wait3A_114] : memref<40x64xi32, #tpu.memory_space<vmem>> -> memref<1x64xi32, #tpu.memory_space<vmem>>
        %dma_wait3A_116 = tpu.memref_squeeze %dma_wait3A_115 : memref<1x64xi32, #tpu.memory_space<vmem>> -> memref<64xi32, #tpu.memory_space<vmem>>
        %dma_wait3A_117 = arith.constant 0 : i32
        %dma_wait3A_118 = arith.constant 0 : i32
        %dma_wait3A_119 = tpu.memref_slice %arg2[%dma_wait3A_117, %dma_wait3A_118] : memref<10240x128xf32, #tpu.memory_space<hbm>> -> memref<10240x128xf32, #tpu.memory_space<hbm>>
        tpu.wait_indirect_dma semaphore(%arg15 : memref<!tpu.dma_semaphore, #tpu.memory_space<semaphore_mem>>) src(%dma_wait3A_119 : memref<10240x128xf32, #tpu.memory_space<hbm>>) dst(%arg10 : memref<64x128xf32, #tpu.memory_space<vmem>>)
        %dma_start3A_120 = arith.constant 0 : i32
        %dma_start3A_121 = tpu.memref_slice %arg8[%add3A_112, %dma_start3A_120] : memref<40x64xi32, #tpu.memory_space<vmem>> -> memref<1x64xi32, #tpu.memory_space<vmem>>
        %dma_start3A_122 = tpu.memref_squeeze %dma_start3A_121 : memref<1x64xi32, #tpu.memory_space<vmem>> -> memref<64xi32, #tpu.memory_space<vmem>>
        %dma_start3A_123 = arith.constant 0 : i32
        %dma_start3A_124 = arith.constant 0 : i32
        %dma_start3A_125 = tpu.memref_slice %arg13[%dma_start3A_123, %dma_start3A_124] : memref<10240x128xf32, #tpu.memory_space<vmem_shared>> -> memref<10240x128xf32, #tpu.memory_space<vmem_shared>>
        tpu.enqueue_indirect_dma source(%arg10 : memref<64x128xf32, #tpu.memory_space<vmem>>) target(%dma_start3A_125 : memref<10240x128xf32, #tpu.memory_space<vmem_shared>>) offsets(%dma_start3A_122 : memref<64xi32, #tpu.memory_space<vmem>>) semaphore(%arg19 : memref<!tpu.dma_semaphore, #tpu.memory_space<semaphore_mem>>) {add = true}
        %add3A_126 = arith.constant 2 : i32
        %add3A_127 = arith.addi %add3A_112, %add3A_126 : i32
        %ge3A_128 = arith.constant 4 : i32
        %ge3A_129 = arith.cmpi sge, %add3A_127, %ge3A_128 : i32
        %convert_element_type3A_130 = arith.extui %ge3A_129 : i1 to i32
        %cond3A_131 = arith.constant 0 : i32
        %cond3A_132 = arith.cmpi ne, %convert_element_type3A_130, %cond3A_131 : i32
        scf.if %cond3A_132 {
          %dma_wait3A_202 = arith.constant 0 : i32
          %dma_wait3A_203 = arith.constant 0 : i32
          %dma_wait3A_204 = tpu.memref_slice %arg8[%dma_wait3A_202, %dma_wait3A_203] : memref<40x64xi32, #tpu.memory_space<vmem>> -> memref<1x64xi32, #tpu.memory_space<vmem>>
          %dma_wait3A_205 = tpu.memref_squeeze %dma_wait3A_204 : memref<1x64xi32, #tpu.memory_space<vmem>> -> memref<64xi32, #tpu.memory_space<vmem>>
          %dma_wait3A_206 = arith.constant 0 : i32
          %dma_wait3A_207 = arith.constant 0 : i32
          %dma_wait3A_208 = tpu.memref_slice %arg13[%dma_wait3A_206, %dma_wait3A_207] : memref<10240x128xf32, #tpu.memory_space<vmem_shared>> -> memref<10240x128xf32, #tpu.memory_space<vmem_shared>>
          tpu.wait_indirect_dma semaphore(%arg21 : memref<!tpu.dma_semaphore, #tpu.memory_space<semaphore_mem>>) src(%arg12 : memref<64x128xf32, #tpu.memory_space<vmem>>) dst(%dma_wait3A_208 : memref<10240x128xf32, #tpu.memory_space<vmem_shared>>)
        } else {
        }
        %add3A_133 = arith.constant 2 : i32
        %add3A_134 = arith.addi %add3A_112, %add3A_133 : i32
        %lt3A_135 = arith.constant 40 : i32
        %lt3A_136 = arith.cmpi slt, %add3A_134, %lt3A_135 : i32
        %convert_element_type3A_137 = arith.extui %lt3A_136 : i1 to i32
        %cond3A_138 = arith.constant 0 : i32
        %cond3A_139 = arith.cmpi ne, %convert_element_type3A_137, %cond3A_138 : i32
        scf.if %cond3A_139 {
          %add3A_202 = arith.constant 2 : i32
          %add3A_203 = arith.addi %add3A_112, %add3A_202 : i32
          %dma_start3A_204 = arith.constant 0 : i32
          %dma_start3A_205 = tpu.memref_slice %arg7[%add3A_203, %dma_start3A_204] : memref<40x64xi32, #tpu.memory_space<vmem>> -> memref<1x64xi32, #tpu.memory_space<vmem>>
          %dma_start3A_206 = tpu.memref_squeeze %dma_start3A_205 : memref<1x64xi32, #tpu.memory_space<vmem>> -> memref<64xi32, #tpu.memory_space<vmem>>
          %dma_start3A_207 = arith.constant 0 : i32
          %dma_start3A_208 = arith.constant 0 : i32
          %dma_start3A_209 = tpu.memref_slice %arg2[%dma_start3A_207, %dma_start3A_208] : memref<10240x128xf32, #tpu.memory_space<hbm>> -> memref<10240x128xf32, #tpu.memory_space<hbm>>
          tpu.enqueue_indirect_dma source(%dma_start3A_209 : memref<10240x128xf32, #tpu.memory_space<hbm>>) target(%arg12 : memref<64x128xf32, #tpu.memory_space<vmem>>) offsets(%dma_start3A_206 : memref<64xi32, #tpu.memory_space<vmem>>) semaphore(%arg17 : memref<!tpu.dma_semaphore, #tpu.memory_space<semaphore_mem>>)
        } else {
        }
        %mul3A_140 = arith.constant 4 : i32
        %mul3A_141 = arith.muli %scan3A_79, %mul3A_140 : i32
        %add3A_142 = arith.constant 2 : i32
        %add3A_143 = arith.addi %mul3A_141, %add3A_142 : i32
        %dma_wait3A_144 = arith.constant 0 : i32
        %dma_wait3A_145 = arith.constant 0 : i32
        %dma_wait3A_146 = tpu.memref_slice %arg7[%dma_wait3A_144, %dma_wait3A_145] : memref<40x64xi32, #tpu.memory_space<vmem>> -> memref<1x64xi32, #tpu.memory_space<vmem>>
        %dma_wait3A_147 = tpu.memref_squeeze %dma_wait3A_146 : memref<1x64xi32, #tpu.memory_space<vmem>> -> memref<64xi32, #tpu.memory_space<vmem>>
        %dma_wait3A_148 = arith.constant 0 : i32
        %dma_wait3A_149 = arith.constant 0 : i32
        %dma_wait3A_150 = tpu.memref_slice %arg2[%dma_wait3A_148, %dma_wait3A_149] : memref<10240x128xf32, #tpu.memory_space<hbm>> -> memref<10240x128xf32, #tpu.memory_space<hbm>>
        tpu.wait_indirect_dma semaphore(%arg16 : memref<!tpu.dma_semaphore, #tpu.memory_space<semaphore_mem>>) src(%dma_wait3A_150 : memref<10240x128xf32, #tpu.memory_space<hbm>>) dst(%arg11 : memref<64x128xf32, #tpu.memory_space<vmem>>)
        %dma_start3A_151 = arith.constant 0 : i32
        %dma_start3A_152 = tpu.memref_slice %arg8[%add3A_143, %dma_start3A_151] : memref<40x64xi32, #tpu.memory_space<vmem>> -> memref<1x64xi32, #tpu.memory_space<vmem>>
        %dma_start3A_153 = tpu.memref_squeeze %dma_start3A_152 : memref<1x64xi32, #tpu.memory_space<vmem>> -> memref<64xi32, #tpu.memory_space<vmem>>
        %dma_start3A_154 = arith.constant 0 : i32
        %dma_start3A_155 = arith.constant 0 : i32
        %dma_start3A_156 = tpu.memref_slice %arg13[%dma_start3A_154, %dma_start3A_155] : memref<10240x128xf32, #tpu.memory_space<vmem_shared>> -> memref<10240x128xf32, #tpu.memory_space<vmem_shared>>
        tpu.enqueue_indirect_dma source(%arg11 : memref<64x128xf32, #tpu.memory_space<vmem>>) target(%dma_start3A_156 : memref<10240x128xf32, #tpu.memory_space<vmem_shared>>) offsets(%dma_start3A_153 : memref<64xi32, #tpu.memory_space<vmem>>) semaphore(%arg20 : memref<!tpu.dma_semaphore, #tpu.memory_space<semaphore_mem>>) {add = true}
        %add3A_157 = arith.constant 2 : i32
        %add3A_158 = arith.addi %add3A_143, %add3A_157 : i32
        %ge3A_159 = arith.constant 4 : i32
        %ge3A_160 = arith.cmpi sge, %add3A_158, %ge3A_159 : i32
        %convert_element_type3A_161 = arith.extui %ge3A_160 : i1 to i32
        %cond3A_162 = arith.constant 0 : i32
        %cond3A_163 = arith.cmpi ne, %convert_element_type3A_161, %cond3A_162 : i32
        scf.if %cond3A_163 {
          %dma_wait3A_202 = arith.constant 0 : i32
          %dma_wait3A_203 = arith.constant 0 : i32
          %dma_wait3A_204 = tpu.memref_slice %arg8[%dma_wait3A_202, %dma_wait3A_203] : memref<40x64xi32, #tpu.memory_space<vmem>> -> memref<1x64xi32, #tpu.memory_space<vmem>>
          %dma_wait3A_205 = tpu.memref_squeeze %dma_wait3A_204 : memref<1x64xi32, #tpu.memory_space<vmem>> -> memref<64xi32, #tpu.memory_space<vmem>>
          %dma_wait3A_206 = arith.constant 0 : i32
          %dma_wait3A_207 = arith.constant 0 : i32
          %dma_wait3A_208 = tpu.memref_slice %arg13[%dma_wait3A_206, %dma_wait3A_207] : memref<10240x128xf32, #tpu.memory_space<vmem_shared>> -> memref<10240x128xf32, #tpu.memory_space<vmem_shared>>
          tpu.wait_indirect_dma semaphore(%arg18 : memref<!tpu.dma_semaphore, #tpu.memory_space<semaphore_mem>>) src(%arg9 : memref<64x128xf32, #tpu.memory_space<vmem>>) dst(%dma_wait3A_208 : memref<10240x128xf32, #tpu.memory_space<vmem_shared>>)
        } else {
        }
        %add3A_164 = arith.constant 2 : i32
        %add3A_165 = arith.addi %add3A_143, %add3A_164 : i32
        %lt3A_166 = arith.constant 40 : i32
        %lt3A_167 = arith.cmpi slt, %add3A_165, %lt3A_166 : i32
        %convert_element_type3A_168 = arith.extui %lt3A_167 : i1 to i32
        %cond3A_169 = arith.constant 0 : i32
        %cond3A_170 = arith.cmpi ne, %convert_element_type3A_168, %cond3A_169 : i32
        scf.if %cond3A_170 {
          %add3A_202 = arith.constant 2 : i32
          %add3A_203 = arith.addi %add3A_143, %add3A_202 : i32
          %dma_start3A_204 = arith.constant 0 : i32
          %dma_start3A_205 = tpu.memref_slice %arg7[%add3A_203, %dma_start3A_204] : memref<40x64xi32, #tpu.memory_space<vmem>> -> memref<1x64xi32, #tpu.memory_space<vmem>>
          %dma_start3A_206 = tpu.memref_squeeze %dma_start3A_205 : memref<1x64xi32, #tpu.memory_space<vmem>> -> memref<64xi32, #tpu.memory_space<vmem>>
          %dma_start3A_207 = arith.constant 0 : i32
          %dma_start3A_208 = arith.constant 0 : i32
          %dma_start3A_209 = tpu.memref_slice %arg2[%dma_start3A_207, %dma_start3A_208] : memref<10240x128xf32, #tpu.memory_space<hbm>> -> memref<10240x128xf32, #tpu.memory_space<hbm>>
          tpu.enqueue_indirect_dma source(%dma_start3A_209 : memref<10240x128xf32, #tpu.memory_space<hbm>>) target(%arg9 : memref<64x128xf32, #tpu.memory_space<vmem>>) offsets(%dma_start3A_206 : memref<64xi32, #tpu.memory_space<vmem>>) semaphore(%arg14 : memref<!tpu.dma_semaphore, #tpu.memory_space<semaphore_mem>>)
        } else {
        }
        %mul3A_171 = arith.constant 4 : i32
        %mul3A_172 = arith.muli %scan3A_79, %mul3A_171 : i32
        %add3A_173 = arith.constant 3 : i32
        %add3A_174 = arith.addi %mul3A_172, %add3A_173 : i32
        %dma_wait3A_175 = arith.constant 0 : i32
        %dma_wait3A_176 = arith.constant 0 : i32
        %dma_wait3A_177 = tpu.memref_slice %arg7[%dma_wait3A_175, %dma_wait3A_176] : memref<40x64xi32, #tpu.memory_space<vmem>> -> memref<1x64xi32, #tpu.memory_space<vmem>>
        %dma_wait3A_178 = tpu.memref_squeeze %dma_wait3A_177 : memref<1x64xi32, #tpu.memory_space<vmem>> -> memref<64xi32, #tpu.memory_space<vmem>>
        %dma_wait3A_179 = arith.constant 0 : i32
        %dma_wait3A_180 = arith.constant 0 : i32
        %dma_wait3A_181 = tpu.memref_slice %arg2[%dma_wait3A_179, %dma_wait3A_180] : memref<10240x128xf32, #tpu.memory_space<hbm>> -> memref<10240x128xf32, #tpu.memory_space<hbm>>
        tpu.wait_indirect_dma semaphore(%arg17 : memref<!tpu.dma_semaphore, #tpu.memory_space<semaphore_mem>>) src(%dma_wait3A_181 : memref<10240x128xf32, #tpu.memory_space<hbm>>) dst(%arg12 : memref<64x128xf32, #tpu.memory_space<vmem>>)
        %dma_start3A_182 = arith.constant 0 : i32
        %dma_start3A_183 = tpu.memref_slice %arg8[%add3A_174, %dma_start3A_182] : memref<40x64xi32, #tpu.memory_space<vmem>> -> memref<1x64xi32, #tpu.memory_space<vmem>>
        %dma_start3A_184 = tpu.memref_squeeze %dma_start3A_183 : memref<1x64xi32, #tpu.memory_space<vmem>> -> memref<64xi32, #tpu.memory_space<vmem>>
        %dma_start3A_185 = arith.constant 0 : i32
        %dma_start3A_186 = arith.constant 0 : i32
        %dma_start3A_187 = tpu.memref_slice %arg13[%dma_start3A_185, %dma_start3A_186] : memref<10240x128xf32, #tpu.memory_space<vmem_shared>> -> memref<10240x128xf32, #tpu.memory_space<vmem_shared>>
        tpu.enqueue_indirect_dma source(%arg12 : memref<64x128xf32, #tpu.memory_space<vmem>>) target(%dma_start3A_187 : memref<10240x128xf32, #tpu.memory_space<vmem_shared>>) offsets(%dma_start3A_184 : memref<64xi32, #tpu.memory_space<vmem>>) semaphore(%arg21 : memref<!tpu.dma_semaphore, #tpu.memory_space<semaphore_mem>>) {add = true}
        %add3A_188 = arith.constant 2 : i32
        %add3A_189 = arith.addi %add3A_174, %add3A_188 : i32
        %ge3A_190 = arith.constant 4 : i32
        %ge3A_191 = arith.cmpi sge, %add3A_189, %ge3A_190 : i32
        %convert_element_type3A_192 = arith.extui %ge3A_191 : i1 to i32
        %cond3A_193 = arith.constant 0 : i32
        %cond3A_194 = arith.cmpi ne, %convert_element_type3A_192, %cond3A_193 : i32
        scf.if %cond3A_194 {
          %dma_wait3A_202 = arith.constant 0 : i32
          %dma_wait3A_203 = arith.constant 0 : i32
          %dma_wait3A_204 = tpu.memref_slice %arg8[%dma_wait3A_202, %dma_wait3A_203] : memref<40x64xi32, #tpu.memory_space<vmem>> -> memref<1x64xi32, #tpu.memory_space<vmem>>
          %dma_wait3A_205 = tpu.memref_squeeze %dma_wait3A_204 : memref<1x64xi32, #tpu.memory_space<vmem>> -> memref<64xi32, #tpu.memory_space<vmem>>
          %dma_wait3A_206 = arith.constant 0 : i32
          %dma_wait3A_207 = arith.constant 0 : i32
          %dma_wait3A_208 = tpu.memref_slice %arg13[%dma_wait3A_206, %dma_wait3A_207] : memref<10240x128xf32, #tpu.memory_space<vmem_shared>> -> memref<10240x128xf32, #tpu.memory_space<vmem_shared>>
          tpu.wait_indirect_dma semaphore(%arg19 : memref<!tpu.dma_semaphore, #tpu.memory_space<semaphore_mem>>) src(%arg10 : memref<64x128xf32, #tpu.memory_space<vmem>>) dst(%dma_wait3A_208 : memref<10240x128xf32, #tpu.memory_space<vmem_shared>>)
        } else {
        }
        %add3A_195 = arith.constant 2 : i32
        %add3A_196 = arith.addi %add3A_174, %add3A_195 : i32
        %lt3A_197 = arith.constant 40 : i32
        %lt3A_198 = arith.cmpi slt, %add3A_196, %lt3A_197 : i32
        %convert_element_type3A_199 = arith.extui %lt3A_198 : i1 to i32
        %cond3A_200 = arith.constant 0 : i32
        %cond3A_201 = arith.cmpi ne, %convert_element_type3A_199, %cond3A_200 : i32
        scf.if %cond3A_201 {
          %add3A_202 = arith.constant 2 : i32
          %add3A_203 = arith.addi %add3A_174, %add3A_202 : i32
          %dma_start3A_204 = arith.constant 0 : i32
          %dma_start3A_205 = tpu.memref_slice %arg7[%add3A_203, %dma_start3A_204] : memref<40x64xi32, #tpu.memory_space<vmem>> -> memref<1x64xi32, #tpu.memory_space<vmem>>
          %dma_start3A_206 = tpu.memref_squeeze %dma_start3A_205 : memref<1x64xi32, #tpu.memory_space<vmem>> -> memref<64xi32, #tpu.memory_space<vmem>>
          %dma_start3A_207 = arith.constant 0 : i32
          %dma_start3A_208 = arith.constant 0 : i32
          %dma_start3A_209 = tpu.memref_slice %arg2[%dma_start3A_207, %dma_start3A_208] : memref<10240x128xf32, #tpu.memory_space<hbm>> -> memref<10240x128xf32, #tpu.memory_space<hbm>>
          tpu.enqueue_indirect_dma source(%dma_start3A_209 : memref<10240x128xf32, #tpu.memory_space<hbm>>) target(%arg10 : memref<64x128xf32, #tpu.memory_space<vmem>>) offsets(%dma_start3A_206 : memref<64xi32, #tpu.memory_space<vmem>>) semaphore(%arg15 : memref<!tpu.dma_semaphore, #tpu.memory_space<semaphore_mem>>)
        } else {
        }
      }
      %scan3A_65 = arith.constant 10 : i32
      %dma_wait3A = arith.constant 0 : i32
      %dma_wait3A_66 = arith.constant 0 : i32
      %dma_wait3A_67 = tpu.memref_slice %arg8[%dma_wait3A, %dma_wait3A_66] : memref<40x64xi32, #tpu.memory_space<vmem>> -> memref<1x64xi32, #tpu.memory_space<vmem>>
      %dma_wait3A_68 = tpu.memref_squeeze %dma_wait3A_67 : memref<1x64xi32, #tpu.memory_space<vmem>> -> memref<64xi32, #tpu.memory_space<vmem>>
      %dma_wait3A_69 = arith.constant 0 : i32
      %dma_wait3A_70 = arith.constant 0 : i32
      %dma_wait3A_71 = tpu.memref_slice %arg13[%dma_wait3A_69, %dma_wait3A_70] : memref<10240x128xf32, #tpu.memory_space<vmem_shared>> -> memref<10240x128xf32, #tpu.memory_space<vmem_shared>>
      tpu.wait_indirect_dma semaphore(%arg20 : memref<!tpu.dma_semaphore, #tpu.memory_space<semaphore_mem>>) src(%arg11 : memref<64x128xf32, #tpu.memory_space<vmem>>) dst(%dma_wait3A_71 : memref<10240x128xf32, #tpu.memory_space<vmem_shared>>)
      %dma_wait3A_72 = arith.constant 0 : i32
      %dma_wait3A_73 = arith.constant 0 : i32
      %dma_wait3A_74 = tpu.memref_slice %arg8[%dma_wait3A_72, %dma_wait3A_73] : memref<40x64xi32, #tpu.memory_space<vmem>> -> memref<1x64xi32, #tpu.memory_space<vmem>>
      %dma_wait3A_75 = tpu.memref_squeeze %dma_wait3A_74 : memref<1x64xi32, #tpu.memory_space<vmem>> -> memref<64xi32, #tpu.memory_space<vmem>>
      %dma_wait3A_76 = arith.constant 0 : i32
      %dma_wait3A_77 = arith.constant 0 : i32
      %dma_wait3A_78 = tpu.memref_slice %arg13[%dma_wait3A_76, %dma_wait3A_77] : memref<10240x128xf32, #tpu.memory_space<vmem_shared>> -> memref<10240x128xf32, #tpu.memory_space<vmem_shared>>
      tpu.wait_indirect_dma semaphore(%arg21 : memref<!tpu.dma_semaphore, #tpu.memory_space<semaphore_mem>>) src(%arg12 : memref<64x128xf32, #tpu.memory_space<vmem>>) dst(%dma_wait3A_78 : memref<10240x128xf32, #tpu.memory_space<vmem_shared>>)
    } else {
    }
    %gt3A_19 = arith.constant 120 : i32
    %gt3A_20 = arith.cmpi sgt, %select_n3A_2, %gt3A_19 : i32
    %convert_element_type3A_21 = arith.extui %gt3A_20 : i1 to i32
    %cond3A_22 = arith.constant 0 : i32
    %cond3A_23 = arith.cmpi ne, %convert_element_type3A_21, %cond3A_22 : i32
    scf.if %cond3A_23 {
      %add3A_44 = arith.constant 120 : i32
      %add3A_45 = arith.addi %add3A, %add3A_44 : i32
      "tpu.region"() ({
        %run_scoped3A = tpu.sem_alloc : memref<!tpu.dma_semaphore, #tpu.memory_space<semaphore_mem>>
        %dma_start3A_79 = arith.constant 0 : i32
        %dma_start3A_80 = tpu.memref_slice %arg3[%add3A_45, %dma_start3A_79] : memref<5120x64xi32, #tpu.memory_space<hbm>> -> memref<40x64xi32, #tpu.memory_space<hbm>>
        %dma_start3A_81 = arith.constant 0 : i32
        %dma_start3A_82 = tpu.memref_slice %arg3[%add3A_45, %dma_start3A_81] : memref<5120x64xi32, #tpu.memory_space<hbm>> -> memref<40x64xi32, #tpu.memory_space<hbm>>
        tpu.enqueue_dma source(%dma_start3A_82 : memref<40x64xi32, #tpu.memory_space<hbm>>) target(%arg7 : memref<40x64xi32, #tpu.memory_space<vmem>>) target_semaphore(%run_scoped3A : memref<!tpu.dma_semaphore, #tpu.memory_space<semaphore_mem>>)
        %dma_wait3A_83 = arith.constant 0 : i32
        %dma_wait3A_84 = tpu.memref_slice %arg3[%add3A_45, %dma_wait3A_83] : memref<5120x64xi32, #tpu.memory_space<hbm>> -> memref<40x64xi32, #tpu.memory_space<hbm>>
        %dma_wait3A_85 = arith.constant 0 : i32
        %dma_wait3A_86 = tpu.memref_slice %arg3[%add3A_45, %dma_wait3A_85] : memref<5120x64xi32, #tpu.memory_space<hbm>> -> memref<40x64xi32, #tpu.memory_space<hbm>>
        tpu.wait_dma2 semaphore(%run_scoped3A : memref<!tpu.dma_semaphore, #tpu.memory_space<semaphore_mem>>) src(%dma_wait3A_86 : memref<40x64xi32, #tpu.memory_space<hbm>>) dst(%arg7 : memref<40x64xi32, #tpu.memory_space<vmem>>)
        tpu.yield
      }) : () -> ()
      %add3A_46 = arith.constant 120 : i32
      %add3A_47 = arith.addi %add3A, %add3A_46 : i32
      "tpu.region"() ({
        %run_scoped3A = tpu.sem_alloc : memref<!tpu.dma_semaphore, #tpu.memory_space<semaphore_mem>>
        %dma_start3A_79 = arith.constant 0 : i32
        %dma_start3A_80 = tpu.memref_slice %arg4[%add3A_47, %dma_start3A_79] : memref<5120x64xi32, #tpu.memory_space<hbm>> -> memref<40x64xi32, #tpu.memory_space<hbm>>
        %dma_start3A_81 = arith.constant 0 : i32
        %dma_start3A_82 = tpu.memref_slice %arg4[%add3A_47, %dma_start3A_81] : memref<5120x64xi32, #tpu.memory_space<hbm>> -> memref<40x64xi32, #tpu.memory_space<hbm>>
        tpu.enqueue_dma source(%dma_start3A_82 : memref<40x64xi32, #tpu.memory_space<hbm>>) target(%arg8 : memref<40x64xi32, #tpu.memory_space<vmem>>) target_semaphore(%run_scoped3A : memref<!tpu.dma_semaphore, #tpu.memory_space<semaphore_mem>>)
        %dma_wait3A_83 = arith.constant 0 : i32
        %dma_wait3A_84 = tpu.memref_slice %arg4[%add3A_47, %dma_wait3A_83] : memref<5120x64xi32, #tpu.memory_space<hbm>> -> memref<40x64xi32, #tpu.memory_space<hbm>>
        %dma_wait3A_85 = arith.constant 0 : i32
        %dma_wait3A_86 = tpu.memref_slice %arg4[%add3A_47, %dma_wait3A_85] : memref<5120x64xi32, #tpu.memory_space<hbm>> -> memref<40x64xi32, #tpu.memory_space<hbm>>
        tpu.wait_dma2 semaphore(%run_scoped3A : memref<!tpu.dma_semaphore, #tpu.memory_space<semaphore_mem>>) src(%dma_wait3A_86 : memref<40x64xi32, #tpu.memory_space<hbm>>) dst(%arg8 : memref<40x64xi32, #tpu.memory_space<vmem>>)
        tpu.yield
      }) : () -> ()
      %dma_start3A = arith.constant 0 : i32
      %dma_start3A_48 = arith.constant 0 : i32
      %dma_start3A_49 = tpu.memref_slice %arg7[%dma_start3A, %dma_start3A_48] : memref<40x64xi32, #tpu.memory_space<vmem>> -> memref<1x64xi32, #tpu.memory_space<vmem>>
      %dma_start3A_50 = tpu.memref_squeeze %dma_start3A_49 : memref<1x64xi32, #tpu.memory_space<vmem>> -> memref<64xi32, #tpu.memory_space<vmem>>
      %dma_start3A_51 = arith.constant 0 : i32
      %dma_start3A_52 = arith.constant 0 : i32
      %dma_start3A_53 = tpu.memref_slice %arg2[%dma_start3A_51, %dma_start3A_52] : memref<10240x128xf32, #tpu.memory_space<hbm>> -> memref<10240x128xf32, #tpu.memory_space<hbm>>
      tpu.enqueue_indirect_dma source(%dma_start3A_53 : memref<10240x128xf32, #tpu.memory_space<hbm>>) target(%arg9 : memref<64x128xf32, #tpu.memory_space<vmem>>) offsets(%dma_start3A_50 : memref<64xi32, #tpu.memory_space<vmem>>) semaphore(%arg14 : memref<!tpu.dma_semaphore, #tpu.memory_space<semaphore_mem>>)
      %dma_start3A_54 = arith.constant 1 : i32
      %dma_start3A_55 = arith.constant 0 : i32
      %dma_start3A_56 = tpu.memref_slice %arg7[%dma_start3A_54, %dma_start3A_55] : memref<40x64xi32, #tpu.memory_space<vmem>> -> memref<1x64xi32, #tpu.memory_space<vmem>>
      %dma_start3A_57 = tpu.memref_squeeze %dma_start3A_56 : memref<1x64xi32, #tpu.memory_space<vmem>> -> memref<64xi32, #tpu.memory_space<vmem>>
      %dma_start3A_58 = arith.constant 0 : i32
      %dma_start3A_59 = arith.constant 0 : i32
      %dma_start3A_60 = tpu.memref_slice %arg2[%dma_start3A_58, %dma_start3A_59] : memref<10240x128xf32, #tpu.memory_space<hbm>> -> memref<10240x128xf32, #tpu.memory_space<hbm>>
      tpu.enqueue_indirect_dma source(%dma_start3A_60 : memref<10240x128xf32, #tpu.memory_space<hbm>>) target(%arg10 : memref<64x128xf32, #tpu.memory_space<vmem>>) offsets(%dma_start3A_57 : memref<64xi32, #tpu.memory_space<vmem>>) semaphore(%arg15 : memref<!tpu.dma_semaphore, #tpu.memory_space<semaphore_mem>>)
      %scan3A = arith.constant 0 : i32
      %scan3A_61 = arith.constant 0 : i32
      %scan3A_62 = arith.constant 10 : i32
      %scan3A_63 = arith.addi %scan3A_61, %scan3A_62 : i32
      %scan3A_64 = arith.constant 1 : i32
      scf.for %scan3A_79 = %scan3A_61 to %scan3A_63 step %scan3A_64  : i32 {
        %mul3A_80 = arith.constant 4 : i32
        %mul3A_81 = arith.muli %scan3A_79, %mul3A_80 : i32
        %add3A_82 = arith.constant 0 : i32
        %add3A_83 = arith.addi %mul3A_81, %add3A_82 : i32
        %dma_wait3A_84 = arith.constant 0 : i32
        %dma_wait3A_85 = arith.constant 0 : i32
        %dma_wait3A_86 = tpu.memref_slice %arg7[%dma_wait3A_84, %dma_wait3A_85] : memref<40x64xi32, #tpu.memory_space<vmem>> -> memref<1x64xi32, #tpu.memory_space<vmem>>
        %dma_wait3A_87 = tpu.memref_squeeze %dma_wait3A_86 : memref<1x64xi32, #tpu.memory_space<vmem>> -> memref<64xi32, #tpu.memory_space<vmem>>
        %dma_wait3A_88 = arith.constant 0 : i32
        %dma_wait3A_89 = arith.constant 0 : i32
        %dma_wait3A_90 = tpu.memref_slice %arg2[%dma_wait3A_88, %dma_wait3A_89] : memref<10240x128xf32, #tpu.memory_space<hbm>> -> memref<10240x128xf32, #tpu.memory_space<hbm>>
        tpu.wait_indirect_dma semaphore(%arg14 : memref<!tpu.dma_semaphore, #tpu.memory_space<semaphore_mem>>) src(%dma_wait3A_90 : memref<10240x128xf32, #tpu.memory_space<hbm>>) dst(%arg9 : memref<64x128xf32, #tpu.memory_space<vmem>>)
        %dma_start3A_91 = arith.constant 0 : i32
        %dma_start3A_92 = tpu.memref_slice %arg8[%add3A_83, %dma_start3A_91] : memref<40x64xi32, #tpu.memory_space<vmem>> -> memref<1x64xi32, #tpu.memory_space<vmem>>
        %dma_start3A_93 = tpu.memref_squeeze %dma_start3A_92 : memref<1x64xi32, #tpu.memory_space<vmem>> -> memref<64xi32, #tpu.memory_space<vmem>>
        %dma_start3A_94 = arith.constant 0 : i32
        %dma_start3A_95 = arith.constant 0 : i32
        %dma_start3A_96 = tpu.memref_slice %arg13[%dma_start3A_94, %dma_start3A_95] : memref<10240x128xf32, #tpu.memory_space<vmem_shared>> -> memref<10240x128xf32, #tpu.memory_space<vmem_shared>>
        tpu.enqueue_indirect_dma source(%arg9 : memref<64x128xf32, #tpu.memory_space<vmem>>) target(%dma_start3A_96 : memref<10240x128xf32, #tpu.memory_space<vmem_shared>>) offsets(%dma_start3A_93 : memref<64xi32, #tpu.memory_space<vmem>>) semaphore(%arg18 : memref<!tpu.dma_semaphore, #tpu.memory_space<semaphore_mem>>) {add = true}
        %add3A_97 = arith.constant 2 : i32
        %add3A_98 = arith.addi %add3A_83, %add3A_97 : i32
        %ge3A = arith.constant 4 : i32
        %ge3A_99 = arith.cmpi sge, %add3A_98, %ge3A : i32
        %convert_element_type3A_100 = arith.extui %ge3A_99 : i1 to i32
        %cond3A_101 = arith.constant 0 : i32
        %cond3A_102 = arith.cmpi ne, %convert_element_type3A_100, %cond3A_101 : i32
        scf.if %cond3A_102 {
          %dma_wait3A_202 = arith.constant 0 : i32
          %dma_wait3A_203 = arith.constant 0 : i32
          %dma_wait3A_204 = tpu.memref_slice %arg8[%dma_wait3A_202, %dma_wait3A_203] : memref<40x64xi32, #tpu.memory_space<vmem>> -> memref<1x64xi32, #tpu.memory_space<vmem>>
          %dma_wait3A_205 = tpu.memref_squeeze %dma_wait3A_204 : memref<1x64xi32, #tpu.memory_space<vmem>> -> memref<64xi32, #tpu.memory_space<vmem>>
          %dma_wait3A_206 = arith.constant 0 : i32
          %dma_wait3A_207 = arith.constant 0 : i32
          %dma_wait3A_208 = tpu.memref_slice %arg13[%dma_wait3A_206, %dma_wait3A_207] : memref<10240x128xf32, #tpu.memory_space<vmem_shared>> -> memref<10240x128xf32, #tpu.memory_space<vmem_shared>>
          tpu.wait_indirect_dma semaphore(%arg20 : memref<!tpu.dma_semaphore, #tpu.memory_space<semaphore_mem>>) src(%arg11 : memref<64x128xf32, #tpu.memory_space<vmem>>) dst(%dma_wait3A_208 : memref<10240x128xf32, #tpu.memory_space<vmem_shared>>)
        } else {
        }
        %add3A_103 = arith.constant 2 : i32
        %add3A_104 = arith.addi %add3A_83, %add3A_103 : i32
        %lt3A = arith.constant 40 : i32
        %lt3A_105 = arith.cmpi slt, %add3A_104, %lt3A : i32
        %convert_element_type3A_106 = arith.extui %lt3A_105 : i1 to i32
        %cond3A_107 = arith.constant 0 : i32
        %cond3A_108 = arith.cmpi ne, %convert_element_type3A_106, %cond3A_107 : i32
        scf.if %cond3A_108 {
          %add3A_202 = arith.constant 2 : i32
          %add3A_203 = arith.addi %add3A_83, %add3A_202 : i32
          %dma_start3A_204 = arith.constant 0 : i32
          %dma_start3A_205 = tpu.memref_slice %arg7[%add3A_203, %dma_start3A_204] : memref<40x64xi32, #tpu.memory_space<vmem>> -> memref<1x64xi32, #tpu.memory_space<vmem>>
          %dma_start3A_206 = tpu.memref_squeeze %dma_start3A_205 : memref<1x64xi32, #tpu.memory_space<vmem>> -> memref<64xi32, #tpu.memory_space<vmem>>
          %dma_start3A_207 = arith.constant 0 : i32
          %dma_start3A_208 = arith.constant 0 : i32
          %dma_start3A_209 = tpu.memref_slice %arg2[%dma_start3A_207, %dma_start3A_208] : memref<10240x128xf32, #tpu.memory_space<hbm>> -> memref<10240x128xf32, #tpu.memory_space<hbm>>
          tpu.enqueue_indirect_dma source(%dma_start3A_209 : memref<10240x128xf32, #tpu.memory_space<hbm>>) target(%arg11 : memref<64x128xf32, #tpu.memory_space<vmem>>) offsets(%dma_start3A_206 : memref<64xi32, #tpu.memory_space<vmem>>) semaphore(%arg16 : memref<!tpu.dma_semaphore, #tpu.memory_space<semaphore_mem>>)
        } else {
        }
        %mul3A_109 = arith.constant 4 : i32
        %mul3A_110 = arith.muli %scan3A_79, %mul3A_109 : i32
        %add3A_111 = arith.constant 1 : i32
        %add3A_112 = arith.addi %mul3A_110, %add3A_111 : i32
        %dma_wait3A_113 = arith.constant 0 : i32
        %dma_wait3A_114 = arith.constant 0 : i32
        %dma_wait3A_115 = tpu.memref_slice %arg7[%dma_wait3A_113, %dma_wait3A_114] : memref<40x64xi32, #tpu.memory_space<vmem>> -> memref<1x64xi32, #tpu.memory_space<vmem>>
        %dma_wait3A_116 = tpu.memref_squeeze %dma_wait3A_115 : memref<1x64xi32, #tpu.memory_space<vmem>> -> memref<64xi32, #tpu.memory_space<vmem>>
        %dma_wait3A_117 = arith.constant 0 : i32
        %dma_wait3A_118 = arith.constant 0 : i32
        %dma_wait3A_119 = tpu.memref_slice %arg2[%dma_wait3A_117, %dma_wait3A_118] : memref<10240x128xf32, #tpu.memory_space<hbm>> -> memref<10240x128xf32, #tpu.memory_space<hbm>>
        tpu.wait_indirect_dma semaphore(%arg15 : memref<!tpu.dma_semaphore, #tpu.memory_space<semaphore_mem>>) src(%dma_wait3A_119 : memref<10240x128xf32, #tpu.memory_space<hbm>>) dst(%arg10 : memref<64x128xf32, #tpu.memory_space<vmem>>)
        %dma_start3A_120 = arith.constant 0 : i32
        %dma_start3A_121 = tpu.memref_slice %arg8[%add3A_112, %dma_start3A_120] : memref<40x64xi32, #tpu.memory_space<vmem>> -> memref<1x64xi32, #tpu.memory_space<vmem>>
        %dma_start3A_122 = tpu.memref_squeeze %dma_start3A_121 : memref<1x64xi32, #tpu.memory_space<vmem>> -> memref<64xi32, #tpu.memory_space<vmem>>
        %dma_start3A_123 = arith.constant 0 : i32
        %dma_start3A_124 = arith.constant 0 : i32
        %dma_start3A_125 = tpu.memref_slice %arg13[%dma_start3A_123, %dma_start3A_124] : memref<10240x128xf32, #tpu.memory_space<vmem_shared>> -> memref<10240x128xf32, #tpu.memory_space<vmem_shared>>
        tpu.enqueue_indirect_dma source(%arg10 : memref<64x128xf32, #tpu.memory_space<vmem>>) target(%dma_start3A_125 : memref<10240x128xf32, #tpu.memory_space<vmem_shared>>) offsets(%dma_start3A_122 : memref<64xi32, #tpu.memory_space<vmem>>) semaphore(%arg19 : memref<!tpu.dma_semaphore, #tpu.memory_space<semaphore_mem>>) {add = true}
        %add3A_126 = arith.constant 2 : i32
        %add3A_127 = arith.addi %add3A_112, %add3A_126 : i32
        %ge3A_128 = arith.constant 4 : i32
        %ge3A_129 = arith.cmpi sge, %add3A_127, %ge3A_128 : i32
        %convert_element_type3A_130 = arith.extui %ge3A_129 : i1 to i32
        %cond3A_131 = arith.constant 0 : i32
        %cond3A_132 = arith.cmpi ne, %convert_element_type3A_130, %cond3A_131 : i32
        scf.if %cond3A_132 {
          %dma_wait3A_202 = arith.constant 0 : i32
          %dma_wait3A_203 = arith.constant 0 : i32
          %dma_wait3A_204 = tpu.memref_slice %arg8[%dma_wait3A_202, %dma_wait3A_203] : memref<40x64xi32, #tpu.memory_space<vmem>> -> memref<1x64xi32, #tpu.memory_space<vmem>>
          %dma_wait3A_205 = tpu.memref_squeeze %dma_wait3A_204 : memref<1x64xi32, #tpu.memory_space<vmem>> -> memref<64xi32, #tpu.memory_space<vmem>>
          %dma_wait3A_206 = arith.constant 0 : i32
          %dma_wait3A_207 = arith.constant 0 : i32
          %dma_wait3A_208 = tpu.memref_slice %arg13[%dma_wait3A_206, %dma_wait3A_207] : memref<10240x128xf32, #tpu.memory_space<vmem_shared>> -> memref<10240x128xf32, #tpu.memory_space<vmem_shared>>
          tpu.wait_indirect_dma semaphore(%arg21 : memref<!tpu.dma_semaphore, #tpu.memory_space<semaphore_mem>>) src(%arg12 : memref<64x128xf32, #tpu.memory_space<vmem>>) dst(%dma_wait3A_208 : memref<10240x128xf32, #tpu.memory_space<vmem_shared>>)
        } else {
        }
        %add3A_133 = arith.constant 2 : i32
        %add3A_134 = arith.addi %add3A_112, %add3A_133 : i32
        %lt3A_135 = arith.constant 40 : i32
        %lt3A_136 = arith.cmpi slt, %add3A_134, %lt3A_135 : i32
        %convert_element_type3A_137 = arith.extui %lt3A_136 : i1 to i32
        %cond3A_138 = arith.constant 0 : i32
        %cond3A_139 = arith.cmpi ne, %convert_element_type3A_137, %cond3A_138 : i32
        scf.if %cond3A_139 {
          %add3A_202 = arith.constant 2 : i32
          %add3A_203 = arith.addi %add3A_112, %add3A_202 : i32
          %dma_start3A_204 = arith.constant 0 : i32
          %dma_start3A_205 = tpu.memref_slice %arg7[%add3A_203, %dma_start3A_204] : memref<40x64xi32, #tpu.memory_space<vmem>> -> memref<1x64xi32, #tpu.memory_space<vmem>>
          %dma_start3A_206 = tpu.memref_squeeze %dma_start3A_205 : memref<1x64xi32, #tpu.memory_space<vmem>> -> memref<64xi32, #tpu.memory_space<vmem>>
          %dma_start3A_207 = arith.constant 0 : i32
          %dma_start3A_208 = arith.constant 0 : i32
          %dma_start3A_209 = tpu.memref_slice %arg2[%dma_start3A_207, %dma_start3A_208] : memref<10240x128xf32, #tpu.memory_space<hbm>> -> memref<10240x128xf32, #tpu.memory_space<hbm>>
          tpu.enqueue_indirect_dma source(%dma_start3A_209 : memref<10240x128xf32, #tpu.memory_space<hbm>>) target(%arg12 : memref<64x128xf32, #tpu.memory_space<vmem>>) offsets(%dma_start3A_206 : memref<64xi32, #tpu.memory_space<vmem>>) semaphore(%arg17 : memref<!tpu.dma_semaphore, #tpu.memory_space<semaphore_mem>>)
        } else {
        }
        %mul3A_140 = arith.constant 4 : i32
        %mul3A_141 = arith.muli %scan3A_79, %mul3A_140 : i32
        %add3A_142 = arith.constant 2 : i32
        %add3A_143 = arith.addi %mul3A_141, %add3A_142 : i32
        %dma_wait3A_144 = arith.constant 0 : i32
        %dma_wait3A_145 = arith.constant 0 : i32
        %dma_wait3A_146 = tpu.memref_slice %arg7[%dma_wait3A_144, %dma_wait3A_145] : memref<40x64xi32, #tpu.memory_space<vmem>> -> memref<1x64xi32, #tpu.memory_space<vmem>>
        %dma_wait3A_147 = tpu.memref_squeeze %dma_wait3A_146 : memref<1x64xi32, #tpu.memory_space<vmem>> -> memref<64xi32, #tpu.memory_space<vmem>>
        %dma_wait3A_148 = arith.constant 0 : i32
        %dma_wait3A_149 = arith.constant 0 : i32
        %dma_wait3A_150 = tpu.memref_slice %arg2[%dma_wait3A_148, %dma_wait3A_149] : memref<10240x128xf32, #tpu.memory_space<hbm>> -> memref<10240x128xf32, #tpu.memory_space<hbm>>
        tpu.wait_indirect_dma semaphore(%arg16 : memref<!tpu.dma_semaphore, #tpu.memory_space<semaphore_mem>>) src(%dma_wait3A_150 : memref<10240x128xf32, #tpu.memory_space<hbm>>) dst(%arg11 : memref<64x128xf32, #tpu.memory_space<vmem>>)
        %dma_start3A_151 = arith.constant 0 : i32
        %dma_start3A_152 = tpu.memref_slice %arg8[%add3A_143, %dma_start3A_151] : memref<40x64xi32, #tpu.memory_space<vmem>> -> memref<1x64xi32, #tpu.memory_space<vmem>>
        %dma_start3A_153 = tpu.memref_squeeze %dma_start3A_152 : memref<1x64xi32, #tpu.memory_space<vmem>> -> memref<64xi32, #tpu.memory_space<vmem>>
        %dma_start3A_154 = arith.constant 0 : i32
        %dma_start3A_155 = arith.constant 0 : i32
        %dma_start3A_156 = tpu.memref_slice %arg13[%dma_start3A_154, %dma_start3A_155] : memref<10240x128xf32, #tpu.memory_space<vmem_shared>> -> memref<10240x128xf32, #tpu.memory_space<vmem_shared>>
        tpu.enqueue_indirect_dma source(%arg11 : memref<64x128xf32, #tpu.memory_space<vmem>>) target(%dma_start3A_156 : memref<10240x128xf32, #tpu.memory_space<vmem_shared>>) offsets(%dma_start3A_153 : memref<64xi32, #tpu.memory_space<vmem>>) semaphore(%arg20 : memref<!tpu.dma_semaphore, #tpu.memory_space<semaphore_mem>>) {add = true}
        %add3A_157 = arith.constant 2 : i32
        %add3A_158 = arith.addi %add3A_143, %add3A_157 : i32
        %ge3A_159 = arith.constant 4 : i32
        %ge3A_160 = arith.cmpi sge, %add3A_158, %ge3A_159 : i32
        %convert_element_type3A_161 = arith.extui %ge3A_160 : i1 to i32
        %cond3A_162 = arith.constant 0 : i32
        %cond3A_163 = arith.cmpi ne, %convert_element_type3A_161, %cond3A_162 : i32
        scf.if %cond3A_163 {
          %dma_wait3A_202 = arith.constant 0 : i32
          %dma_wait3A_203 = arith.constant 0 : i32
          %dma_wait3A_204 = tpu.memref_slice %arg8[%dma_wait3A_202, %dma_wait3A_203] : memref<40x64xi32, #tpu.memory_space<vmem>> -> memref<1x64xi32, #tpu.memory_space<vmem>>
          %dma_wait3A_205 = tpu.memref_squeeze %dma_wait3A_204 : memref<1x64xi32, #tpu.memory_space<vmem>> -> memref<64xi32, #tpu.memory_space<vmem>>
          %dma_wait3A_206 = arith.constant 0 : i32
          %dma_wait3A_207 = arith.constant 0 : i32
          %dma_wait3A_208 = tpu.memref_slice %arg13[%dma_wait3A_206, %dma_wait3A_207] : memref<10240x128xf32, #tpu.memory_space<vmem_shared>> -> memref<10240x128xf32, #tpu.memory_space<vmem_shared>>
          tpu.wait_indirect_dma semaphore(%arg18 : memref<!tpu.dma_semaphore, #tpu.memory_space<semaphore_mem>>) src(%arg9 : memref<64x128xf32, #tpu.memory_space<vmem>>) dst(%dma_wait3A_208 : memref<10240x128xf32, #tpu.memory_space<vmem_shared>>)
        } else {
        }
        %add3A_164 = arith.constant 2 : i32
        %add3A_165 = arith.addi %add3A_143, %add3A_164 : i32
        %lt3A_166 = arith.constant 40 : i32
        %lt3A_167 = arith.cmpi slt, %add3A_165, %lt3A_166 : i32
        %convert_element_type3A_168 = arith.extui %lt3A_167 : i1 to i32
        %cond3A_169 = arith.constant 0 : i32
        %cond3A_170 = arith.cmpi ne, %convert_element_type3A_168, %cond3A_169 : i32
        scf.if %cond3A_170 {
          %add3A_202 = arith.constant 2 : i32
          %add3A_203 = arith.addi %add3A_143, %add3A_202 : i32
          %dma_start3A_204 = arith.constant 0 : i32
          %dma_start3A_205 = tpu.memref_slice %arg7[%add3A_203, %dma_start3A_204] : memref<40x64xi32, #tpu.memory_space<vmem>> -> memref<1x64xi32, #tpu.memory_space<vmem>>
          %dma_start3A_206 = tpu.memref_squeeze %dma_start3A_205 : memref<1x64xi32, #tpu.memory_space<vmem>> -> memref<64xi32, #tpu.memory_space<vmem>>
          %dma_start3A_207 = arith.constant 0 : i32
          %dma_start3A_208 = arith.constant 0 : i32
          %dma_start3A_209 = tpu.memref_slice %arg2[%dma_start3A_207, %dma_start3A_208] : memref<10240x128xf32, #tpu.memory_space<hbm>> -> memref<10240x128xf32, #tpu.memory_space<hbm>>
          tpu.enqueue_indirect_dma source(%dma_start3A_209 : memref<10240x128xf32, #tpu.memory_space<hbm>>) target(%arg9 : memref<64x128xf32, #tpu.memory_space<vmem>>) offsets(%dma_start3A_206 : memref<64xi32, #tpu.memory_space<vmem>>) semaphore(%arg14 : memref<!tpu.dma_semaphore, #tpu.memory_space<semaphore_mem>>)
        } else {
        }
        %mul3A_171 = arith.constant 4 : i32
        %mul3A_172 = arith.muli %scan3A_79, %mul3A_171 : i32
        %add3A_173 = arith.constant 3 : i32
        %add3A_174 = arith.addi %mul3A_172, %add3A_173 : i32
        %dma_wait3A_175 = arith.constant 0 : i32
        %dma_wait3A_176 = arith.constant 0 : i32
        %dma_wait3A_177 = tpu.memref_slice %arg7[%dma_wait3A_175, %dma_wait3A_176] : memref<40x64xi32, #tpu.memory_space<vmem>> -> memref<1x64xi32, #tpu.memory_space<vmem>>
        %dma_wait3A_178 = tpu.memref_squeeze %dma_wait3A_177 : memref<1x64xi32, #tpu.memory_space<vmem>> -> memref<64xi32, #tpu.memory_space<vmem>>
        %dma_wait3A_179 = arith.constant 0 : i32
        %dma_wait3A_180 = arith.constant 0 : i32
        %dma_wait3A_181 = tpu.memref_slice %arg2[%dma_wait3A_179, %dma_wait3A_180] : memref<10240x128xf32, #tpu.memory_space<hbm>> -> memref<10240x128xf32, #tpu.memory_space<hbm>>
        tpu.wait_indirect_dma semaphore(%arg17 : memref<!tpu.dma_semaphore, #tpu.memory_space<semaphore_mem>>) src(%dma_wait3A_181 : memref<10240x128xf32, #tpu.memory_space<hbm>>) dst(%arg12 : memref<64x128xf32, #tpu.memory_space<vmem>>)
        %dma_start3A_182 = arith.constant 0 : i32
        %dma_start3A_183 = tpu.memref_slice %arg8[%add3A_174, %dma_start3A_182] : memref<40x64xi32, #tpu.memory_space<vmem>> -> memref<1x64xi32, #tpu.memory_space<vmem>>
        %dma_start3A_184 = tpu.memref_squeeze %dma_start3A_183 : memref<1x64xi32, #tpu.memory_space<vmem>> -> memref<64xi32, #tpu.memory_space<vmem>>
        %dma_start3A_185 = arith.constant 0 : i32
        %dma_start3A_186 = arith.constant 0 : i32
        %dma_start3A_187 = tpu.memref_slice %arg13[%dma_start3A_185, %dma_start3A_186] : memref<10240x128xf32, #tpu.memory_space<vmem_shared>> -> memref<10240x128xf32, #tpu.memory_space<vmem_shared>>
        tpu.enqueue_indirect_dma source(%arg12 : memref<64x128xf32, #tpu.memory_space<vmem>>) target(%dma_start3A_187 : memref<10240x128xf32, #tpu.memory_space<vmem_shared>>) offsets(%dma_start3A_184 : memref<64xi32, #tpu.memory_space<vmem>>) semaphore(%arg21 : memref<!tpu.dma_semaphore, #tpu.memory_space<semaphore_mem>>) {add = true}
        %add3A_188 = arith.constant 2 : i32
        %add3A_189 = arith.addi %add3A_174, %add3A_188 : i32
        %ge3A_190 = arith.constant 4 : i32
        %ge3A_191 = arith.cmpi sge, %add3A_189, %ge3A_190 : i32
        %convert_element_type3A_192 = arith.extui %ge3A_191 : i1 to i32
        %cond3A_193 = arith.constant 0 : i32
        %cond3A_194 = arith.cmpi ne, %convert_element_type3A_192, %cond3A_193 : i32
        scf.if %cond3A_194 {
          %dma_wait3A_202 = arith.constant 0 : i32
          %dma_wait3A_203 = arith.constant 0 : i32
          %dma_wait3A_204 = tpu.memref_slice %arg8[%dma_wait3A_202, %dma_wait3A_203] : memref<40x64xi32, #tpu.memory_space<vmem>> -> memref<1x64xi32, #tpu.memory_space<vmem>>
          %dma_wait3A_205 = tpu.memref_squeeze %dma_wait3A_204 : memref<1x64xi32, #tpu.memory_space<vmem>> -> memref<64xi32, #tpu.memory_space<vmem>>
          %dma_wait3A_206 = arith.constant 0 : i32
          %dma_wait3A_207 = arith.constant 0 : i32
          %dma_wait3A_208 = tpu.memref_slice %arg13[%dma_wait3A_206, %dma_wait3A_207] : memref<10240x128xf32, #tpu.memory_space<vmem_shared>> -> memref<10240x128xf32, #tpu.memory_space<vmem_shared>>
          tpu.wait_indirect_dma semaphore(%arg19 : memref<!tpu.dma_semaphore, #tpu.memory_space<semaphore_mem>>) src(%arg10 : memref<64x128xf32, #tpu.memory_space<vmem>>) dst(%dma_wait3A_208 : memref<10240x128xf32, #tpu.memory_space<vmem_shared>>)
        } else {
        }
        %add3A_195 = arith.constant 2 : i32
        %add3A_196 = arith.addi %add3A_174, %add3A_195 : i32
        %lt3A_197 = arith.constant 40 : i32
        %lt3A_198 = arith.cmpi slt, %add3A_196, %lt3A_197 : i32
        %convert_element_type3A_199 = arith.extui %lt3A_198 : i1 to i32
        %cond3A_200 = arith.constant 0 : i32
        %cond3A_201 = arith.cmpi ne, %convert_element_type3A_199, %cond3A_200 : i32
        scf.if %cond3A_201 {
          %add3A_202 = arith.constant 2 : i32
          %add3A_203 = arith.addi %add3A_174, %add3A_202 : i32
          %dma_start3A_204 = arith.constant 0 : i32
          %dma_start3A_205 = tpu.memref_slice %arg7[%add3A_203, %dma_start3A_204] : memref<40x64xi32, #tpu.memory_space<vmem>> -> memref<1x64xi32, #tpu.memory_space<vmem>>
          %dma_start3A_206 = tpu.memref_squeeze %dma_start3A_205 : memref<1x64xi32, #tpu.memory_space<vmem>> -> memref<64xi32, #tpu.memory_space<vmem>>
          %dma_start3A_207 = arith.constant 0 : i32
          %dma_start3A_208 = arith.constant 0 : i32
          %dma_start3A_209 = tpu.memref_slice %arg2[%dma_start3A_207, %dma_start3A_208] : memref<10240x128xf32, #tpu.memory_space<hbm>> -> memref<10240x128xf32, #tpu.memory_space<hbm>>
          tpu.enqueue_indirect_dma source(%dma_start3A_209 : memref<10240x128xf32, #tpu.memory_space<hbm>>) target(%arg10 : memref<64x128xf32, #tpu.memory_space<vmem>>) offsets(%dma_start3A_206 : memref<64xi32, #tpu.memory_space<vmem>>) semaphore(%arg15 : memref<!tpu.dma_semaphore, #tpu.memory_space<semaphore_mem>>)
        } else {
        }
      }
      %scan3A_65 = arith.constant 10 : i32
      %dma_wait3A = arith.constant 0 : i32
      %dma_wait3A_66 = arith.constant 0 : i32
      %dma_wait3A_67 = tpu.memref_slice %arg8[%dma_wait3A, %dma_wait3A_66] : memref<40x64xi32, #tpu.memory_space<vmem>> -> memref<1x64xi32, #tpu.memory_space<vmem>>
      %dma_wait3A_68 = tpu.memref_squeeze %dma_wait3A_67 : memref<1x64xi32, #tpu.memory_space<vmem>> -> memref<64xi32, #tpu.memory_space<vmem>>
      %dma_wait3A_69 = arith.constant 0 : i32
      %dma_wait3A_70 = arith.constant 0 : i32
      %dma_wait3A_71 = tpu.memref_slice %arg13[%dma_wait3A_69, %dma_wait3A_70] : memref<10240x128xf32, #tpu.memory_space<vmem_shared>> -> memref<10240x128xf32, #tpu.memory_space<vmem_shared>>
      tpu.wait_indirect_dma semaphore(%arg20 : memref<!tpu.dma_semaphore, #tpu.memory_space<semaphore_mem>>) src(%arg11 : memref<64x128xf32, #tpu.memory_space<vmem>>) dst(%dma_wait3A_71 : memref<10240x128xf32, #tpu.memory_space<vmem_shared>>)
      %dma_wait3A_72 = arith.constant 0 : i32
      %dma_wait3A_73 = arith.constant 0 : i32
      %dma_wait3A_74 = tpu.memref_slice %arg8[%dma_wait3A_72, %dma_wait3A_73] : memref<40x64xi32, #tpu.memory_space<vmem>> -> memref<1x64xi32, #tpu.memory_space<vmem>>
      %dma_wait3A_75 = tpu.memref_squeeze %dma_wait3A_74 : memref<1x64xi32, #tpu.memory_space<vmem>> -> memref<64xi32, #tpu.memory_space<vmem>>
      %dma_wait3A_76 = arith.constant 0 : i32
      %dma_wait3A_77 = arith.constant 0 : i32
      %dma_wait3A_78 = tpu.memref_slice %arg13[%dma_wait3A_76, %dma_wait3A_77] : memref<10240x128xf32, #tpu.memory_space<vmem_shared>> -> memref<10240x128xf32, #tpu.memory_space<vmem_shared>>
      tpu.wait_indirect_dma semaphore(%arg21 : memref<!tpu.dma_semaphore, #tpu.memory_space<semaphore_mem>>) src(%arg12 : memref<64x128xf32, #tpu.memory_space<vmem>>) dst(%dma_wait3A_78 : memref<10240x128xf32, #tpu.memory_space<vmem_shared>>)
    } else {
    }
    %gt3A_24 = arith.constant 160 : i32
    %gt3A_25 = arith.cmpi sgt, %select_n3A_2, %gt3A_24 : i32
    %convert_element_type3A_26 = arith.extui %gt3A_25 : i1 to i32
    %cond3A_27 = arith.constant 0 : i32
    %cond3A_28 = arith.cmpi ne, %convert_element_type3A_26, %cond3A_27 : i32
    scf.if %cond3A_28 {
      %add3A_44 = arith.constant 160 : i32
      %add3A_45 = arith.addi %add3A, %add3A_44 : i32
      "tpu.region"() ({
        %run_scoped3A = tpu.sem_alloc : memref<!tpu.dma_semaphore, #tpu.memory_space<semaphore_mem>>
        %dma_start3A_79 = arith.constant 0 : i32
        %dma_start3A_80 = tpu.memref_slice %arg3[%add3A_45, %dma_start3A_79] : memref<5120x64xi32, #tpu.memory_space<hbm>> -> memref<40x64xi32, #tpu.memory_space<hbm>>
        %dma_start3A_81 = arith.constant 0 : i32
        %dma_start3A_82 = tpu.memref_slice %arg3[%add3A_45, %dma_start3A_81] : memref<5120x64xi32, #tpu.memory_space<hbm>> -> memref<40x64xi32, #tpu.memory_space<hbm>>
        tpu.enqueue_dma source(%dma_start3A_82 : memref<40x64xi32, #tpu.memory_space<hbm>>) target(%arg7 : memref<40x64xi32, #tpu.memory_space<vmem>>) target_semaphore(%run_scoped3A : memref<!tpu.dma_semaphore, #tpu.memory_space<semaphore_mem>>)
        %dma_wait3A_83 = arith.constant 0 : i32
        %dma_wait3A_84 = tpu.memref_slice %arg3[%add3A_45, %dma_wait3A_83] : memref<5120x64xi32, #tpu.memory_space<hbm>> -> memref<40x64xi32, #tpu.memory_space<hbm>>
        %dma_wait3A_85 = arith.constant 0 : i32
        %dma_wait3A_86 = tpu.memref_slice %arg3[%add3A_45, %dma_wait3A_85] : memref<5120x64xi32, #tpu.memory_space<hbm>> -> memref<40x64xi32, #tpu.memory_space<hbm>>
        tpu.wait_dma2 semaphore(%run_scoped3A : memref<!tpu.dma_semaphore, #tpu.memory_space<semaphore_mem>>) src(%dma_wait3A_86 : memref<40x64xi32, #tpu.memory_space<hbm>>) dst(%arg7 : memref<40x64xi32, #tpu.memory_space<vmem>>)
        tpu.yield
      }) : () -> ()
      %add3A_46 = arith.constant 160 : i32
      %add3A_47 = arith.addi %add3A, %add3A_46 : i32
      "tpu.region"() ({
        %run_scoped3A = tpu.sem_alloc : memref<!tpu.dma_semaphore, #tpu.memory_space<semaphore_mem>>
        %dma_start3A_79 = arith.constant 0 : i32
        %dma_start3A_80 = tpu.memref_slice %arg4[%add3A_47, %dma_start3A_79] : memref<5120x64xi32, #tpu.memory_space<hbm>> -> memref<40x64xi32, #tpu.memory_space<hbm>>
        %dma_start3A_81 = arith.constant 0 : i32
        %dma_start3A_82 = tpu.memref_slice %arg4[%add3A_47, %dma_start3A_81] : memref<5120x64xi32, #tpu.memory_space<hbm>> -> memref<40x64xi32, #tpu.memory_space<hbm>>
        tpu.enqueue_dma source(%dma_start3A_82 : memref<40x64xi32, #tpu.memory_space<hbm>>) target(%arg8 : memref<40x64xi32, #tpu.memory_space<vmem>>) target_semaphore(%run_scoped3A : memref<!tpu.dma_semaphore, #tpu.memory_space<semaphore_mem>>)
        %dma_wait3A_83 = arith.constant 0 : i32
        %dma_wait3A_84 = tpu.memref_slice %arg4[%add3A_47, %dma_wait3A_83] : memref<5120x64xi32, #tpu.memory_space<hbm>> -> memref<40x64xi32, #tpu.memory_space<hbm>>
        %dma_wait3A_85 = arith.constant 0 : i32
        %dma_wait3A_86 = tpu.memref_slice %arg4[%add3A_47, %dma_wait3A_85] : memref<5120x64xi32, #tpu.memory_space<hbm>> -> memref<40x64xi32, #tpu.memory_space<hbm>>
        tpu.wait_dma2 semaphore(%run_scoped3A : memref<!tpu.dma_semaphore, #tpu.memory_space<semaphore_mem>>) src(%dma_wait3A_86 : memref<40x64xi32, #tpu.memory_space<hbm>>) dst(%arg8 : memref<40x64xi32, #tpu.memory_space<vmem>>)
        tpu.yield
      }) : () -> ()
      %dma_start3A = arith.constant 0 : i32
      %dma_start3A_48 = arith.constant 0 : i32
      %dma_start3A_49 = tpu.memref_slice %arg7[%dma_start3A, %dma_start3A_48] : memref<40x64xi32, #tpu.memory_space<vmem>> -> memref<1x64xi32, #tpu.memory_space<vmem>>
      %dma_start3A_50 = tpu.memref_squeeze %dma_start3A_49 : memref<1x64xi32, #tpu.memory_space<vmem>> -> memref<64xi32, #tpu.memory_space<vmem>>
      %dma_start3A_51 = arith.constant 0 : i32
      %dma_start3A_52 = arith.constant 0 : i32
      %dma_start3A_53 = tpu.memref_slice %arg2[%dma_start3A_51, %dma_start3A_52] : memref<10240x128xf32, #tpu.memory_space<hbm>> -> memref<10240x128xf32, #tpu.memory_space<hbm>>
      tpu.enqueue_indirect_dma source(%dma_start3A_53 : memref<10240x128xf32, #tpu.memory_space<hbm>>) target(%arg9 : memref<64x128xf32, #tpu.memory_space<vmem>>) offsets(%dma_start3A_50 : memref<64xi32, #tpu.memory_space<vmem>>) semaphore(%arg14 : memref<!tpu.dma_semaphore, #tpu.memory_space<semaphore_mem>>)
      %dma_start3A_54 = arith.constant 1 : i32
      %dma_start3A_55 = arith.constant 0 : i32
      %dma_start3A_56 = tpu.memref_slice %arg7[%dma_start3A_54, %dma_start3A_55] : memref<40x64xi32, #tpu.memory_space<vmem>> -> memref<1x64xi32, #tpu.memory_space<vmem>>
      %dma_start3A_57 = tpu.memref_squeeze %dma_start3A_56 : memref<1x64xi32, #tpu.memory_space<vmem>> -> memref<64xi32, #tpu.memory_space<vmem>>
      %dma_start3A_58 = arith.constant 0 : i32
      %dma_start3A_59 = arith.constant 0 : i32
      %dma_start3A_60 = tpu.memref_slice %arg2[%dma_start3A_58, %dma_start3A_59] : memref<10240x128xf32, #tpu.memory_space<hbm>> -> memref<10240x128xf32, #tpu.memory_space<hbm>>
      tpu.enqueue_indirect_dma source(%dma_start3A_60 : memref<10240x128xf32, #tpu.memory_space<hbm>>) target(%arg10 : memref<64x128xf32, #tpu.memory_space<vmem>>) offsets(%dma_start3A_57 : memref<64xi32, #tpu.memory_space<vmem>>) semaphore(%arg15 : memref<!tpu.dma_semaphore, #tpu.memory_space<semaphore_mem>>)
      %scan3A = arith.constant 0 : i32
      %scan3A_61 = arith.constant 0 : i32
      %scan3A_62 = arith.constant 10 : i32
      %scan3A_63 = arith.addi %scan3A_61, %scan3A_62 : i32
      %scan3A_64 = arith.constant 1 : i32
      scf.for %scan3A_79 = %scan3A_61 to %scan3A_63 step %scan3A_64  : i32 {
        %mul3A_80 = arith.constant 4 : i32
        %mul3A_81 = arith.muli %scan3A_79, %mul3A_80 : i32
        %add3A_82 = arith.constant 0 : i32
        %add3A_83 = arith.addi %mul3A_81, %add3A_82 : i32
        %dma_wait3A_84 = arith.constant 0 : i32
        %dma_wait3A_85 = arith.constant 0 : i32
        %dma_wait3A_86 = tpu.memref_slice %arg7[%dma_wait3A_84, %dma_wait3A_85] : memref<40x64xi32, #tpu.memory_space<vmem>> -> memref<1x64xi32, #tpu.memory_space<vmem>>
        %dma_wait3A_87 = tpu.memref_squeeze %dma_wait3A_86 : memref<1x64xi32, #tpu.memory_space<vmem>> -> memref<64xi32, #tpu.memory_space<vmem>>
        %dma_wait3A_88 = arith.constant 0 : i32
        %dma_wait3A_89 = arith.constant 0 : i32
        %dma_wait3A_90 = tpu.memref_slice %arg2[%dma_wait3A_88, %dma_wait3A_89] : memref<10240x128xf32, #tpu.memory_space<hbm>> -> memref<10240x128xf32, #tpu.memory_space<hbm>>
        tpu.wait_indirect_dma semaphore(%arg14 : memref<!tpu.dma_semaphore, #tpu.memory_space<semaphore_mem>>) src(%dma_wait3A_90 : memref<10240x128xf32, #tpu.memory_space<hbm>>) dst(%arg9 : memref<64x128xf32, #tpu.memory_space<vmem>>)
        %dma_start3A_91 = arith.constant 0 : i32
        %dma_start3A_92 = tpu.memref_slice %arg8[%add3A_83, %dma_start3A_91] : memref<40x64xi32, #tpu.memory_space<vmem>> -> memref<1x64xi32, #tpu.memory_space<vmem>>
        %dma_start3A_93 = tpu.memref_squeeze %dma_start3A_92 : memref<1x64xi32, #tpu.memory_space<vmem>> -> memref<64xi32, #tpu.memory_space<vmem>>
        %dma_start3A_94 = arith.constant 0 : i32
        %dma_start3A_95 = arith.constant 0 : i32
        %dma_start3A_96 = tpu.memref_slice %arg13[%dma_start3A_94, %dma_start3A_95] : memref<10240x128xf32, #tpu.memory_space<vmem_shared>> -> memref<10240x128xf32, #tpu.memory_space<vmem_shared>>
        tpu.enqueue_indirect_dma source(%arg9 : memref<64x128xf32, #tpu.memory_space<vmem>>) target(%dma_start3A_96 : memref<10240x128xf32, #tpu.memory_space<vmem_shared>>) offsets(%dma_start3A_93 : memref<64xi32, #tpu.memory_space<vmem>>) semaphore(%arg18 : memref<!tpu.dma_semaphore, #tpu.memory_space<semaphore_mem>>) {add = true}
        %add3A_97 = arith.constant 2 : i32
        %add3A_98 = arith.addi %add3A_83, %add3A_97 : i32
        %ge3A = arith.constant 4 : i32
        %ge3A_99 = arith.cmpi sge, %add3A_98, %ge3A : i32
        %convert_element_type3A_100 = arith.extui %ge3A_99 : i1 to i32
        %cond3A_101 = arith.constant 0 : i32
        %cond3A_102 = arith.cmpi ne, %convert_element_type3A_100, %cond3A_101 : i32
        scf.if %cond3A_102 {
          %dma_wait3A_202 = arith.constant 0 : i32
          %dma_wait3A_203 = arith.constant 0 : i32
          %dma_wait3A_204 = tpu.memref_slice %arg8[%dma_wait3A_202, %dma_wait3A_203] : memref<40x64xi32, #tpu.memory_space<vmem>> -> memref<1x64xi32, #tpu.memory_space<vmem>>
          %dma_wait3A_205 = tpu.memref_squeeze %dma_wait3A_204 : memref<1x64xi32, #tpu.memory_space<vmem>> -> memref<64xi32, #tpu.memory_space<vmem>>
          %dma_wait3A_206 = arith.constant 0 : i32
          %dma_wait3A_207 = arith.constant 0 : i32
          %dma_wait3A_208 = tpu.memref_slice %arg13[%dma_wait3A_206, %dma_wait3A_207] : memref<10240x128xf32, #tpu.memory_space<vmem_shared>> -> memref<10240x128xf32, #tpu.memory_space<vmem_shared>>
          tpu.wait_indirect_dma semaphore(%arg20 : memref<!tpu.dma_semaphore, #tpu.memory_space<semaphore_mem>>) src(%arg11 : memref<64x128xf32, #tpu.memory_space<vmem>>) dst(%dma_wait3A_208 : memref<10240x128xf32, #tpu.memory_space<vmem_shared>>)
        } else {
        }
        %add3A_103 = arith.constant 2 : i32
        %add3A_104 = arith.addi %add3A_83, %add3A_103 : i32
        %lt3A = arith.constant 40 : i32
        %lt3A_105 = arith.cmpi slt, %add3A_104, %lt3A : i32
        %convert_element_type3A_106 = arith.extui %lt3A_105 : i1 to i32
        %cond3A_107 = arith.constant 0 : i32
        %cond3A_108 = arith.cmpi ne, %convert_element_type3A_106, %cond3A_107 : i32
        scf.if %cond3A_108 {
          %add3A_202 = arith.constant 2 : i32
          %add3A_203 = arith.addi %add3A_83, %add3A_202 : i32
          %dma_start3A_204 = arith.constant 0 : i32
          %dma_start3A_205 = tpu.memref_slice %arg7[%add3A_203, %dma_start3A_204] : memref<40x64xi32, #tpu.memory_space<vmem>> -> memref<1x64xi32, #tpu.memory_space<vmem>>
          %dma_start3A_206 = tpu.memref_squeeze %dma_start3A_205 : memref<1x64xi32, #tpu.memory_space<vmem>> -> memref<64xi32, #tpu.memory_space<vmem>>
          %dma_start3A_207 = arith.constant 0 : i32
          %dma_start3A_208 = arith.constant 0 : i32
          %dma_start3A_209 = tpu.memref_slice %arg2[%dma_start3A_207, %dma_start3A_208] : memref<10240x128xf32, #tpu.memory_space<hbm>> -> memref<10240x128xf32, #tpu.memory_space<hbm>>
          tpu.enqueue_indirect_dma source(%dma_start3A_209 : memref<10240x128xf32, #tpu.memory_space<hbm>>) target(%arg11 : memref<64x128xf32, #tpu.memory_space<vmem>>) offsets(%dma_start3A_206 : memref<64xi32, #tpu.memory_space<vmem>>) semaphore(%arg16 : memref<!tpu.dma_semaphore, #tpu.memory_space<semaphore_mem>>)
        } else {
        }
        %mul3A_109 = arith.constant 4 : i32
        %mul3A_110 = arith.muli %scan3A_79, %mul3A_109 : i32
        %add3A_111 = arith.constant 1 : i32
        %add3A_112 = arith.addi %mul3A_110, %add3A_111 : i32
        %dma_wait3A_113 = arith.constant 0 : i32
        %dma_wait3A_114 = arith.constant 0 : i32
        %dma_wait3A_115 = tpu.memref_slice %arg7[%dma_wait3A_113, %dma_wait3A_114] : memref<40x64xi32, #tpu.memory_space<vmem>> -> memref<1x64xi32, #tpu.memory_space<vmem>>
        %dma_wait3A_116 = tpu.memref_squeeze %dma_wait3A_115 : memref<1x64xi32, #tpu.memory_space<vmem>> -> memref<64xi32, #tpu.memory_space<vmem>>
        %dma_wait3A_117 = arith.constant 0 : i32
        %dma_wait3A_118 = arith.constant 0 : i32
        %dma_wait3A_119 = tpu.memref_slice %arg2[%dma_wait3A_117, %dma_wait3A_118] : memref<10240x128xf32, #tpu.memory_space<hbm>> -> memref<10240x128xf32, #tpu.memory_space<hbm>>
        tpu.wait_indirect_dma semaphore(%arg15 : memref<!tpu.dma_semaphore, #tpu.memory_space<semaphore_mem>>) src(%dma_wait3A_119 : memref<10240x128xf32, #tpu.memory_space<hbm>>) dst(%arg10 : memref<64x128xf32, #tpu.memory_space<vmem>>)
        %dma_start3A_120 = arith.constant 0 : i32
        %dma_start3A_121 = tpu.memref_slice %arg8[%add3A_112, %dma_start3A_120] : memref<40x64xi32, #tpu.memory_space<vmem>> -> memref<1x64xi32, #tpu.memory_space<vmem>>
        %dma_start3A_122 = tpu.memref_squeeze %dma_start3A_121 : memref<1x64xi32, #tpu.memory_space<vmem>> -> memref<64xi32, #tpu.memory_space<vmem>>
        %dma_start3A_123 = arith.constant 0 : i32
        %dma_start3A_124 = arith.constant 0 : i32
        %dma_start3A_125 = tpu.memref_slice %arg13[%dma_start3A_123, %dma_start3A_124] : memref<10240x128xf32, #tpu.memory_space<vmem_shared>> -> memref<10240x128xf32, #tpu.memory_space<vmem_shared>>
        tpu.enqueue_indirect_dma source(%arg10 : memref<64x128xf32, #tpu.memory_space<vmem>>) target(%dma_start3A_125 : memref<10240x128xf32, #tpu.memory_space<vmem_shared>>) offsets(%dma_start3A_122 : memref<64xi32, #tpu.memory_space<vmem>>) semaphore(%arg19 : memref<!tpu.dma_semaphore, #tpu.memory_space<semaphore_mem>>) {add = true}
        %add3A_126 = arith.constant 2 : i32
        %add3A_127 = arith.addi %add3A_112, %add3A_126 : i32
        %ge3A_128 = arith.constant 4 : i32
        %ge3A_129 = arith.cmpi sge, %add3A_127, %ge3A_128 : i32
        %convert_element_type3A_130 = arith.extui %ge3A_129 : i1 to i32
        %cond3A_131 = arith.constant 0 : i32
        %cond3A_132 = arith.cmpi ne, %convert_element_type3A_130, %cond3A_131 : i32
        scf.if %cond3A_132 {
          %dma_wait3A_202 = arith.constant 0 : i32
          %dma_wait3A_203 = arith.constant 0 : i32
          %dma_wait3A_204 = tpu.memref_slice %arg8[%dma_wait3A_202, %dma_wait3A_203] : memref<40x64xi32, #tpu.memory_space<vmem>> -> memref<1x64xi32, #tpu.memory_space<vmem>>
          %dma_wait3A_205 = tpu.memref_squeeze %dma_wait3A_204 : memref<1x64xi32, #tpu.memory_space<vmem>> -> memref<64xi32, #tpu.memory_space<vmem>>
          %dma_wait3A_206 = arith.constant 0 : i32
          %dma_wait3A_207 = arith.constant 0 : i32
          %dma_wait3A_208 = tpu.memref_slice %arg13[%dma_wait3A_206, %dma_wait3A_207] : memref<10240x128xf32, #tpu.memory_space<vmem_shared>> -> memref<10240x128xf32, #tpu.memory_space<vmem_shared>>
          tpu.wait_indirect_dma semaphore(%arg21 : memref<!tpu.dma_semaphore, #tpu.memory_space<semaphore_mem>>) src(%arg12 : memref<64x128xf32, #tpu.memory_space<vmem>>) dst(%dma_wait3A_208 : memref<10240x128xf32, #tpu.memory_space<vmem_shared>>)
        } else {
        }
        %add3A_133 = arith.constant 2 : i32
        %add3A_134 = arith.addi %add3A_112, %add3A_133 : i32
        %lt3A_135 = arith.constant 40 : i32
        %lt3A_136 = arith.cmpi slt, %add3A_134, %lt3A_135 : i32
        %convert_element_type3A_137 = arith.extui %lt3A_136 : i1 to i32
        %cond3A_138 = arith.constant 0 : i32
        %cond3A_139 = arith.cmpi ne, %convert_element_type3A_137, %cond3A_138 : i32
        scf.if %cond3A_139 {
          %add3A_202 = arith.constant 2 : i32
          %add3A_203 = arith.addi %add3A_112, %add3A_202 : i32
          %dma_start3A_204 = arith.constant 0 : i32
          %dma_start3A_205 = tpu.memref_slice %arg7[%add3A_203, %dma_start3A_204] : memref<40x64xi32, #tpu.memory_space<vmem>> -> memref<1x64xi32, #tpu.memory_space<vmem>>
          %dma_start3A_206 = tpu.memref_squeeze %dma_start3A_205 : memref<1x64xi32, #tpu.memory_space<vmem>> -> memref<64xi32, #tpu.memory_space<vmem>>
          %dma_start3A_207 = arith.constant 0 : i32
          %dma_start3A_208 = arith.constant 0 : i32
          %dma_start3A_209 = tpu.memref_slice %arg2[%dma_start3A_207, %dma_start3A_208] : memref<10240x128xf32, #tpu.memory_space<hbm>> -> memref<10240x128xf32, #tpu.memory_space<hbm>>
          tpu.enqueue_indirect_dma source(%dma_start3A_209 : memref<10240x128xf32, #tpu.memory_space<hbm>>) target(%arg12 : memref<64x128xf32, #tpu.memory_space<vmem>>) offsets(%dma_start3A_206 : memref<64xi32, #tpu.memory_space<vmem>>) semaphore(%arg17 : memref<!tpu.dma_semaphore, #tpu.memory_space<semaphore_mem>>)
        } else {
        }
        %mul3A_140 = arith.constant 4 : i32
        %mul3A_141 = arith.muli %scan3A_79, %mul3A_140 : i32
        %add3A_142 = arith.constant 2 : i32
        %add3A_143 = arith.addi %mul3A_141, %add3A_142 : i32
        %dma_wait3A_144 = arith.constant 0 : i32
        %dma_wait3A_145 = arith.constant 0 : i32
        %dma_wait3A_146 = tpu.memref_slice %arg7[%dma_wait3A_144, %dma_wait3A_145] : memref<40x64xi32, #tpu.memory_space<vmem>> -> memref<1x64xi32, #tpu.memory_space<vmem>>
        %dma_wait3A_147 = tpu.memref_squeeze %dma_wait3A_146 : memref<1x64xi32, #tpu.memory_space<vmem>> -> memref<64xi32, #tpu.memory_space<vmem>>
        %dma_wait3A_148 = arith.constant 0 : i32
        %dma_wait3A_149 = arith.constant 0 : i32
        %dma_wait3A_150 = tpu.memref_slice %arg2[%dma_wait3A_148, %dma_wait3A_149] : memref<10240x128xf32, #tpu.memory_space<hbm>> -> memref<10240x128xf32, #tpu.memory_space<hbm>>
        tpu.wait_indirect_dma semaphore(%arg16 : memref<!tpu.dma_semaphore, #tpu.memory_space<semaphore_mem>>) src(%dma_wait3A_150 : memref<10240x128xf32, #tpu.memory_space<hbm>>) dst(%arg11 : memref<64x128xf32, #tpu.memory_space<vmem>>)
        %dma_start3A_151 = arith.constant 0 : i32
        %dma_start3A_152 = tpu.memref_slice %arg8[%add3A_143, %dma_start3A_151] : memref<40x64xi32, #tpu.memory_space<vmem>> -> memref<1x64xi32, #tpu.memory_space<vmem>>
        %dma_start3A_153 = tpu.memref_squeeze %dma_start3A_152 : memref<1x64xi32, #tpu.memory_space<vmem>> -> memref<64xi32, #tpu.memory_space<vmem>>
        %dma_start3A_154 = arith.constant 0 : i32
        %dma_start3A_155 = arith.constant 0 : i32
        %dma_start3A_156 = tpu.memref_slice %arg13[%dma_start3A_154, %dma_start3A_155] : memref<10240x128xf32, #tpu.memory_space<vmem_shared>> -> memref<10240x128xf32, #tpu.memory_space<vmem_shared>>
        tpu.enqueue_indirect_dma source(%arg11 : memref<64x128xf32, #tpu.memory_space<vmem>>) target(%dma_start3A_156 : memref<10240x128xf32, #tpu.memory_space<vmem_shared>>) offsets(%dma_start3A_153 : memref<64xi32, #tpu.memory_space<vmem>>) semaphore(%arg20 : memref<!tpu.dma_semaphore, #tpu.memory_space<semaphore_mem>>) {add = true}
        %add3A_157 = arith.constant 2 : i32
        %add3A_158 = arith.addi %add3A_143, %add3A_157 : i32
        %ge3A_159 = arith.constant 4 : i32
        %ge3A_160 = arith.cmpi sge, %add3A_158, %ge3A_159 : i32
        %convert_element_type3A_161 = arith.extui %ge3A_160 : i1 to i32
        %cond3A_162 = arith.constant 0 : i32
        %cond3A_163 = arith.cmpi ne, %convert_element_type3A_161, %cond3A_162 : i32
        scf.if %cond3A_163 {
          %dma_wait3A_202 = arith.constant 0 : i32
          %dma_wait3A_203 = arith.constant 0 : i32
          %dma_wait3A_204 = tpu.memref_slice %arg8[%dma_wait3A_202, %dma_wait3A_203] : memref<40x64xi32, #tpu.memory_space<vmem>> -> memref<1x64xi32, #tpu.memory_space<vmem>>
          %dma_wait3A_205 = tpu.memref_squeeze %dma_wait3A_204 : memref<1x64xi32, #tpu.memory_space<vmem>> -> memref<64xi32, #tpu.memory_space<vmem>>
          %dma_wait3A_206 = arith.constant 0 : i32
          %dma_wait3A_207 = arith.constant 0 : i32
          %dma_wait3A_208 = tpu.memref_slice %arg13[%dma_wait3A_206, %dma_wait3A_207] : memref<10240x128xf32, #tpu.memory_space<vmem_shared>> -> memref<10240x128xf32, #tpu.memory_space<vmem_shared>>
          tpu.wait_indirect_dma semaphore(%arg18 : memref<!tpu.dma_semaphore, #tpu.memory_space<semaphore_mem>>) src(%arg9 : memref<64x128xf32, #tpu.memory_space<vmem>>) dst(%dma_wait3A_208 : memref<10240x128xf32, #tpu.memory_space<vmem_shared>>)
        } else {
        }
        %add3A_164 = arith.constant 2 : i32
        %add3A_165 = arith.addi %add3A_143, %add3A_164 : i32
        %lt3A_166 = arith.constant 40 : i32
        %lt3A_167 = arith.cmpi slt, %add3A_165, %lt3A_166 : i32
        %convert_element_type3A_168 = arith.extui %lt3A_167 : i1 to i32
        %cond3A_169 = arith.constant 0 : i32
        %cond3A_170 = arith.cmpi ne, %convert_element_type3A_168, %cond3A_169 : i32
        scf.if %cond3A_170 {
          %add3A_202 = arith.constant 2 : i32
          %add3A_203 = arith.addi %add3A_143, %add3A_202 : i32
          %dma_start3A_204 = arith.constant 0 : i32
          %dma_start3A_205 = tpu.memref_slice %arg7[%add3A_203, %dma_start3A_204] : memref<40x64xi32, #tpu.memory_space<vmem>> -> memref<1x64xi32, #tpu.memory_space<vmem>>
          %dma_start3A_206 = tpu.memref_squeeze %dma_start3A_205 : memref<1x64xi32, #tpu.memory_space<vmem>> -> memref<64xi32, #tpu.memory_space<vmem>>
          %dma_start3A_207 = arith.constant 0 : i32
          %dma_start3A_208 = arith.constant 0 : i32
          %dma_start3A_209 = tpu.memref_slice %arg2[%dma_start3A_207, %dma_start3A_208] : memref<10240x128xf32, #tpu.memory_space<hbm>> -> memref<10240x128xf32, #tpu.memory_space<hbm>>
          tpu.enqueue_indirect_dma source(%dma_start3A_209 : memref<10240x128xf32, #tpu.memory_space<hbm>>) target(%arg9 : memref<64x128xf32, #tpu.memory_space<vmem>>) offsets(%dma_start3A_206 : memref<64xi32, #tpu.memory_space<vmem>>) semaphore(%arg14 : memref<!tpu.dma_semaphore, #tpu.memory_space<semaphore_mem>>)
        } else {
        }
        %mul3A_171 = arith.constant 4 : i32
        %mul3A_172 = arith.muli %scan3A_79, %mul3A_171 : i32
        %add3A_173 = arith.constant 3 : i32
        %add3A_174 = arith.addi %mul3A_172, %add3A_173 : i32
        %dma_wait3A_175 = arith.constant 0 : i32
        %dma_wait3A_176 = arith.constant 0 : i32
        %dma_wait3A_177 = tpu.memref_slice %arg7[%dma_wait3A_175, %dma_wait3A_176] : memref<40x64xi32, #tpu.memory_space<vmem>> -> memref<1x64xi32, #tpu.memory_space<vmem>>
        %dma_wait3A_178 = tpu.memref_squeeze %dma_wait3A_177 : memref<1x64xi32, #tpu.memory_space<vmem>> -> memref<64xi32, #tpu.memory_space<vmem>>
        %dma_wait3A_179 = arith.constant 0 : i32
        %dma_wait3A_180 = arith.constant 0 : i32
        %dma_wait3A_181 = tpu.memref_slice %arg2[%dma_wait3A_179, %dma_wait3A_180] : memref<10240x128xf32, #tpu.memory_space<hbm>> -> memref<10240x128xf32, #tpu.memory_space<hbm>>
        tpu.wait_indirect_dma semaphore(%arg17 : memref<!tpu.dma_semaphore, #tpu.memory_space<semaphore_mem>>) src(%dma_wait3A_181 : memref<10240x128xf32, #tpu.memory_space<hbm>>) dst(%arg12 : memref<64x128xf32, #tpu.memory_space<vmem>>)
        %dma_start3A_182 = arith.constant 0 : i32
        %dma_start3A_183 = tpu.memref_slice %arg8[%add3A_174, %dma_start3A_182] : memref<40x64xi32, #tpu.memory_space<vmem>> -> memref<1x64xi32, #tpu.memory_space<vmem>>
        %dma_start3A_184 = tpu.memref_squeeze %dma_start3A_183 : memref<1x64xi32, #tpu.memory_space<vmem>> -> memref<64xi32, #tpu.memory_space<vmem>>
        %dma_start3A_185 = arith.constant 0 : i32
        %dma_start3A_186 = arith.constant 0 : i32
        %dma_start3A_187 = tpu.memref_slice %arg13[%dma_start3A_185, %dma_start3A_186] : memref<10240x128xf32, #tpu.memory_space<vmem_shared>> -> memref<10240x128xf32, #tpu.memory_space<vmem_shared>>
        tpu.enqueue_indirect_dma source(%arg12 : memref<64x128xf32, #tpu.memory_space<vmem>>) target(%dma_start3A_187 : memref<10240x128xf32, #tpu.memory_space<vmem_shared>>) offsets(%dma_start3A_184 : memref<64xi32, #tpu.memory_space<vmem>>) semaphore(%arg21 : memref<!tpu.dma_semaphore, #tpu.memory_space<semaphore_mem>>) {add = true}
        %add3A_188 = arith.constant 2 : i32
        %add3A_189 = arith.addi %add3A_174, %add3A_188 : i32
        %ge3A_190 = arith.constant 4 : i32
        %ge3A_191 = arith.cmpi sge, %add3A_189, %ge3A_190 : i32
        %convert_element_type3A_192 = arith.extui %ge3A_191 : i1 to i32
        %cond3A_193 = arith.constant 0 : i32
        %cond3A_194 = arith.cmpi ne, %convert_element_type3A_192, %cond3A_193 : i32
        scf.if %cond3A_194 {
          %dma_wait3A_202 = arith.constant 0 : i32
          %dma_wait3A_203 = arith.constant 0 : i32
          %dma_wait3A_204 = tpu.memref_slice %arg8[%dma_wait3A_202, %dma_wait3A_203] : memref<40x64xi32, #tpu.memory_space<vmem>> -> memref<1x64xi32, #tpu.memory_space<vmem>>
          %dma_wait3A_205 = tpu.memref_squeeze %dma_wait3A_204 : memref<1x64xi32, #tpu.memory_space<vmem>> -> memref<64xi32, #tpu.memory_space<vmem>>
          %dma_wait3A_206 = arith.constant 0 : i32
          %dma_wait3A_207 = arith.constant 0 : i32
          %dma_wait3A_208 = tpu.memref_slice %arg13[%dma_wait3A_206, %dma_wait3A_207] : memref<10240x128xf32, #tpu.memory_space<vmem_shared>> -> memref<10240x128xf32, #tpu.memory_space<vmem_shared>>
          tpu.wait_indirect_dma semaphore(%arg19 : memref<!tpu.dma_semaphore, #tpu.memory_space<semaphore_mem>>) src(%arg10 : memref<64x128xf32, #tpu.memory_space<vmem>>) dst(%dma_wait3A_208 : memref<10240x128xf32, #tpu.memory_space<vmem_shared>>)
        } else {
        }
        %add3A_195 = arith.constant 2 : i32
        %add3A_196 = arith.addi %add3A_174, %add3A_195 : i32
        %lt3A_197 = arith.constant 40 : i32
        %lt3A_198 = arith.cmpi slt, %add3A_196, %lt3A_197 : i32
        %convert_element_type3A_199 = arith.extui %lt3A_198 : i1 to i32
        %cond3A_200 = arith.constant 0 : i32
        %cond3A_201 = arith.cmpi ne, %convert_element_type3A_199, %cond3A_200 : i32
        scf.if %cond3A_201 {
          %add3A_202 = arith.constant 2 : i32
          %add3A_203 = arith.addi %add3A_174, %add3A_202 : i32
          %dma_start3A_204 = arith.constant 0 : i32
          %dma_start3A_205 = tpu.memref_slice %arg7[%add3A_203, %dma_start3A_204] : memref<40x64xi32, #tpu.memory_space<vmem>> -> memref<1x64xi32, #tpu.memory_space<vmem>>
          %dma_start3A_206 = tpu.memref_squeeze %dma_start3A_205 : memref<1x64xi32, #tpu.memory_space<vmem>> -> memref<64xi32, #tpu.memory_space<vmem>>
          %dma_start3A_207 = arith.constant 0 : i32
          %dma_start3A_208 = arith.constant 0 : i32
          %dma_start3A_209 = tpu.memref_slice %arg2[%dma_start3A_207, %dma_start3A_208] : memref<10240x128xf32, #tpu.memory_space<hbm>> -> memref<10240x128xf32, #tpu.memory_space<hbm>>
          tpu.enqueue_indirect_dma source(%dma_start3A_209 : memref<10240x128xf32, #tpu.memory_space<hbm>>) target(%arg10 : memref<64x128xf32, #tpu.memory_space<vmem>>) offsets(%dma_start3A_206 : memref<64xi32, #tpu.memory_space<vmem>>) semaphore(%arg15 : memref<!tpu.dma_semaphore, #tpu.memory_space<semaphore_mem>>)
        } else {
        }
      }
      %scan3A_65 = arith.constant 10 : i32
      %dma_wait3A = arith.constant 0 : i32
      %dma_wait3A_66 = arith.constant 0 : i32
      %dma_wait3A_67 = tpu.memref_slice %arg8[%dma_wait3A, %dma_wait3A_66] : memref<40x64xi32, #tpu.memory_space<vmem>> -> memref<1x64xi32, #tpu.memory_space<vmem>>
      %dma_wait3A_68 = tpu.memref_squeeze %dma_wait3A_67 : memref<1x64xi32, #tpu.memory_space<vmem>> -> memref<64xi32, #tpu.memory_space<vmem>>
      %dma_wait3A_69 = arith.constant 0 : i32
      %dma_wait3A_70 = arith.constant 0 : i32
      %dma_wait3A_71 = tpu.memref_slice %arg13[%dma_wait3A_69, %dma_wait3A_70] : memref<10240x128xf32, #tpu.memory_space<vmem_shared>> -> memref<10240x128xf32, #tpu.memory_space<vmem_shared>>
      tpu.wait_indirect_dma semaphore(%arg20 : memref<!tpu.dma_semaphore, #tpu.memory_space<semaphore_mem>>) src(%arg11 : memref<64x128xf32, #tpu.memory_space<vmem>>) dst(%dma_wait3A_71 : memref<10240x128xf32, #tpu.memory_space<vmem_shared>>)
      %dma_wait3A_72 = arith.constant 0 : i32
      %dma_wait3A_73 = arith.constant 0 : i32
      %dma_wait3A_74 = tpu.memref_slice %arg8[%dma_wait3A_72, %dma_wait3A_73] : memref<40x64xi32, #tpu.memory_space<vmem>> -> memref<1x64xi32, #tpu.memory_space<vmem>>
      %dma_wait3A_75 = tpu.memref_squeeze %dma_wait3A_74 : memref<1x64xi32, #tpu.memory_space<vmem>> -> memref<64xi32, #tpu.memory_space<vmem>>
      %dma_wait3A_76 = arith.constant 0 : i32
      %dma_wait3A_77 = arith.constant 0 : i32
      %dma_wait3A_78 = tpu.memref_slice %arg13[%dma_wait3A_76, %dma_wait3A_77] : memref<10240x128xf32, #tpu.memory_space<vmem_shared>> -> memref<10240x128xf32, #tpu.memory_space<vmem_shared>>
      tpu.wait_indirect_dma semaphore(%arg21 : memref<!tpu.dma_semaphore, #tpu.memory_space<semaphore_mem>>) src(%arg12 : memref<64x128xf32, #tpu.memory_space<vmem>>) dst(%dma_wait3A_78 : memref<10240x128xf32, #tpu.memory_space<vmem_shared>>)
    } else {
    }
    %gt3A_29 = arith.constant 200 : i32
    %gt3A_30 = arith.cmpi sgt, %select_n3A_2, %gt3A_29 : i32
    %convert_element_type3A_31 = arith.extui %gt3A_30 : i1 to i32
    %cond3A_32 = arith.constant 0 : i32
    %cond3A_33 = arith.cmpi ne, %convert_element_type3A_31, %cond3A_32 : i32
    scf.if %cond3A_33 {
      %add3A_44 = arith.constant 200 : i32
      %add3A_45 = arith.addi %add3A, %add3A_44 : i32
      "tpu.region"() ({
        %run_scoped3A = tpu.sem_alloc : memref<!tpu.dma_semaphore, #tpu.memory_space<semaphore_mem>>
        %dma_start3A_79 = arith.constant 0 : i32
        %dma_start3A_80 = tpu.memref_slice %arg3[%add3A_45, %dma_start3A_79] : memref<5120x64xi32, #tpu.memory_space<hbm>> -> memref<40x64xi32, #tpu.memory_space<hbm>>
        %dma_start3A_81 = arith.constant 0 : i32
        %dma_start3A_82 = tpu.memref_slice %arg3[%add3A_45, %dma_start3A_81] : memref<5120x64xi32, #tpu.memory_space<hbm>> -> memref<40x64xi32, #tpu.memory_space<hbm>>
        tpu.enqueue_dma source(%dma_start3A_82 : memref<40x64xi32, #tpu.memory_space<hbm>>) target(%arg7 : memref<40x64xi32, #tpu.memory_space<vmem>>) target_semaphore(%run_scoped3A : memref<!tpu.dma_semaphore, #tpu.memory_space<semaphore_mem>>)
        %dma_wait3A_83 = arith.constant 0 : i32
        %dma_wait3A_84 = tpu.memref_slice %arg3[%add3A_45, %dma_wait3A_83] : memref<5120x64xi32, #tpu.memory_space<hbm>> -> memref<40x64xi32, #tpu.memory_space<hbm>>
        %dma_wait3A_85 = arith.constant 0 : i32
        %dma_wait3A_86 = tpu.memref_slice %arg3[%add3A_45, %dma_wait3A_85] : memref<5120x64xi32, #tpu.memory_space<hbm>> -> memref<40x64xi32, #tpu.memory_space<hbm>>
        tpu.wait_dma2 semaphore(%run_scoped3A : memref<!tpu.dma_semaphore, #tpu.memory_space<semaphore_mem>>) src(%dma_wait3A_86 : memref<40x64xi32, #tpu.memory_space<hbm>>) dst(%arg7 : memref<40x64xi32, #tpu.memory_space<vmem>>)
        tpu.yield
      }) : () -> ()
      %add3A_46 = arith.constant 200 : i32
      %add3A_47 = arith.addi %add3A, %add3A_46 : i32
      "tpu.region"() ({
        %run_scoped3A = tpu.sem_alloc : memref<!tpu.dma_semaphore, #tpu.memory_space<semaphore_mem>>
        %dma_start3A_79 = arith.constant 0 : i32
        %dma_start3A_80 = tpu.memref_slice %arg4[%add3A_47, %dma_start3A_79] : memref<5120x64xi32, #tpu.memory_space<hbm>> -> memref<40x64xi32, #tpu.memory_space<hbm>>
        %dma_start3A_81 = arith.constant 0 : i32
        %dma_start3A_82 = tpu.memref_slice %arg4[%add3A_47, %dma_start3A_81] : memref<5120x64xi32, #tpu.memory_space<hbm>> -> memref<40x64xi32, #tpu.memory_space<hbm>>
        tpu.enqueue_dma source(%dma_start3A_82 : memref<40x64xi32, #tpu.memory_space<hbm>>) target(%arg8 : memref<40x64xi32, #tpu.memory_space<vmem>>) target_semaphore(%run_scoped3A : memref<!tpu.dma_semaphore, #tpu.memory_space<semaphore_mem>>)
        %dma_wait3A_83 = arith.constant 0 : i32
        %dma_wait3A_84 = tpu.memref_slice %arg4[%add3A_47, %dma_wait3A_83] : memref<5120x64xi32, #tpu.memory_space<hbm>> -> memref<40x64xi32, #tpu.memory_space<hbm>>
        %dma_wait3A_85 = arith.constant 0 : i32
        %dma_wait3A_86 = tpu.memref_slice %arg4[%add3A_47, %dma_wait3A_85] : memref<5120x64xi32, #tpu.memory_space<hbm>> -> memref<40x64xi32, #tpu.memory_space<hbm>>
        tpu.wait_dma2 semaphore(%run_scoped3A : memref<!tpu.dma_semaphore, #tpu.memory_space<semaphore_mem>>) src(%dma_wait3A_86 : memref<40x64xi32, #tpu.memory_space<hbm>>) dst(%arg8 : memref<40x64xi32, #tpu.memory_space<vmem>>)
        tpu.yield
      }) : () -> ()
      %dma_start3A = arith.constant 0 : i32
      %dma_start3A_48 = arith.constant 0 : i32
      %dma_start3A_49 = tpu.memref_slice %arg7[%dma_start3A, %dma_start3A_48] : memref<40x64xi32, #tpu.memory_space<vmem>> -> memref<1x64xi32, #tpu.memory_space<vmem>>
      %dma_start3A_50 = tpu.memref_squeeze %dma_start3A_49 : memref<1x64xi32, #tpu.memory_space<vmem>> -> memref<64xi32, #tpu.memory_space<vmem>>
      %dma_start3A_51 = arith.constant 0 : i32
      %dma_start3A_52 = arith.constant 0 : i32
      %dma_start3A_53 = tpu.memref_slice %arg2[%dma_start3A_51, %dma_start3A_52] : memref<10240x128xf32, #tpu.memory_space<hbm>> -> memref<10240x128xf32, #tpu.memory_space<hbm>>
      tpu.enqueue_indirect_dma source(%dma_start3A_53 : memref<10240x128xf32, #tpu.memory_space<hbm>>) target(%arg9 : memref<64x128xf32, #tpu.memory_space<vmem>>) offsets(%dma_start3A_50 : memref<64xi32, #tpu.memory_space<vmem>>) semaphore(%arg14 : memref<!tpu.dma_semaphore, #tpu.memory_space<semaphore_mem>>)
      %dma_start3A_54 = arith.constant 1 : i32
      %dma_start3A_55 = arith.constant 0 : i32
      %dma_start3A_56 = tpu.memref_slice %arg7[%dma_start3A_54, %dma_start3A_55] : memref<40x64xi32, #tpu.memory_space<vmem>> -> memref<1x64xi32, #tpu.memory_space<vmem>>
      %dma_start3A_57 = tpu.memref_squeeze %dma_start3A_56 : memref<1x64xi32, #tpu.memory_space<vmem>> -> memref<64xi32, #tpu.memory_space<vmem>>
      %dma_start3A_58 = arith.constant 0 : i32
      %dma_start3A_59 = arith.constant 0 : i32
      %dma_start3A_60 = tpu.memref_slice %arg2[%dma_start3A_58, %dma_start3A_59] : memref<10240x128xf32, #tpu.memory_space<hbm>> -> memref<10240x128xf32, #tpu.memory_space<hbm>>
      tpu.enqueue_indirect_dma source(%dma_start3A_60 : memref<10240x128xf32, #tpu.memory_space<hbm>>) target(%arg10 : memref<64x128xf32, #tpu.memory_space<vmem>>) offsets(%dma_start3A_57 : memref<64xi32, #tpu.memory_space<vmem>>) semaphore(%arg15 : memref<!tpu.dma_semaphore, #tpu.memory_space<semaphore_mem>>)
      %scan3A = arith.constant 0 : i32
      %scan3A_61 = arith.constant 0 : i32
      %scan3A_62 = arith.constant 10 : i32
      %scan3A_63 = arith.addi %scan3A_61, %scan3A_62 : i32
      %scan3A_64 = arith.constant 1 : i32
      scf.for %scan3A_79 = %scan3A_61 to %scan3A_63 step %scan3A_64  : i32 {
        %mul3A_80 = arith.constant 4 : i32
        %mul3A_81 = arith.muli %scan3A_79, %mul3A_80 : i32
        %add3A_82 = arith.constant 0 : i32
        %add3A_83 = arith.addi %mul3A_81, %add3A_82 : i32
        %dma_wait3A_84 = arith.constant 0 : i32
        %dma_wait3A_85 = arith.constant 0 : i32
        %dma_wait3A_86 = tpu.memref_slice %arg7[%dma_wait3A_84, %dma_wait3A_85] : memref<40x64xi32, #tpu.memory_space<vmem>> -> memref<1x64xi32, #tpu.memory_space<vmem>>
        %dma_wait3A_87 = tpu.memref_squeeze %dma_wait3A_86 : memref<1x64xi32, #tpu.memory_space<vmem>> -> memref<64xi32, #tpu.memory_space<vmem>>
        %dma_wait3A_88 = arith.constant 0 : i32
        %dma_wait3A_89 = arith.constant 0 : i32
        %dma_wait3A_90 = tpu.memref_slice %arg2[%dma_wait3A_88, %dma_wait3A_89] : memref<10240x128xf32, #tpu.memory_space<hbm>> -> memref<10240x128xf32, #tpu.memory_space<hbm>>
        tpu.wait_indirect_dma semaphore(%arg14 : memref<!tpu.dma_semaphore, #tpu.memory_space<semaphore_mem>>) src(%dma_wait3A_90 : memref<10240x128xf32, #tpu.memory_space<hbm>>) dst(%arg9 : memref<64x128xf32, #tpu.memory_space<vmem>>)
        %dma_start3A_91 = arith.constant 0 : i32
        %dma_start3A_92 = tpu.memref_slice %arg8[%add3A_83, %dma_start3A_91] : memref<40x64xi32, #tpu.memory_space<vmem>> -> memref<1x64xi32, #tpu.memory_space<vmem>>
        %dma_start3A_93 = tpu.memref_squeeze %dma_start3A_92 : memref<1x64xi32, #tpu.memory_space<vmem>> -> memref<64xi32, #tpu.memory_space<vmem>>
        %dma_start3A_94 = arith.constant 0 : i32
        %dma_start3A_95 = arith.constant 0 : i32
        %dma_start3A_96 = tpu.memref_slice %arg13[%dma_start3A_94, %dma_start3A_95] : memref<10240x128xf32, #tpu.memory_space<vmem_shared>> -> memref<10240x128xf32, #tpu.memory_space<vmem_shared>>
        tpu.enqueue_indirect_dma source(%arg9 : memref<64x128xf32, #tpu.memory_space<vmem>>) target(%dma_start3A_96 : memref<10240x128xf32, #tpu.memory_space<vmem_shared>>) offsets(%dma_start3A_93 : memref<64xi32, #tpu.memory_space<vmem>>) semaphore(%arg18 : memref<!tpu.dma_semaphore, #tpu.memory_space<semaphore_mem>>) {add = true}
        %add3A_97 = arith.constant 2 : i32
        %add3A_98 = arith.addi %add3A_83, %add3A_97 : i32
        %ge3A = arith.constant 4 : i32
        %ge3A_99 = arith.cmpi sge, %add3A_98, %ge3A : i32
        %convert_element_type3A_100 = arith.extui %ge3A_99 : i1 to i32
        %cond3A_101 = arith.constant 0 : i32
        %cond3A_102 = arith.cmpi ne, %convert_element_type3A_100, %cond3A_101 : i32
        scf.if %cond3A_102 {
          %dma_wait3A_202 = arith.constant 0 : i32
          %dma_wait3A_203 = arith.constant 0 : i32
          %dma_wait3A_204 = tpu.memref_slice %arg8[%dma_wait3A_202, %dma_wait3A_203] : memref<40x64xi32, #tpu.memory_space<vmem>> -> memref<1x64xi32, #tpu.memory_space<vmem>>
          %dma_wait3A_205 = tpu.memref_squeeze %dma_wait3A_204 : memref<1x64xi32, #tpu.memory_space<vmem>> -> memref<64xi32, #tpu.memory_space<vmem>>
          %dma_wait3A_206 = arith.constant 0 : i32
          %dma_wait3A_207 = arith.constant 0 : i32
          %dma_wait3A_208 = tpu.memref_slice %arg13[%dma_wait3A_206, %dma_wait3A_207] : memref<10240x128xf32, #tpu.memory_space<vmem_shared>> -> memref<10240x128xf32, #tpu.memory_space<vmem_shared>>
          tpu.wait_indirect_dma semaphore(%arg20 : memref<!tpu.dma_semaphore, #tpu.memory_space<semaphore_mem>>) src(%arg11 : memref<64x128xf32, #tpu.memory_space<vmem>>) dst(%dma_wait3A_208 : memref<10240x128xf32, #tpu.memory_space<vmem_shared>>)
        } else {
        }
        %add3A_103 = arith.constant 2 : i32
        %add3A_104 = arith.addi %add3A_83, %add3A_103 : i32
        %lt3A = arith.constant 40 : i32
        %lt3A_105 = arith.cmpi slt, %add3A_104, %lt3A : i32
        %convert_element_type3A_106 = arith.extui %lt3A_105 : i1 to i32
        %cond3A_107 = arith.constant 0 : i32
        %cond3A_108 = arith.cmpi ne, %convert_element_type3A_106, %cond3A_107 : i32
        scf.if %cond3A_108 {
          %add3A_202 = arith.constant 2 : i32
          %add3A_203 = arith.addi %add3A_83, %add3A_202 : i32
          %dma_start3A_204 = arith.constant 0 : i32
          %dma_start3A_205 = tpu.memref_slice %arg7[%add3A_203, %dma_start3A_204] : memref<40x64xi32, #tpu.memory_space<vmem>> -> memref<1x64xi32, #tpu.memory_space<vmem>>
          %dma_start3A_206 = tpu.memref_squeeze %dma_start3A_205 : memref<1x64xi32, #tpu.memory_space<vmem>> -> memref<64xi32, #tpu.memory_space<vmem>>
          %dma_start3A_207 = arith.constant 0 : i32
          %dma_start3A_208 = arith.constant 0 : i32
          %dma_start3A_209 = tpu.memref_slice %arg2[%dma_start3A_207, %dma_start3A_208] : memref<10240x128xf32, #tpu.memory_space<hbm>> -> memref<10240x128xf32, #tpu.memory_space<hbm>>
          tpu.enqueue_indirect_dma source(%dma_start3A_209 : memref<10240x128xf32, #tpu.memory_space<hbm>>) target(%arg11 : memref<64x128xf32, #tpu.memory_space<vmem>>) offsets(%dma_start3A_206 : memref<64xi32, #tpu.memory_space<vmem>>) semaphore(%arg16 : memref<!tpu.dma_semaphore, #tpu.memory_space<semaphore_mem>>)
        } else {
        }
        %mul3A_109 = arith.constant 4 : i32
        %mul3A_110 = arith.muli %scan3A_79, %mul3A_109 : i32
        %add3A_111 = arith.constant 1 : i32
        %add3A_112 = arith.addi %mul3A_110, %add3A_111 : i32
        %dma_wait3A_113 = arith.constant 0 : i32
        %dma_wait3A_114 = arith.constant 0 : i32
        %dma_wait3A_115 = tpu.memref_slice %arg7[%dma_wait3A_113, %dma_wait3A_114] : memref<40x64xi32, #tpu.memory_space<vmem>> -> memref<1x64xi32, #tpu.memory_space<vmem>>
        %dma_wait3A_116 = tpu.memref_squeeze %dma_wait3A_115 : memref<1x64xi32, #tpu.memory_space<vmem>> -> memref<64xi32, #tpu.memory_space<vmem>>
        %dma_wait3A_117 = arith.constant 0 : i32
        %dma_wait3A_118 = arith.constant 0 : i32
        %dma_wait3A_119 = tpu.memref_slice %arg2[%dma_wait3A_117, %dma_wait3A_118] : memref<10240x128xf32, #tpu.memory_space<hbm>> -> memref<10240x128xf32, #tpu.memory_space<hbm>>
        tpu.wait_indirect_dma semaphore(%arg15 : memref<!tpu.dma_semaphore, #tpu.memory_space<semaphore_mem>>) src(%dma_wait3A_119 : memref<10240x128xf32, #tpu.memory_space<hbm>>) dst(%arg10 : memref<64x128xf32, #tpu.memory_space<vmem>>)
        %dma_start3A_120 = arith.constant 0 : i32
        %dma_start3A_121 = tpu.memref_slice %arg8[%add3A_112, %dma_start3A_120] : memref<40x64xi32, #tpu.memory_space<vmem>> -> memref<1x64xi32, #tpu.memory_space<vmem>>
        %dma_start3A_122 = tpu.memref_squeeze %dma_start3A_121 : memref<1x64xi32, #tpu.memory_space<vmem>> -> memref<64xi32, #tpu.memory_space<vmem>>
        %dma_start3A_123 = arith.constant 0 : i32
        %dma_start3A_124 = arith.constant 0 : i32
        %dma_start3A_125 = tpu.memref_slice %arg13[%dma_start3A_123, %dma_start3A_124] : memref<10240x128xf32, #tpu.memory_space<vmem_shared>> -> memref<10240x128xf32, #tpu.memory_space<vmem_shared>>
        tpu.enqueue_indirect_dma source(%arg10 : memref<64x128xf32, #tpu.memory_space<vmem>>) target(%dma_start3A_125 : memref<10240x128xf32, #tpu.memory_space<vmem_shared>>) offsets(%dma_start3A_122 : memref<64xi32, #tpu.memory_space<vmem>>) semaphore(%arg19 : memref<!tpu.dma_semaphore, #tpu.memory_space<semaphore_mem>>) {add = true}
        %add3A_126 = arith.constant 2 : i32
        %add3A_127 = arith.addi %add3A_112, %add3A_126 : i32
        %ge3A_128 = arith.constant 4 : i32
        %ge3A_129 = arith.cmpi sge, %add3A_127, %ge3A_128 : i32
        %convert_element_type3A_130 = arith.extui %ge3A_129 : i1 to i32
        %cond3A_131 = arith.constant 0 : i32
        %cond3A_132 = arith.cmpi ne, %convert_element_type3A_130, %cond3A_131 : i32
        scf.if %cond3A_132 {
          %dma_wait3A_202 = arith.constant 0 : i32
          %dma_wait3A_203 = arith.constant 0 : i32
          %dma_wait3A_204 = tpu.memref_slice %arg8[%dma_wait3A_202, %dma_wait3A_203] : memref<40x64xi32, #tpu.memory_space<vmem>> -> memref<1x64xi32, #tpu.memory_space<vmem>>
          %dma_wait3A_205 = tpu.memref_squeeze %dma_wait3A_204 : memref<1x64xi32, #tpu.memory_space<vmem>> -> memref<64xi32, #tpu.memory_space<vmem>>
          %dma_wait3A_206 = arith.constant 0 : i32
          %dma_wait3A_207 = arith.constant 0 : i32
          %dma_wait3A_208 = tpu.memref_slice %arg13[%dma_wait3A_206, %dma_wait3A_207] : memref<10240x128xf32, #tpu.memory_space<vmem_shared>> -> memref<10240x128xf32, #tpu.memory_space<vmem_shared>>
          tpu.wait_indirect_dma semaphore(%arg21 : memref<!tpu.dma_semaphore, #tpu.memory_space<semaphore_mem>>) src(%arg12 : memref<64x128xf32, #tpu.memory_space<vmem>>) dst(%dma_wait3A_208 : memref<10240x128xf32, #tpu.memory_space<vmem_shared>>)
        } else {
        }
        %add3A_133 = arith.constant 2 : i32
        %add3A_134 = arith.addi %add3A_112, %add3A_133 : i32
        %lt3A_135 = arith.constant 40 : i32
        %lt3A_136 = arith.cmpi slt, %add3A_134, %lt3A_135 : i32
        %convert_element_type3A_137 = arith.extui %lt3A_136 : i1 to i32
        %cond3A_138 = arith.constant 0 : i32
        %cond3A_139 = arith.cmpi ne, %convert_element_type3A_137, %cond3A_138 : i32
        scf.if %cond3A_139 {
          %add3A_202 = arith.constant 2 : i32
          %add3A_203 = arith.addi %add3A_112, %add3A_202 : i32
          %dma_start3A_204 = arith.constant 0 : i32
          %dma_start3A_205 = tpu.memref_slice %arg7[%add3A_203, %dma_start3A_204] : memref<40x64xi32, #tpu.memory_space<vmem>> -> memref<1x64xi32, #tpu.memory_space<vmem>>
          %dma_start3A_206 = tpu.memref_squeeze %dma_start3A_205 : memref<1x64xi32, #tpu.memory_space<vmem>> -> memref<64xi32, #tpu.memory_space<vmem>>
          %dma_start3A_207 = arith.constant 0 : i32
          %dma_start3A_208 = arith.constant 0 : i32
          %dma_start3A_209 = tpu.memref_slice %arg2[%dma_start3A_207, %dma_start3A_208] : memref<10240x128xf32, #tpu.memory_space<hbm>> -> memref<10240x128xf32, #tpu.memory_space<hbm>>
          tpu.enqueue_indirect_dma source(%dma_start3A_209 : memref<10240x128xf32, #tpu.memory_space<hbm>>) target(%arg12 : memref<64x128xf32, #tpu.memory_space<vmem>>) offsets(%dma_start3A_206 : memref<64xi32, #tpu.memory_space<vmem>>) semaphore(%arg17 : memref<!tpu.dma_semaphore, #tpu.memory_space<semaphore_mem>>)
        } else {
        }
        %mul3A_140 = arith.constant 4 : i32
        %mul3A_141 = arith.muli %scan3A_79, %mul3A_140 : i32
        %add3A_142 = arith.constant 2 : i32
        %add3A_143 = arith.addi %mul3A_141, %add3A_142 : i32
        %dma_wait3A_144 = arith.constant 0 : i32
        %dma_wait3A_145 = arith.constant 0 : i32
        %dma_wait3A_146 = tpu.memref_slice %arg7[%dma_wait3A_144, %dma_wait3A_145] : memref<40x64xi32, #tpu.memory_space<vmem>> -> memref<1x64xi32, #tpu.memory_space<vmem>>
        %dma_wait3A_147 = tpu.memref_squeeze %dma_wait3A_146 : memref<1x64xi32, #tpu.memory_space<vmem>> -> memref<64xi32, #tpu.memory_space<vmem>>
        %dma_wait3A_148 = arith.constant 0 : i32
        %dma_wait3A_149 = arith.constant 0 : i32
        %dma_wait3A_150 = tpu.memref_slice %arg2[%dma_wait3A_148, %dma_wait3A_149] : memref<10240x128xf32, #tpu.memory_space<hbm>> -> memref<10240x128xf32, #tpu.memory_space<hbm>>
        tpu.wait_indirect_dma semaphore(%arg16 : memref<!tpu.dma_semaphore, #tpu.memory_space<semaphore_mem>>) src(%dma_wait3A_150 : memref<10240x128xf32, #tpu.memory_space<hbm>>) dst(%arg11 : memref<64x128xf32, #tpu.memory_space<vmem>>)
        %dma_start3A_151 = arith.constant 0 : i32
        %dma_start3A_152 = tpu.memref_slice %arg8[%add3A_143, %dma_start3A_151] : memref<40x64xi32, #tpu.memory_space<vmem>> -> memref<1x64xi32, #tpu.memory_space<vmem>>
        %dma_start3A_153 = tpu.memref_squeeze %dma_start3A_152 : memref<1x64xi32, #tpu.memory_space<vmem>> -> memref<64xi32, #tpu.memory_space<vmem>>
        %dma_start3A_154 = arith.constant 0 : i32
        %dma_start3A_155 = arith.constant 0 : i32
        %dma_start3A_156 = tpu.memref_slice %arg13[%dma_start3A_154, %dma_start3A_155] : memref<10240x128xf32, #tpu.memory_space<vmem_shared>> -> memref<10240x128xf32, #tpu.memory_space<vmem_shared>>
        tpu.enqueue_indirect_dma source(%arg11 : memref<64x128xf32, #tpu.memory_space<vmem>>) target(%dma_start3A_156 : memref<10240x128xf32, #tpu.memory_space<vmem_shared>>) offsets(%dma_start3A_153 : memref<64xi32, #tpu.memory_space<vmem>>) semaphore(%arg20 : memref<!tpu.dma_semaphore, #tpu.memory_space<semaphore_mem>>) {add = true}
        %add3A_157 = arith.constant 2 : i32
        %add3A_158 = arith.addi %add3A_143, %add3A_157 : i32
        %ge3A_159 = arith.constant 4 : i32
        %ge3A_160 = arith.cmpi sge, %add3A_158, %ge3A_159 : i32
        %convert_element_type3A_161 = arith.extui %ge3A_160 : i1 to i32
        %cond3A_162 = arith.constant 0 : i32
        %cond3A_163 = arith.cmpi ne, %convert_element_type3A_161, %cond3A_162 : i32
        scf.if %cond3A_163 {
          %dma_wait3A_202 = arith.constant 0 : i32
          %dma_wait3A_203 = arith.constant 0 : i32
          %dma_wait3A_204 = tpu.memref_slice %arg8[%dma_wait3A_202, %dma_wait3A_203] : memref<40x64xi32, #tpu.memory_space<vmem>> -> memref<1x64xi32, #tpu.memory_space<vmem>>
          %dma_wait3A_205 = tpu.memref_squeeze %dma_wait3A_204 : memref<1x64xi32, #tpu.memory_space<vmem>> -> memref<64xi32, #tpu.memory_space<vmem>>
          %dma_wait3A_206 = arith.constant 0 : i32
          %dma_wait3A_207 = arith.constant 0 : i32
          %dma_wait3A_208 = tpu.memref_slice %arg13[%dma_wait3A_206, %dma_wait3A_207] : memref<10240x128xf32, #tpu.memory_space<vmem_shared>> -> memref<10240x128xf32, #tpu.memory_space<vmem_shared>>
          tpu.wait_indirect_dma semaphore(%arg18 : memref<!tpu.dma_semaphore, #tpu.memory_space<semaphore_mem>>) src(%arg9 : memref<64x128xf32, #tpu.memory_space<vmem>>) dst(%dma_wait3A_208 : memref<10240x128xf32, #tpu.memory_space<vmem_shared>>)
        } else {
        }
        %add3A_164 = arith.constant 2 : i32
        %add3A_165 = arith.addi %add3A_143, %add3A_164 : i32
        %lt3A_166 = arith.constant 40 : i32
        %lt3A_167 = arith.cmpi slt, %add3A_165, %lt3A_166 : i32
        %convert_element_type3A_168 = arith.extui %lt3A_167 : i1 to i32
        %cond3A_169 = arith.constant 0 : i32
        %cond3A_170 = arith.cmpi ne, %convert_element_type3A_168, %cond3A_169 : i32
        scf.if %cond3A_170 {
          %add3A_202 = arith.constant 2 : i32
          %add3A_203 = arith.addi %add3A_143, %add3A_202 : i32
          %dma_start3A_204 = arith.constant 0 : i32
          %dma_start3A_205 = tpu.memref_slice %arg7[%add3A_203, %dma_start3A_204] : memref<40x64xi32, #tpu.memory_space<vmem>> -> memref<1x64xi32, #tpu.memory_space<vmem>>
          %dma_start3A_206 = tpu.memref_squeeze %dma_start3A_205 : memref<1x64xi32, #tpu.memory_space<vmem>> -> memref<64xi32, #tpu.memory_space<vmem>>
          %dma_start3A_207 = arith.constant 0 : i32
          %dma_start3A_208 = arith.constant 0 : i32
          %dma_start3A_209 = tpu.memref_slice %arg2[%dma_start3A_207, %dma_start3A_208] : memref<10240x128xf32, #tpu.memory_space<hbm>> -> memref<10240x128xf32, #tpu.memory_space<hbm>>
          tpu.enqueue_indirect_dma source(%dma_start3A_209 : memref<10240x128xf32, #tpu.memory_space<hbm>>) target(%arg9 : memref<64x128xf32, #tpu.memory_space<vmem>>) offsets(%dma_start3A_206 : memref<64xi32, #tpu.memory_space<vmem>>) semaphore(%arg14 : memref<!tpu.dma_semaphore, #tpu.memory_space<semaphore_mem>>)
        } else {
        }
        %mul3A_171 = arith.constant 4 : i32
        %mul3A_172 = arith.muli %scan3A_79, %mul3A_171 : i32
        %add3A_173 = arith.constant 3 : i32
        %add3A_174 = arith.addi %mul3A_172, %add3A_173 : i32
        %dma_wait3A_175 = arith.constant 0 : i32
        %dma_wait3A_176 = arith.constant 0 : i32
        %dma_wait3A_177 = tpu.memref_slice %arg7[%dma_wait3A_175, %dma_wait3A_176] : memref<40x64xi32, #tpu.memory_space<vmem>> -> memref<1x64xi32, #tpu.memory_space<vmem>>
        %dma_wait3A_178 = tpu.memref_squeeze %dma_wait3A_177 : memref<1x64xi32, #tpu.memory_space<vmem>> -> memref<64xi32, #tpu.memory_space<vmem>>
        %dma_wait3A_179 = arith.constant 0 : i32
        %dma_wait3A_180 = arith.constant 0 : i32
        %dma_wait3A_181 = tpu.memref_slice %arg2[%dma_wait3A_179, %dma_wait3A_180] : memref<10240x128xf32, #tpu.memory_space<hbm>> -> memref<10240x128xf32, #tpu.memory_space<hbm>>
        tpu.wait_indirect_dma semaphore(%arg17 : memref<!tpu.dma_semaphore, #tpu.memory_space<semaphore_mem>>) src(%dma_wait3A_181 : memref<10240x128xf32, #tpu.memory_space<hbm>>) dst(%arg12 : memref<64x128xf32, #tpu.memory_space<vmem>>)
        %dma_start3A_182 = arith.constant 0 : i32
        %dma_start3A_183 = tpu.memref_slice %arg8[%add3A_174, %dma_start3A_182] : memref<40x64xi32, #tpu.memory_space<vmem>> -> memref<1x64xi32, #tpu.memory_space<vmem>>
        %dma_start3A_184 = tpu.memref_squeeze %dma_start3A_183 : memref<1x64xi32, #tpu.memory_space<vmem>> -> memref<64xi32, #tpu.memory_space<vmem>>
        %dma_start3A_185 = arith.constant 0 : i32
        %dma_start3A_186 = arith.constant 0 : i32
        %dma_start3A_187 = tpu.memref_slice %arg13[%dma_start3A_185, %dma_start3A_186] : memref<10240x128xf32, #tpu.memory_space<vmem_shared>> -> memref<10240x128xf32, #tpu.memory_space<vmem_shared>>
        tpu.enqueue_indirect_dma source(%arg12 : memref<64x128xf32, #tpu.memory_space<vmem>>) target(%dma_start3A_187 : memref<10240x128xf32, #tpu.memory_space<vmem_shared>>) offsets(%dma_start3A_184 : memref<64xi32, #tpu.memory_space<vmem>>) semaphore(%arg21 : memref<!tpu.dma_semaphore, #tpu.memory_space<semaphore_mem>>) {add = true}
        %add3A_188 = arith.constant 2 : i32
        %add3A_189 = arith.addi %add3A_174, %add3A_188 : i32
        %ge3A_190 = arith.constant 4 : i32
        %ge3A_191 = arith.cmpi sge, %add3A_189, %ge3A_190 : i32
        %convert_element_type3A_192 = arith.extui %ge3A_191 : i1 to i32
        %cond3A_193 = arith.constant 0 : i32
        %cond3A_194 = arith.cmpi ne, %convert_element_type3A_192, %cond3A_193 : i32
        scf.if %cond3A_194 {
          %dma_wait3A_202 = arith.constant 0 : i32
          %dma_wait3A_203 = arith.constant 0 : i32
          %dma_wait3A_204 = tpu.memref_slice %arg8[%dma_wait3A_202, %dma_wait3A_203] : memref<40x64xi32, #tpu.memory_space<vmem>> -> memref<1x64xi32, #tpu.memory_space<vmem>>
          %dma_wait3A_205 = tpu.memref_squeeze %dma_wait3A_204 : memref<1x64xi32, #tpu.memory_space<vmem>> -> memref<64xi32, #tpu.memory_space<vmem>>
          %dma_wait3A_206 = arith.constant 0 : i32
          %dma_wait3A_207 = arith.constant 0 : i32
          %dma_wait3A_208 = tpu.memref_slice %arg13[%dma_wait3A_206, %dma_wait3A_207] : memref<10240x128xf32, #tpu.memory_space<vmem_shared>> -> memref<10240x128xf32, #tpu.memory_space<vmem_shared>>
          tpu.wait_indirect_dma semaphore(%arg19 : memref<!tpu.dma_semaphore, #tpu.memory_space<semaphore_mem>>) src(%arg10 : memref<64x128xf32, #tpu.memory_space<vmem>>) dst(%dma_wait3A_208 : memref<10240x128xf32, #tpu.memory_space<vmem_shared>>)
        } else {
        }
        %add3A_195 = arith.constant 2 : i32
        %add3A_196 = arith.addi %add3A_174, %add3A_195 : i32
        %lt3A_197 = arith.constant 40 : i32
        %lt3A_198 = arith.cmpi slt, %add3A_196, %lt3A_197 : i32
        %convert_element_type3A_199 = arith.extui %lt3A_198 : i1 to i32
        %cond3A_200 = arith.constant 0 : i32
        %cond3A_201 = arith.cmpi ne, %convert_element_type3A_199, %cond3A_200 : i32
        scf.if %cond3A_201 {
          %add3A_202 = arith.constant 2 : i32
          %add3A_203 = arith.addi %add3A_174, %add3A_202 : i32
          %dma_start3A_204 = arith.constant 0 : i32
          %dma_start3A_205 = tpu.memref_slice %arg7[%add3A_203, %dma_start3A_204] : memref<40x64xi32, #tpu.memory_space<vmem>> -> memref<1x64xi32, #tpu.memory_space<vmem>>
          %dma_start3A_206 = tpu.memref_squeeze %dma_start3A_205 : memref<1x64xi32, #tpu.memory_space<vmem>> -> memref<64xi32, #tpu.memory_space<vmem>>
          %dma_start3A_207 = arith.constant 0 : i32
          %dma_start3A_208 = arith.constant 0 : i32
          %dma_start3A_209 = tpu.memref_slice %arg2[%dma_start3A_207, %dma_start3A_208] : memref<10240x128xf32, #tpu.memory_space<hbm>> -> memref<10240x128xf32, #tpu.memory_space<hbm>>
          tpu.enqueue_indirect_dma source(%dma_start3A_209 : memref<10240x128xf32, #tpu.memory_space<hbm>>) target(%arg10 : memref<64x128xf32, #tpu.memory_space<vmem>>) offsets(%dma_start3A_206 : memref<64xi32, #tpu.memory_space<vmem>>) semaphore(%arg15 : memref<!tpu.dma_semaphore, #tpu.memory_space<semaphore_mem>>)
        } else {
        }
      }
      %scan3A_65 = arith.constant 10 : i32
      %dma_wait3A = arith.constant 0 : i32
      %dma_wait3A_66 = arith.constant 0 : i32
      %dma_wait3A_67 = tpu.memref_slice %arg8[%dma_wait3A, %dma_wait3A_66] : memref<40x64xi32, #tpu.memory_space<vmem>> -> memref<1x64xi32, #tpu.memory_space<vmem>>
      %dma_wait3A_68 = tpu.memref_squeeze %dma_wait3A_67 : memref<1x64xi32, #tpu.memory_space<vmem>> -> memref<64xi32, #tpu.memory_space<vmem>>
      %dma_wait3A_69 = arith.constant 0 : i32
      %dma_wait3A_70 = arith.constant 0 : i32
      %dma_wait3A_71 = tpu.memref_slice %arg13[%dma_wait3A_69, %dma_wait3A_70] : memref<10240x128xf32, #tpu.memory_space<vmem_shared>> -> memref<10240x128xf32, #tpu.memory_space<vmem_shared>>
      tpu.wait_indirect_dma semaphore(%arg20 : memref<!tpu.dma_semaphore, #tpu.memory_space<semaphore_mem>>) src(%arg11 : memref<64x128xf32, #tpu.memory_space<vmem>>) dst(%dma_wait3A_71 : memref<10240x128xf32, #tpu.memory_space<vmem_shared>>)
      %dma_wait3A_72 = arith.constant 0 : i32
      %dma_wait3A_73 = arith.constant 0 : i32
      %dma_wait3A_74 = tpu.memref_slice %arg8[%dma_wait3A_72, %dma_wait3A_73] : memref<40x64xi32, #tpu.memory_space<vmem>> -> memref<1x64xi32, #tpu.memory_space<vmem>>
      %dma_wait3A_75 = tpu.memref_squeeze %dma_wait3A_74 : memref<1x64xi32, #tpu.memory_space<vmem>> -> memref<64xi32, #tpu.memory_space<vmem>>
      %dma_wait3A_76 = arith.constant 0 : i32
      %dma_wait3A_77 = arith.constant 0 : i32
      %dma_wait3A_78 = tpu.memref_slice %arg13[%dma_wait3A_76, %dma_wait3A_77] : memref<10240x128xf32, #tpu.memory_space<vmem_shared>> -> memref<10240x128xf32, #tpu.memory_space<vmem_shared>>
      tpu.wait_indirect_dma semaphore(%arg21 : memref<!tpu.dma_semaphore, #tpu.memory_space<semaphore_mem>>) src(%arg12 : memref<64x128xf32, #tpu.memory_space<vmem>>) dst(%dma_wait3A_78 : memref<10240x128xf32, #tpu.memory_space<vmem_shared>>)
    } else {
    }
    %gt3A_34 = arith.constant 240 : i32
    %gt3A_35 = arith.cmpi sgt, %select_n3A_2, %gt3A_34 : i32
    %convert_element_type3A_36 = arith.extui %gt3A_35 : i1 to i32
    %cond3A_37 = arith.constant 0 : i32
    %cond3A_38 = arith.cmpi ne, %convert_element_type3A_36, %cond3A_37 : i32
    scf.if %cond3A_38 {
      %add3A_44 = arith.constant 240 : i32
      %add3A_45 = arith.addi %add3A, %add3A_44 : i32
      "tpu.region"() ({
        %run_scoped3A = tpu.sem_alloc : memref<!tpu.dma_semaphore, #tpu.memory_space<semaphore_mem>>
        %dma_start3A_79 = arith.constant 0 : i32
        %dma_start3A_80 = tpu.memref_slice %arg3[%add3A_45, %dma_start3A_79] : memref<5120x64xi32, #tpu.memory_space<hbm>> -> memref<40x64xi32, #tpu.memory_space<hbm>>
        %dma_start3A_81 = arith.constant 0 : i32
        %dma_start3A_82 = tpu.memref_slice %arg3[%add3A_45, %dma_start3A_81] : memref<5120x64xi32, #tpu.memory_space<hbm>> -> memref<40x64xi32, #tpu.memory_space<hbm>>
        tpu.enqueue_dma source(%dma_start3A_82 : memref<40x64xi32, #tpu.memory_space<hbm>>) target(%arg7 : memref<40x64xi32, #tpu.memory_space<vmem>>) target_semaphore(%run_scoped3A : memref<!tpu.dma_semaphore, #tpu.memory_space<semaphore_mem>>)
        %dma_wait3A_83 = arith.constant 0 : i32
        %dma_wait3A_84 = tpu.memref_slice %arg3[%add3A_45, %dma_wait3A_83] : memref<5120x64xi32, #tpu.memory_space<hbm>> -> memref<40x64xi32, #tpu.memory_space<hbm>>
        %dma_wait3A_85 = arith.constant 0 : i32
        %dma_wait3A_86 = tpu.memref_slice %arg3[%add3A_45, %dma_wait3A_85] : memref<5120x64xi32, #tpu.memory_space<hbm>> -> memref<40x64xi32, #tpu.memory_space<hbm>>
        tpu.wait_dma2 semaphore(%run_scoped3A : memref<!tpu.dma_semaphore, #tpu.memory_space<semaphore_mem>>) src(%dma_wait3A_86 : memref<40x64xi32, #tpu.memory_space<hbm>>) dst(%arg7 : memref<40x64xi32, #tpu.memory_space<vmem>>)
        tpu.yield
      }) : () -> ()
      %add3A_46 = arith.constant 240 : i32
      %add3A_47 = arith.addi %add3A, %add3A_46 : i32
      "tpu.region"() ({
        %run_scoped3A = tpu.sem_alloc : memref<!tpu.dma_semaphore, #tpu.memory_space<semaphore_mem>>
        %dma_start3A_79 = arith.constant 0 : i32
        %dma_start3A_80 = tpu.memref_slice %arg4[%add3A_47, %dma_start3A_79] : memref<5120x64xi32, #tpu.memory_space<hbm>> -> memref<40x64xi32, #tpu.memory_space<hbm>>
        %dma_start3A_81 = arith.constant 0 : i32
        %dma_start3A_82 = tpu.memref_slice %arg4[%add3A_47, %dma_start3A_81] : memref<5120x64xi32, #tpu.memory_space<hbm>> -> memref<40x64xi32, #tpu.memory_space<hbm>>
        tpu.enqueue_dma source(%dma_start3A_82 : memref<40x64xi32, #tpu.memory_space<hbm>>) target(%arg8 : memref<40x64xi32, #tpu.memory_space<vmem>>) target_semaphore(%run_scoped3A : memref<!tpu.dma_semaphore, #tpu.memory_space<semaphore_mem>>)
        %dma_wait3A_83 = arith.constant 0 : i32
        %dma_wait3A_84 = tpu.memref_slice %arg4[%add3A_47, %dma_wait3A_83] : memref<5120x64xi32, #tpu.memory_space<hbm>> -> memref<40x64xi32, #tpu.memory_space<hbm>>
        %dma_wait3A_85 = arith.constant 0 : i32
        %dma_wait3A_86 = tpu.memref_slice %arg4[%add3A_47, %dma_wait3A_85] : memref<5120x64xi32, #tpu.memory_space<hbm>> -> memref<40x64xi32, #tpu.memory_space<hbm>>
        tpu.wait_dma2 semaphore(%run_scoped3A : memref<!tpu.dma_semaphore, #tpu.memory_space<semaphore_mem>>) src(%dma_wait3A_86 : memref<40x64xi32, #tpu.memory_space<hbm>>) dst(%arg8 : memref<40x64xi32, #tpu.memory_space<vmem>>)
        tpu.yield
      }) : () -> ()
      %dma_start3A = arith.constant 0 : i32
      %dma_start3A_48 = arith.constant 0 : i32
      %dma_start3A_49 = tpu.memref_slice %arg7[%dma_start3A, %dma_start3A_48] : memref<40x64xi32, #tpu.memory_space<vmem>> -> memref<1x64xi32, #tpu.memory_space<vmem>>
      %dma_start3A_50 = tpu.memref_squeeze %dma_start3A_49 : memref<1x64xi32, #tpu.memory_space<vmem>> -> memref<64xi32, #tpu.memory_space<vmem>>
      %dma_start3A_51 = arith.constant 0 : i32
      %dma_start3A_52 = arith.constant 0 : i32
      %dma_start3A_53 = tpu.memref_slice %arg2[%dma_start3A_51, %dma_start3A_52] : memref<10240x128xf32, #tpu.memory_space<hbm>> -> memref<10240x128xf32, #tpu.memory_space<hbm>>
      tpu.enqueue_indirect_dma source(%dma_start3A_53 : memref<10240x128xf32, #tpu.memory_space<hbm>>) target(%arg9 : memref<64x128xf32, #tpu.memory_space<vmem>>) offsets(%dma_start3A_50 : memref<64xi32, #tpu.memory_space<vmem>>) semaphore(%arg14 : memref<!tpu.dma_semaphore, #tpu.memory_space<semaphore_mem>>)
      %dma_start3A_54 = arith.constant 1 : i32
      %dma_start3A_55 = arith.constant 0 : i32
      %dma_start3A_56 = tpu.memref_slice %arg7[%dma_start3A_54, %dma_start3A_55] : memref<40x64xi32, #tpu.memory_space<vmem>> -> memref<1x64xi32, #tpu.memory_space<vmem>>
      %dma_start3A_57 = tpu.memref_squeeze %dma_start3A_56 : memref<1x64xi32, #tpu.memory_space<vmem>> -> memref<64xi32, #tpu.memory_space<vmem>>
      %dma_start3A_58 = arith.constant 0 : i32
      %dma_start3A_59 = arith.constant 0 : i32
      %dma_start3A_60 = tpu.memref_slice %arg2[%dma_start3A_58, %dma_start3A_59] : memref<10240x128xf32, #tpu.memory_space<hbm>> -> memref<10240x128xf32, #tpu.memory_space<hbm>>
      tpu.enqueue_indirect_dma source(%dma_start3A_60 : memref<10240x128xf32, #tpu.memory_space<hbm>>) target(%arg10 : memref<64x128xf32, #tpu.memory_space<vmem>>) offsets(%dma_start3A_57 : memref<64xi32, #tpu.memory_space<vmem>>) semaphore(%arg15 : memref<!tpu.dma_semaphore, #tpu.memory_space<semaphore_mem>>)
      %scan3A = arith.constant 0 : i32
      %scan3A_61 = arith.constant 0 : i32
      %scan3A_62 = arith.constant 10 : i32
      %scan3A_63 = arith.addi %scan3A_61, %scan3A_62 : i32
      %scan3A_64 = arith.constant 1 : i32
      scf.for %scan3A_79 = %scan3A_61 to %scan3A_63 step %scan3A_64  : i32 {
        %mul3A_80 = arith.constant 4 : i32
        %mul3A_81 = arith.muli %scan3A_79, %mul3A_80 : i32
        %add3A_82 = arith.constant 0 : i32
        %add3A_83 = arith.addi %mul3A_81, %add3A_82 : i32
        %dma_wait3A_84 = arith.constant 0 : i32
        %dma_wait3A_85 = arith.constant 0 : i32
        %dma_wait3A_86 = tpu.memref_slice %arg7[%dma_wait3A_84, %dma_wait3A_85] : memref<40x64xi32, #tpu.memory_space<vmem>> -> memref<1x64xi32, #tpu.memory_space<vmem>>
        %dma_wait3A_87 = tpu.memref_squeeze %dma_wait3A_86 : memref<1x64xi32, #tpu.memory_space<vmem>> -> memref<64xi32, #tpu.memory_space<vmem>>
        %dma_wait3A_88 = arith.constant 0 : i32
        %dma_wait3A_89 = arith.constant 0 : i32
        %dma_wait3A_90 = tpu.memref_slice %arg2[%dma_wait3A_88, %dma_wait3A_89] : memref<10240x128xf32, #tpu.memory_space<hbm>> -> memref<10240x128xf32, #tpu.memory_space<hbm>>
        tpu.wait_indirect_dma semaphore(%arg14 : memref<!tpu.dma_semaphore, #tpu.memory_space<semaphore_mem>>) src(%dma_wait3A_90 : memref<10240x128xf32, #tpu.memory_space<hbm>>) dst(%arg9 : memref<64x128xf32, #tpu.memory_space<vmem>>)
        %dma_start3A_91 = arith.constant 0 : i32
        %dma_start3A_92 = tpu.memref_slice %arg8[%add3A_83, %dma_start3A_91] : memref<40x64xi32, #tpu.memory_space<vmem>> -> memref<1x64xi32, #tpu.memory_space<vmem>>
        %dma_start3A_93 = tpu.memref_squeeze %dma_start3A_92 : memref<1x64xi32, #tpu.memory_space<vmem>> -> memref<64xi32, #tpu.memory_space<vmem>>
        %dma_start3A_94 = arith.constant 0 : i32
        %dma_start3A_95 = arith.constant 0 : i32
        %dma_start3A_96 = tpu.memref_slice %arg13[%dma_start3A_94, %dma_start3A_95] : memref<10240x128xf32, #tpu.memory_space<vmem_shared>> -> memref<10240x128xf32, #tpu.memory_space<vmem_shared>>
        tpu.enqueue_indirect_dma source(%arg9 : memref<64x128xf32, #tpu.memory_space<vmem>>) target(%dma_start3A_96 : memref<10240x128xf32, #tpu.memory_space<vmem_shared>>) offsets(%dma_start3A_93 : memref<64xi32, #tpu.memory_space<vmem>>) semaphore(%arg18 : memref<!tpu.dma_semaphore, #tpu.memory_space<semaphore_mem>>) {add = true}
        %add3A_97 = arith.constant 2 : i32
        %add3A_98 = arith.addi %add3A_83, %add3A_97 : i32
        %ge3A = arith.constant 4 : i32
        %ge3A_99 = arith.cmpi sge, %add3A_98, %ge3A : i32
        %convert_element_type3A_100 = arith.extui %ge3A_99 : i1 to i32
        %cond3A_101 = arith.constant 0 : i32
        %cond3A_102 = arith.cmpi ne, %convert_element_type3A_100, %cond3A_101 : i32
        scf.if %cond3A_102 {
          %dma_wait3A_202 = arith.constant 0 : i32
          %dma_wait3A_203 = arith.constant 0 : i32
          %dma_wait3A_204 = tpu.memref_slice %arg8[%dma_wait3A_202, %dma_wait3A_203] : memref<40x64xi32, #tpu.memory_space<vmem>> -> memref<1x64xi32, #tpu.memory_space<vmem>>
          %dma_wait3A_205 = tpu.memref_squeeze %dma_wait3A_204 : memref<1x64xi32, #tpu.memory_space<vmem>> -> memref<64xi32, #tpu.memory_space<vmem>>
          %dma_wait3A_206 = arith.constant 0 : i32
          %dma_wait3A_207 = arith.constant 0 : i32
          %dma_wait3A_208 = tpu.memref_slice %arg13[%dma_wait3A_206, %dma_wait3A_207] : memref<10240x128xf32, #tpu.memory_space<vmem_shared>> -> memref<10240x128xf32, #tpu.memory_space<vmem_shared>>
          tpu.wait_indirect_dma semaphore(%arg20 : memref<!tpu.dma_semaphore, #tpu.memory_space<semaphore_mem>>) src(%arg11 : memref<64x128xf32, #tpu.memory_space<vmem>>) dst(%dma_wait3A_208 : memref<10240x128xf32, #tpu.memory_space<vmem_shared>>)
        } else {
        }
        %add3A_103 = arith.constant 2 : i32
        %add3A_104 = arith.addi %add3A_83, %add3A_103 : i32
        %lt3A = arith.constant 40 : i32
        %lt3A_105 = arith.cmpi slt, %add3A_104, %lt3A : i32
        %convert_element_type3A_106 = arith.extui %lt3A_105 : i1 to i32
        %cond3A_107 = arith.constant 0 : i32
        %cond3A_108 = arith.cmpi ne, %convert_element_type3A_106, %cond3A_107 : i32
        scf.if %cond3A_108 {
          %add3A_202 = arith.constant 2 : i32
          %add3A_203 = arith.addi %add3A_83, %add3A_202 : i32
          %dma_start3A_204 = arith.constant 0 : i32
          %dma_start3A_205 = tpu.memref_slice %arg7[%add3A_203, %dma_start3A_204] : memref<40x64xi32, #tpu.memory_space<vmem>> -> memref<1x64xi32, #tpu.memory_space<vmem>>
          %dma_start3A_206 = tpu.memref_squeeze %dma_start3A_205 : memref<1x64xi32, #tpu.memory_space<vmem>> -> memref<64xi32, #tpu.memory_space<vmem>>
          %dma_start3A_207 = arith.constant 0 : i32
          %dma_start3A_208 = arith.constant 0 : i32
          %dma_start3A_209 = tpu.memref_slice %arg2[%dma_start3A_207, %dma_start3A_208] : memref<10240x128xf32, #tpu.memory_space<hbm>> -> memref<10240x128xf32, #tpu.memory_space<hbm>>
          tpu.enqueue_indirect_dma source(%dma_start3A_209 : memref<10240x128xf32, #tpu.memory_space<hbm>>) target(%arg11 : memref<64x128xf32, #tpu.memory_space<vmem>>) offsets(%dma_start3A_206 : memref<64xi32, #tpu.memory_space<vmem>>) semaphore(%arg16 : memref<!tpu.dma_semaphore, #tpu.memory_space<semaphore_mem>>)
        } else {
        }
        %mul3A_109 = arith.constant 4 : i32
        %mul3A_110 = arith.muli %scan3A_79, %mul3A_109 : i32
        %add3A_111 = arith.constant 1 : i32
        %add3A_112 = arith.addi %mul3A_110, %add3A_111 : i32
        %dma_wait3A_113 = arith.constant 0 : i32
        %dma_wait3A_114 = arith.constant 0 : i32
        %dma_wait3A_115 = tpu.memref_slice %arg7[%dma_wait3A_113, %dma_wait3A_114] : memref<40x64xi32, #tpu.memory_space<vmem>> -> memref<1x64xi32, #tpu.memory_space<vmem>>
        %dma_wait3A_116 = tpu.memref_squeeze %dma_wait3A_115 : memref<1x64xi32, #tpu.memory_space<vmem>> -> memref<64xi32, #tpu.memory_space<vmem>>
        %dma_wait3A_117 = arith.constant 0 : i32
        %dma_wait3A_118 = arith.constant 0 : i32
        %dma_wait3A_119 = tpu.memref_slice %arg2[%dma_wait3A_117, %dma_wait3A_118] : memref<10240x128xf32, #tpu.memory_space<hbm>> -> memref<10240x128xf32, #tpu.memory_space<hbm>>
        tpu.wait_indirect_dma semaphore(%arg15 : memref<!tpu.dma_semaphore, #tpu.memory_space<semaphore_mem>>) src(%dma_wait3A_119 : memref<10240x128xf32, #tpu.memory_space<hbm>>) dst(%arg10 : memref<64x128xf32, #tpu.memory_space<vmem>>)
        %dma_start3A_120 = arith.constant 0 : i32
        %dma_start3A_121 = tpu.memref_slice %arg8[%add3A_112, %dma_start3A_120] : memref<40x64xi32, #tpu.memory_space<vmem>> -> memref<1x64xi32, #tpu.memory_space<vmem>>
        %dma_start3A_122 = tpu.memref_squeeze %dma_start3A_121 : memref<1x64xi32, #tpu.memory_space<vmem>> -> memref<64xi32, #tpu.memory_space<vmem>>
        %dma_start3A_123 = arith.constant 0 : i32
        %dma_start3A_124 = arith.constant 0 : i32
        %dma_start3A_125 = tpu.memref_slice %arg13[%dma_start3A_123, %dma_start3A_124] : memref<10240x128xf32, #tpu.memory_space<vmem_shared>> -> memref<10240x128xf32, #tpu.memory_space<vmem_shared>>
        tpu.enqueue_indirect_dma source(%arg10 : memref<64x128xf32, #tpu.memory_space<vmem>>) target(%dma_start3A_125 : memref<10240x128xf32, #tpu.memory_space<vmem_shared>>) offsets(%dma_start3A_122 : memref<64xi32, #tpu.memory_space<vmem>>) semaphore(%arg19 : memref<!tpu.dma_semaphore, #tpu.memory_space<semaphore_mem>>) {add = true}
        %add3A_126 = arith.constant 2 : i32
        %add3A_127 = arith.addi %add3A_112, %add3A_126 : i32
        %ge3A_128 = arith.constant 4 : i32
        %ge3A_129 = arith.cmpi sge, %add3A_127, %ge3A_128 : i32
        %convert_element_type3A_130 = arith.extui %ge3A_129 : i1 to i32
        %cond3A_131 = arith.constant 0 : i32
        %cond3A_132 = arith.cmpi ne, %convert_element_type3A_130, %cond3A_131 : i32
        scf.if %cond3A_132 {
          %dma_wait3A_202 = arith.constant 0 : i32
          %dma_wait3A_203 = arith.constant 0 : i32
          %dma_wait3A_204 = tpu.memref_slice %arg8[%dma_wait3A_202, %dma_wait3A_203] : memref<40x64xi32, #tpu.memory_space<vmem>> -> memref<1x64xi32, #tpu.memory_space<vmem>>
          %dma_wait3A_205 = tpu.memref_squeeze %dma_wait3A_204 : memref<1x64xi32, #tpu.memory_space<vmem>> -> memref<64xi32, #tpu.memory_space<vmem>>
          %dma_wait3A_206 = arith.constant 0 : i32
          %dma_wait3A_207 = arith.constant 0 : i32
          %dma_wait3A_208 = tpu.memref_slice %arg13[%dma_wait3A_206, %dma_wait3A_207] : memref<10240x128xf32, #tpu.memory_space<vmem_shared>> -> memref<10240x128xf32, #tpu.memory_space<vmem_shared>>
          tpu.wait_indirect_dma semaphore(%arg21 : memref<!tpu.dma_semaphore, #tpu.memory_space<semaphore_mem>>) src(%arg12 : memref<64x128xf32, #tpu.memory_space<vmem>>) dst(%dma_wait3A_208 : memref<10240x128xf32, #tpu.memory_space<vmem_shared>>)
        } else {
        }
        %add3A_133 = arith.constant 2 : i32
        %add3A_134 = arith.addi %add3A_112, %add3A_133 : i32
        %lt3A_135 = arith.constant 40 : i32
        %lt3A_136 = arith.cmpi slt, %add3A_134, %lt3A_135 : i32
        %convert_element_type3A_137 = arith.extui %lt3A_136 : i1 to i32
        %cond3A_138 = arith.constant 0 : i32
        %cond3A_139 = arith.cmpi ne, %convert_element_type3A_137, %cond3A_138 : i32
        scf.if %cond3A_139 {
          %add3A_202 = arith.constant 2 : i32
          %add3A_203 = arith.addi %add3A_112, %add3A_202 : i32
          %dma_start3A_204 = arith.constant 0 : i32
          %dma_start3A_205 = tpu.memref_slice %arg7[%add3A_203, %dma_start3A_204] : memref<40x64xi32, #tpu.memory_space<vmem>> -> memref<1x64xi32, #tpu.memory_space<vmem>>
          %dma_start3A_206 = tpu.memref_squeeze %dma_start3A_205 : memref<1x64xi32, #tpu.memory_space<vmem>> -> memref<64xi32, #tpu.memory_space<vmem>>
          %dma_start3A_207 = arith.constant 0 : i32
          %dma_start3A_208 = arith.constant 0 : i32
          %dma_start3A_209 = tpu.memref_slice %arg2[%dma_start3A_207, %dma_start3A_208] : memref<10240x128xf32, #tpu.memory_space<hbm>> -> memref<10240x128xf32, #tpu.memory_space<hbm>>
          tpu.enqueue_indirect_dma source(%dma_start3A_209 : memref<10240x128xf32, #tpu.memory_space<hbm>>) target(%arg12 : memref<64x128xf32, #tpu.memory_space<vmem>>) offsets(%dma_start3A_206 : memref<64xi32, #tpu.memory_space<vmem>>) semaphore(%arg17 : memref<!tpu.dma_semaphore, #tpu.memory_space<semaphore_mem>>)
        } else {
        }
        %mul3A_140 = arith.constant 4 : i32
        %mul3A_141 = arith.muli %scan3A_79, %mul3A_140 : i32
        %add3A_142 = arith.constant 2 : i32
        %add3A_143 = arith.addi %mul3A_141, %add3A_142 : i32
        %dma_wait3A_144 = arith.constant 0 : i32
        %dma_wait3A_145 = arith.constant 0 : i32
        %dma_wait3A_146 = tpu.memref_slice %arg7[%dma_wait3A_144, %dma_wait3A_145] : memref<40x64xi32, #tpu.memory_space<vmem>> -> memref<1x64xi32, #tpu.memory_space<vmem>>
        %dma_wait3A_147 = tpu.memref_squeeze %dma_wait3A_146 : memref<1x64xi32, #tpu.memory_space<vmem>> -> memref<64xi32, #tpu.memory_space<vmem>>
        %dma_wait3A_148 = arith.constant 0 : i32
        %dma_wait3A_149 = arith.constant 0 : i32
        %dma_wait3A_150 = tpu.memref_slice %arg2[%dma_wait3A_148, %dma_wait3A_149] : memref<10240x128xf32, #tpu.memory_space<hbm>> -> memref<10240x128xf32, #tpu.memory_space<hbm>>
        tpu.wait_indirect_dma semaphore(%arg16 : memref<!tpu.dma_semaphore, #tpu.memory_space<semaphore_mem>>) src(%dma_wait3A_150 : memref<10240x128xf32, #tpu.memory_space<hbm>>) dst(%arg11 : memref<64x128xf32, #tpu.memory_space<vmem>>)
        %dma_start3A_151 = arith.constant 0 : i32
        %dma_start3A_152 = tpu.memref_slice %arg8[%add3A_143, %dma_start3A_151] : memref<40x64xi32, #tpu.memory_space<vmem>> -> memref<1x64xi32, #tpu.memory_space<vmem>>
        %dma_start3A_153 = tpu.memref_squeeze %dma_start3A_152 : memref<1x64xi32, #tpu.memory_space<vmem>> -> memref<64xi32, #tpu.memory_space<vmem>>
        %dma_start3A_154 = arith.constant 0 : i32
        %dma_start3A_155 = arith.constant 0 : i32
        %dma_start3A_156 = tpu.memref_slice %arg13[%dma_start3A_154, %dma_start3A_155] : memref<10240x128xf32, #tpu.memory_space<vmem_shared>> -> memref<10240x128xf32, #tpu.memory_space<vmem_shared>>
        tpu.enqueue_indirect_dma source(%arg11 : memref<64x128xf32, #tpu.memory_space<vmem>>) target(%dma_start3A_156 : memref<10240x128xf32, #tpu.memory_space<vmem_shared>>) offsets(%dma_start3A_153 : memref<64xi32, #tpu.memory_space<vmem>>) semaphore(%arg20 : memref<!tpu.dma_semaphore, #tpu.memory_space<semaphore_mem>>) {add = true}
        %add3A_157 = arith.constant 2 : i32
        %add3A_158 = arith.addi %add3A_143, %add3A_157 : i32
        %ge3A_159 = arith.constant 4 : i32
        %ge3A_160 = arith.cmpi sge, %add3A_158, %ge3A_159 : i32
        %convert_element_type3A_161 = arith.extui %ge3A_160 : i1 to i32
        %cond3A_162 = arith.constant 0 : i32
        %cond3A_163 = arith.cmpi ne, %convert_element_type3A_161, %cond3A_162 : i32
        scf.if %cond3A_163 {
          %dma_wait3A_202 = arith.constant 0 : i32
          %dma_wait3A_203 = arith.constant 0 : i32
          %dma_wait3A_204 = tpu.memref_slice %arg8[%dma_wait3A_202, %dma_wait3A_203] : memref<40x64xi32, #tpu.memory_space<vmem>> -> memref<1x64xi32, #tpu.memory_space<vmem>>
          %dma_wait3A_205 = tpu.memref_squeeze %dma_wait3A_204 : memref<1x64xi32, #tpu.memory_space<vmem>> -> memref<64xi32, #tpu.memory_space<vmem>>
          %dma_wait3A_206 = arith.constant 0 : i32
          %dma_wait3A_207 = arith.constant 0 : i32
          %dma_wait3A_208 = tpu.memref_slice %arg13[%dma_wait3A_206, %dma_wait3A_207] : memref<10240x128xf32, #tpu.memory_space<vmem_shared>> -> memref<10240x128xf32, #tpu.memory_space<vmem_shared>>
          tpu.wait_indirect_dma semaphore(%arg18 : memref<!tpu.dma_semaphore, #tpu.memory_space<semaphore_mem>>) src(%arg9 : memref<64x128xf32, #tpu.memory_space<vmem>>) dst(%dma_wait3A_208 : memref<10240x128xf32, #tpu.memory_space<vmem_shared>>)
        } else {
        }
        %add3A_164 = arith.constant 2 : i32
        %add3A_165 = arith.addi %add3A_143, %add3A_164 : i32
        %lt3A_166 = arith.constant 40 : i32
        %lt3A_167 = arith.cmpi slt, %add3A_165, %lt3A_166 : i32
        %convert_element_type3A_168 = arith.extui %lt3A_167 : i1 to i32
        %cond3A_169 = arith.constant 0 : i32
        %cond3A_170 = arith.cmpi ne, %convert_element_type3A_168, %cond3A_169 : i32
        scf.if %cond3A_170 {
          %add3A_202 = arith.constant 2 : i32
          %add3A_203 = arith.addi %add3A_143, %add3A_202 : i32
          %dma_start3A_204 = arith.constant 0 : i32
          %dma_start3A_205 = tpu.memref_slice %arg7[%add3A_203, %dma_start3A_204] : memref<40x64xi32, #tpu.memory_space<vmem>> -> memref<1x64xi32, #tpu.memory_space<vmem>>
          %dma_start3A_206 = tpu.memref_squeeze %dma_start3A_205 : memref<1x64xi32, #tpu.memory_space<vmem>> -> memref<64xi32, #tpu.memory_space<vmem>>
          %dma_start3A_207 = arith.constant 0 : i32
          %dma_start3A_208 = arith.constant 0 : i32
          %dma_start3A_209 = tpu.memref_slice %arg2[%dma_start3A_207, %dma_start3A_208] : memref<10240x128xf32, #tpu.memory_space<hbm>> -> memref<10240x128xf32, #tpu.memory_space<hbm>>
          tpu.enqueue_indirect_dma source(%dma_start3A_209 : memref<10240x128xf32, #tpu.memory_space<hbm>>) target(%arg9 : memref<64x128xf32, #tpu.memory_space<vmem>>) offsets(%dma_start3A_206 : memref<64xi32, #tpu.memory_space<vmem>>) semaphore(%arg14 : memref<!tpu.dma_semaphore, #tpu.memory_space<semaphore_mem>>)
        } else {
        }
        %mul3A_171 = arith.constant 4 : i32
        %mul3A_172 = arith.muli %scan3A_79, %mul3A_171 : i32
        %add3A_173 = arith.constant 3 : i32
        %add3A_174 = arith.addi %mul3A_172, %add3A_173 : i32
        %dma_wait3A_175 = arith.constant 0 : i32
        %dma_wait3A_176 = arith.constant 0 : i32
        %dma_wait3A_177 = tpu.memref_slice %arg7[%dma_wait3A_175, %dma_wait3A_176] : memref<40x64xi32, #tpu.memory_space<vmem>> -> memref<1x64xi32, #tpu.memory_space<vmem>>
        %dma_wait3A_178 = tpu.memref_squeeze %dma_wait3A_177 : memref<1x64xi32, #tpu.memory_space<vmem>> -> memref<64xi32, #tpu.memory_space<vmem>>
        %dma_wait3A_179 = arith.constant 0 : i32
        %dma_wait3A_180 = arith.constant 0 : i32
        %dma_wait3A_181 = tpu.memref_slice %arg2[%dma_wait3A_179, %dma_wait3A_180] : memref<10240x128xf32, #tpu.memory_space<hbm>> -> memref<10240x128xf32, #tpu.memory_space<hbm>>
        tpu.wait_indirect_dma semaphore(%arg17 : memref<!tpu.dma_semaphore, #tpu.memory_space<semaphore_mem>>) src(%dma_wait3A_181 : memref<10240x128xf32, #tpu.memory_space<hbm>>) dst(%arg12 : memref<64x128xf32, #tpu.memory_space<vmem>>)
        %dma_start3A_182 = arith.constant 0 : i32
        %dma_start3A_183 = tpu.memref_slice %arg8[%add3A_174, %dma_start3A_182] : memref<40x64xi32, #tpu.memory_space<vmem>> -> memref<1x64xi32, #tpu.memory_space<vmem>>
        %dma_start3A_184 = tpu.memref_squeeze %dma_start3A_183 : memref<1x64xi32, #tpu.memory_space<vmem>> -> memref<64xi32, #tpu.memory_space<vmem>>
        %dma_start3A_185 = arith.constant 0 : i32
        %dma_start3A_186 = arith.constant 0 : i32
        %dma_start3A_187 = tpu.memref_slice %arg13[%dma_start3A_185, %dma_start3A_186] : memref<10240x128xf32, #tpu.memory_space<vmem_shared>> -> memref<10240x128xf32, #tpu.memory_space<vmem_shared>>
        tpu.enqueue_indirect_dma source(%arg12 : memref<64x128xf32, #tpu.memory_space<vmem>>) target(%dma_start3A_187 : memref<10240x128xf32, #tpu.memory_space<vmem_shared>>) offsets(%dma_start3A_184 : memref<64xi32, #tpu.memory_space<vmem>>) semaphore(%arg21 : memref<!tpu.dma_semaphore, #tpu.memory_space<semaphore_mem>>) {add = true}
        %add3A_188 = arith.constant 2 : i32
        %add3A_189 = arith.addi %add3A_174, %add3A_188 : i32
        %ge3A_190 = arith.constant 4 : i32
        %ge3A_191 = arith.cmpi sge, %add3A_189, %ge3A_190 : i32
        %convert_element_type3A_192 = arith.extui %ge3A_191 : i1 to i32
        %cond3A_193 = arith.constant 0 : i32
        %cond3A_194 = arith.cmpi ne, %convert_element_type3A_192, %cond3A_193 : i32
        scf.if %cond3A_194 {
          %dma_wait3A_202 = arith.constant 0 : i32
          %dma_wait3A_203 = arith.constant 0 : i32
          %dma_wait3A_204 = tpu.memref_slice %arg8[%dma_wait3A_202, %dma_wait3A_203] : memref<40x64xi32, #tpu.memory_space<vmem>> -> memref<1x64xi32, #tpu.memory_space<vmem>>
          %dma_wait3A_205 = tpu.memref_squeeze %dma_wait3A_204 : memref<1x64xi32, #tpu.memory_space<vmem>> -> memref<64xi32, #tpu.memory_space<vmem>>
          %dma_wait3A_206 = arith.constant 0 : i32
          %dma_wait3A_207 = arith.constant 0 : i32
          %dma_wait3A_208 = tpu.memref_slice %arg13[%dma_wait3A_206, %dma_wait3A_207] : memref<10240x128xf32, #tpu.memory_space<vmem_shared>> -> memref<10240x128xf32, #tpu.memory_space<vmem_shared>>
          tpu.wait_indirect_dma semaphore(%arg19 : memref<!tpu.dma_semaphore, #tpu.memory_space<semaphore_mem>>) src(%arg10 : memref<64x128xf32, #tpu.memory_space<vmem>>) dst(%dma_wait3A_208 : memref<10240x128xf32, #tpu.memory_space<vmem_shared>>)
        } else {
        }
        %add3A_195 = arith.constant 2 : i32
        %add3A_196 = arith.addi %add3A_174, %add3A_195 : i32
        %lt3A_197 = arith.constant 40 : i32
        %lt3A_198 = arith.cmpi slt, %add3A_196, %lt3A_197 : i32
        %convert_element_type3A_199 = arith.extui %lt3A_198 : i1 to i32
        %cond3A_200 = arith.constant 0 : i32
        %cond3A_201 = arith.cmpi ne, %convert_element_type3A_199, %cond3A_200 : i32
        scf.if %cond3A_201 {
          %add3A_202 = arith.constant 2 : i32
          %add3A_203 = arith.addi %add3A_174, %add3A_202 : i32
          %dma_start3A_204 = arith.constant 0 : i32
          %dma_start3A_205 = tpu.memref_slice %arg7[%add3A_203, %dma_start3A_204] : memref<40x64xi32, #tpu.memory_space<vmem>> -> memref<1x64xi32, #tpu.memory_space<vmem>>
          %dma_start3A_206 = tpu.memref_squeeze %dma_start3A_205 : memref<1x64xi32, #tpu.memory_space<vmem>> -> memref<64xi32, #tpu.memory_space<vmem>>
          %dma_start3A_207 = arith.constant 0 : i32
          %dma_start3A_208 = arith.constant 0 : i32
          %dma_start3A_209 = tpu.memref_slice %arg2[%dma_start3A_207, %dma_start3A_208] : memref<10240x128xf32, #tpu.memory_space<hbm>> -> memref<10240x128xf32, #tpu.memory_space<hbm>>
          tpu.enqueue_indirect_dma source(%dma_start3A_209 : memref<10240x128xf32, #tpu.memory_space<hbm>>) target(%arg10 : memref<64x128xf32, #tpu.memory_space<vmem>>) offsets(%dma_start3A_206 : memref<64xi32, #tpu.memory_space<vmem>>) semaphore(%arg15 : memref<!tpu.dma_semaphore, #tpu.memory_space<semaphore_mem>>)
        } else {
        }
      }
      %scan3A_65 = arith.constant 10 : i32
      %dma_wait3A = arith.constant 0 : i32
      %dma_wait3A_66 = arith.constant 0 : i32
      %dma_wait3A_67 = tpu.memref_slice %arg8[%dma_wait3A, %dma_wait3A_66] : memref<40x64xi32, #tpu.memory_space<vmem>> -> memref<1x64xi32, #tpu.memory_space<vmem>>
      %dma_wait3A_68 = tpu.memref_squeeze %dma_wait3A_67 : memref<1x64xi32, #tpu.memory_space<vmem>> -> memref<64xi32, #tpu.memory_space<vmem>>
      %dma_wait3A_69 = arith.constant 0 : i32
      %dma_wait3A_70 = arith.constant 0 : i32
      %dma_wait3A_71 = tpu.memref_slice %arg13[%dma_wait3A_69, %dma_wait3A_70] : memref<10240x128xf32, #tpu.memory_space<vmem_shared>> -> memref<10240x128xf32, #tpu.memory_space<vmem_shared>>
      tpu.wait_indirect_dma semaphore(%arg20 : memref<!tpu.dma_semaphore, #tpu.memory_space<semaphore_mem>>) src(%arg11 : memref<64x128xf32, #tpu.memory_space<vmem>>) dst(%dma_wait3A_71 : memref<10240x128xf32, #tpu.memory_space<vmem_shared>>)
      %dma_wait3A_72 = arith.constant 0 : i32
      %dma_wait3A_73 = arith.constant 0 : i32
      %dma_wait3A_74 = tpu.memref_slice %arg8[%dma_wait3A_72, %dma_wait3A_73] : memref<40x64xi32, #tpu.memory_space<vmem>> -> memref<1x64xi32, #tpu.memory_space<vmem>>
      %dma_wait3A_75 = tpu.memref_squeeze %dma_wait3A_74 : memref<1x64xi32, #tpu.memory_space<vmem>> -> memref<64xi32, #tpu.memory_space<vmem>>
      %dma_wait3A_76 = arith.constant 0 : i32
      %dma_wait3A_77 = arith.constant 0 : i32
      %dma_wait3A_78 = tpu.memref_slice %arg13[%dma_wait3A_76, %dma_wait3A_77] : memref<10240x128xf32, #tpu.memory_space<vmem_shared>> -> memref<10240x128xf32, #tpu.memory_space<vmem_shared>>
      tpu.wait_indirect_dma semaphore(%arg21 : memref<!tpu.dma_semaphore, #tpu.memory_space<semaphore_mem>>) src(%arg12 : memref<64x128xf32, #tpu.memory_space<vmem>>) dst(%dma_wait3A_78 : memref<10240x128xf32, #tpu.memory_space<vmem_shared>>)
    } else {
    }
    %barrier3A_39 = arith.constant 0 : index
    tpu.barrier barrier_id(%barrier3A_39)
    %mul3A_40 = arith.constant 640 : i32
    %mul3A_41 = arith.muli %arg1, %mul3A_40 : i32
    %mul3A_42 = arith.constant 640 : i32
    %mul3A_43 = arith.muli %arg1, %mul3A_42 : i32
    "tpu.region"() ({
      %run_scoped3A = tpu.sem_alloc : memref<!tpu.dma_semaphore, #tpu.memory_space<semaphore_mem>>
      %dma_start3A = arith.constant 0 : i32
      %dma_start3A_44 = arith.constant 0 : i32
      %dma_start3A_45 = tpu.memref_slice %arg6[%arg0, %dma_start3A, %dma_start3A_44] : memref<2x10240x128xf32, #tpu.memory_space<hbm>> -> memref<1x10240x128xf32, #tpu.memory_space<hbm>>
      %dma_start3A_46 = tpu.memref_squeeze %dma_start3A_45 : memref<1x10240x128xf32, #tpu.memory_space<hbm>> -> memref<10240x128xf32, #tpu.memory_space<hbm>>
      %dma_start3A_47 = arith.constant 0 : i32
      %dma_start3A_48 = tpu.memref_slice %dma_start3A_46[%mul3A_43, %dma_start3A_47] : memref<10240x128xf32, #tpu.memory_space<hbm>> -> memref<640x128xf32, #tpu.memory_space<hbm>>
      %dma_start3A_49 = arith.constant 0 : i32
      %dma_start3A_50 = tpu.memref_slice %arg13[%mul3A_41, %dma_start3A_49] : memref<10240x128xf32, #tpu.memory_space<vmem_shared>> -> memref<640x128xf32, #tpu.memory_space<vmem_shared>>
      tpu.enqueue_dma source(%dma_start3A_50 : memref<640x128xf32, #tpu.memory_space<vmem_shared>>) target(%dma_start3A_48 : memref<640x128xf32, #tpu.memory_space<hbm>>) target_semaphore(%run_scoped3A : memref<!tpu.dma_semaphore, #tpu.memory_space<semaphore_mem>>)
      %dma_wait3A = arith.constant 0 : i32
      %dma_wait3A_51 = arith.constant 0 : i32
      %dma_wait3A_52 = tpu.memref_slice %arg6[%arg0, %dma_wait3A, %dma_wait3A_51] : memref<2x10240x128xf32, #tpu.memory_space<hbm>> -> memref<1x10240x128xf32, #tpu.memory_space<hbm>>
      %dma_wait3A_53 = tpu.memref_squeeze %dma_wait3A_52 : memref<1x10240x128xf32, #tpu.memory_space<hbm>> -> memref<10240x128xf32, #tpu.memory_space<hbm>>
      %dma_wait3A_54 = arith.constant 0 : i32
      %dma_wait3A_55 = tpu.memref_slice %dma_wait3A_53[%mul3A_43, %dma_wait3A_54] : memref<10240x128xf32, #tpu.memory_space<hbm>> -> memref<640x128xf32, #tpu.memory_space<hbm>>
      %dma_wait3A_56 = arith.constant 0 : i32
      %dma_wait3A_57 = tpu.memref_slice %arg13[%mul3A_41, %dma_wait3A_56] : memref<10240x128xf32, #tpu.memory_space<vmem_shared>> -> memref<640x128xf32, #tpu.memory_space<vmem_shared>>
      tpu.wait_dma2 semaphore(%run_scoped3A : memref<!tpu.dma_semaphore, #tpu.memory_space<semaphore_mem>>) src(%dma_wait3A_57 : memref<640x128xf32, #tpu.memory_space<vmem_shared>>) dst(%dma_wait3A_55 : memref<640x128xf32, #tpu.memory_space<hbm>>)
      tpu.yield
    }) : () -> ()
    return
  }
}

module attributes {stable_mosaic.version = 14 : i64} {
  func.func @_y_body(%arg0: i32, %arg1: memref<640x128xf32, #tpu.memory_space<vmem>>, %arg2: memref<128x128xf32, #tpu.memory_space<vmem>>, %arg3: memref<640x128xf32, #tpu.memory_space<vmem>>, %arg4: memref<640x128xf32, #tpu.memory_space<vmem>>, %arg5: memref<640x128xf32, #tpu.memory_space<vmem>>) attributes {dimension_semantics = [#tpu.dimension_semantics<arbitrary>], iteration_bounds = array<i64: 16>, scalar_prefetch = 0 : i64, scratch_operands = 0 : i64, tpu.core_type = #tpu.core_type<tc>, window_params = [{transform_indices = @transform_0, window_bounds = array<i64: 640, 128>}, {pipeline_mode = #tpu.pipeline_mode<synchronous>, transform_indices = @transform_1, window_bounds = array<i64: 128, 128>}, {transform_indices = @transform_2, window_bounds = array<i64: 640, 128>}, {transform_indices = @transform_3, window_bounds = array<i64: 640, 128>}, {transform_indices = @transform_4, window_bounds = array<i64: 640, 128>}]} {
    %get3A = arith.constant 0 : index
    %get3A_0 = arith.constant 0 : index
    %get3A_1 = vector.load %arg3[%get3A, %get3A_0] : memref<640x128xf32, #tpu.memory_space<vmem>>, vector<640x1xf32>
    %get3A_2 = arith.constant 0 : index
    %get3A_3 = arith.constant 0 : index
    %get3A_4 = vector.load %arg4[%get3A_2, %get3A_3] : memref<640x128xf32, #tpu.memory_space<vmem>>, vector<640x1xf32>
    %add3A = arith.addf %get3A_1, %get3A_4 : vector<640x1xf32>
    %add3A_5 = arith.constant 1.000000e+00 : f32
    %add3A_6 = vector.broadcast %add3A_5 : f32 to vector<640x1xf32>
    %add3A_7 = arith.addf %add3A, %add3A_6 : vector<640x1xf32>
    %get3A_8 = arith.constant 0 : index
    %get3A_9 = arith.constant 0 : index
    %get3A_10 = vector.load %arg1[%get3A_8, %get3A_9] : memref<640x128xf32, #tpu.memory_space<vmem>>, vector<640x128xf32>
    %get3A_11 = arith.constant 0 : index
    %get3A_12 = arith.constant 0 : index
    %get3A_13 = vector.load %arg2[%get3A_11, %get3A_12] : memref<128x128xf32, #tpu.memory_space<vmem>>, vector<128x128xf32>
    %dot_general3A = arith.constant dense<0.000000e+00> : vector<640x128xf32>
    %dot_general3A_14 = tpu.matmul %get3A_10, %get3A_13, %dot_general3A {dimension_numbers = #tpu.dot_dimension_numbers<[1], [0], [0], [1], [0, 0, 1, 1], [], []>, transpose_lhs_hint = false} : vector<640x128xf32>, vector<128x128xf32>, vector<640x128xf32> -> vector<640x128xf32>
    %rsqrt3A = math.rsqrt %add3A_7 : vector<640x1xf32>
    %mul3A = vector.broadcast %rsqrt3A : vector<640x1xf32> to vector<640x128xf32>
    %mul3A_15 = arith.mulf %dot_general3A_14, %mul3A : vector<640x128xf32>
    %swap3A = arith.constant 0 : index
    %swap3A_16 = arith.constant 0 : index
    %swap3A_17 = vector.load %arg5[%swap3A, %swap3A_16] : memref<640x128xf32, #tpu.memory_space<vmem>>, vector<640x128xf32>
    tpu.vector_store %arg5[%swap3A, %swap3A_16], %mul3A_15 {strides = array<i32>} : memref<640x128xf32, #tpu.memory_space<vmem>>, vector<640x128xf32>,
    return
  }
  func.func @transform_0(%arg0: i32) -> (i32, i32) {
    %c0_i32 = arith.constant 0 : i32
    %c0_i32_0 = arith.constant 0 : i32
    return %arg0, %c0_i32 : i32, i32
  }
  func.func @transform_1(%arg0: i32) -> (i32, i32) {
    %c0_i32 = arith.constant 0 : i32
    %c0_i32_0 = arith.constant 0 : i32
    %c0_i32_1 = arith.constant 0 : i32
    return %c0_i32, %c0_i32_0 : i32, i32
  }
  func.func @transform_2(%arg0: i32) -> (i32, i32) {
    %c0_i32 = arith.constant 0 : i32
    %c0_i32_0 = arith.constant 0 : i32
    return %arg0, %c0_i32 : i32, i32
  }
  func.func @transform_3(%arg0: i32) -> (i32, i32) {
    %c0_i32 = arith.constant 0 : i32
    %c0_i32_0 = arith.constant 0 : i32
    return %arg0, %c0_i32 : i32, i32
  }
  func.func @transform_4(%arg0: i32) -> (i32, i32) {
    %c0_i32 = arith.constant 0 : i32
    %c0_i32_0 = arith.constant 0 : i32
    return %arg0, %c0_i32 : i32, i32
  }
}

module attributes {stable_mosaic.version = 14 : i64} {
  func.func @_mlp_body(%arg0: i32, %arg1: memref<640x128xf32, #tpu.memory_space<vmem>>, %arg2: memref<640x128xf32, #tpu.memory_space<vmem>>, %arg3: memref<640x128xf32, #tpu.memory_space<vmem>>, %arg4: memref<640x128xf32, #tpu.memory_space<vmem>>, %arg5: memref<640x128xf32, #tpu.memory_space<vmem>>, %arg6: memref<640x128xf32, #tpu.memory_space<vmem>>, %arg7: memref<1x128xf32, #tpu.memory_space<vmem>>, %arg8: memref<128x256xf32, #tpu.memory_space<vmem>>, %arg9: memref<1x256xf32, #tpu.memory_space<vmem>>, %arg10: memref<256x256xf32, #tpu.memory_space<vmem>>, %arg11: memref<1x256xf32, #tpu.memory_space<vmem>>, %arg12: memref<256x1xf32, #tpu.memory_space<vmem>>, %arg13: memref<1x1xf32, #tpu.memory_space<vmem>>, %arg14: memref<640x1xf32, #tpu.memory_space<vmem>>) attributes {dimension_semantics = [#tpu.dimension_semantics<arbitrary>], iteration_bounds = array<i64: 16>, scalar_prefetch = 0 : i64, scratch_operands = 0 : i64, tpu.core_type = #tpu.core_type<tc>, window_params = [{transform_indices = @transform_0, window_bounds = array<i64: 640, 128>}, {transform_indices = @transform_1, window_bounds = array<i64: 640, 128>}, {transform_indices = @transform_2, window_bounds = array<i64: 640, 128>}, {transform_indices = @transform_3, window_bounds = array<i64: 640, 128>}, {transform_indices = @transform_4, window_bounds = array<i64: 640, 128>}, {transform_indices = @transform_5, window_bounds = array<i64: 640, 128>}, {pipeline_mode = #tpu.pipeline_mode<synchronous>, transform_indices = @transform_6, window_bounds = array<i64: 1, 128>}, {pipeline_mode = #tpu.pipeline_mode<synchronous>, transform_indices = @transform_7, window_bounds = array<i64: 128, 256>}, {pipeline_mode = #tpu.pipeline_mode<synchronous>, transform_indices = @transform_8, window_bounds = array<i64: 1, 256>}, {pipeline_mode = #tpu.pipeline_mode<synchronous>, transform_indices = @transform_9, window_bounds = array<i64: 256, 256>}, {pipeline_mode = #tpu.pipeline_mode<synchronous>, transform_indices = @transform_10, window_bounds = array<i64: 1, 256>}, {pipeline_mode = #tpu.pipeline_mode<synchronous>, transform_indices = @transform_11, window_bounds = array<i64: 256, 1>}, {pipeline_mode = #tpu.pipeline_mode<synchronous>, transform_indices = @transform_12, window_bounds = array<i64: 1, 1>}, {transform_indices = @transform_13, window_bounds = array<i64: 640, 1>}]} {
    %get3A = arith.constant 0 : index
    %get3A_0 = arith.constant 0 : index
    %get3A_1 = vector.load %arg4[%get3A, %get3A_0] : memref<640x128xf32, #tpu.memory_space<vmem>>, vector<640x1xf32>
    %get3A_2 = arith.constant 0 : index
    %get3A_3 = arith.constant 0 : index
    %get3A_4 = vector.load %arg5[%get3A_2, %get3A_3] : memref<640x128xf32, #tpu.memory_space<vmem>>, vector<640x1xf32>
    %add3A = arith.addf %get3A_1, %get3A_4 : vector<640x1xf32>
    %add3A_5 = arith.constant 1.000000e+00 : f32
    %add3A_6 = vector.broadcast %add3A_5 : f32 to vector<640x1xf32>
    %add3A_7 = arith.addf %add3A, %add3A_6 : vector<640x1xf32>
    %rsqrt3A = math.rsqrt %add3A_7 : vector<640x1xf32>
    %get3A_8 = arith.constant 0 : index
    %get3A_9 = arith.constant 0 : index
    %get3A_10 = vector.load %arg1[%get3A_8, %get3A_9] : memref<640x128xf32, #tpu.memory_space<vmem>>, vector<640x128xf32>
    %get3A_11 = arith.constant 0 : index
    %get3A_12 = arith.constant 0 : index
    %get3A_13 = vector.load %arg2[%get3A_11, %get3A_12] : memref<640x128xf32, #tpu.memory_space<vmem>>, vector<640x128xf32>
    %add3A_14 = arith.addf %get3A_10, %get3A_13 : vector<640x128xf32>
    %get3A_15 = arith.constant 0 : index
    %get3A_16 = arith.constant 0 : index
    %get3A_17 = vector.load %arg3[%get3A_15, %get3A_16] : memref<640x128xf32, #tpu.memory_space<vmem>>, vector<640x128xf32>
    %add3A_18 = arith.addf %add3A_14, %get3A_17 : vector<640x128xf32>
    %mul3A = vector.broadcast %rsqrt3A : vector<640x1xf32> to vector<640x128xf32>
    %mul3A_19 = arith.mulf %add3A_18, %mul3A : vector<640x128xf32>
    %get3A_20 = arith.constant 0 : index
    %get3A_21 = arith.constant 0 : index
    %get3A_22 = vector.load %arg7[%get3A_20, %get3A_21] : memref<1x128xf32, #tpu.memory_space<vmem>>, vector<1x128xf32>
    %add3A_23 = vector.broadcast %get3A_22 : vector<1x128xf32> to vector<640x128xf32>
    %add3A_24 = arith.addf %mul3A_19, %add3A_23 : vector<640x128xf32>
    %max3A = arith.constant 0.000000e+00 : f32
    %max3A_25 = vector.broadcast %max3A : f32 to vector<640x128xf32>
    %max3A_26 = arith.maximumf %add3A_24, %max3A_25 : vector<640x128xf32>
    %get3A_27 = arith.constant 0 : index
    %get3A_28 = arith.constant 0 : index
    %get3A_29 = vector.load %arg6[%get3A_27, %get3A_28] : memref<640x128xf32, #tpu.memory_space<vmem>>, vector<640x128xf32>
    %add3A_30 = arith.addf %max3A_26, %get3A_29 : vector<640x128xf32>
    %get3A_31 = arith.constant 0 : index
    %get3A_32 = arith.constant 0 : index
    %get3A_33 = vector.load %arg8[%get3A_31, %get3A_32] : memref<128x256xf32, #tpu.memory_space<vmem>>, vector<128x256xf32>
    %dot_general3A = arith.constant dense<0.000000e+00> : vector<640x256xf32>
    %dot_general3A_34 = tpu.matmul %add3A_30, %get3A_33, %dot_general3A {dimension_numbers = #tpu.dot_dimension_numbers<[1], [0], [0], [1], [0, 0, 1, 1], [], []>, transpose_lhs_hint = false} : vector<640x128xf32>, vector<128x256xf32>, vector<640x256xf32> -> vector<640x256xf32>
    %get3A_35 = arith.constant 0 : index
    %get3A_36 = arith.constant 0 : index
    %get3A_37 = vector.load %arg9[%get3A_35, %get3A_36] : memref<1x256xf32, #tpu.memory_space<vmem>>, vector<1x256xf32>
    %add3A_38 = vector.broadcast %get3A_37 : vector<1x256xf32> to vector<640x256xf32>
    %add3A_39 = arith.addf %dot_general3A_34, %add3A_38 : vector<640x256xf32>
    %max3A_40 = arith.constant 0.000000e+00 : f32
    %max3A_41 = vector.broadcast %max3A_40 : f32 to vector<640x256xf32>
    %max3A_42 = arith.maximumf %add3A_39, %max3A_41 : vector<640x256xf32>
    %get3A_43 = arith.constant 0 : index
    %get3A_44 = arith.constant 0 : index
    %get3A_45 = vector.load %arg10[%get3A_43, %get3A_44] : memref<256x256xf32, #tpu.memory_space<vmem>>, vector<256x256xf32>
    %dot_general3A_46 = arith.constant dense<0.000000e+00> : vector<640x256xf32>
    %dot_general3A_47 = tpu.matmul %max3A_42, %get3A_45, %dot_general3A_46 {dimension_numbers = #tpu.dot_dimension_numbers<[1], [0], [0], [1], [0, 0, 1, 1], [], []>, transpose_lhs_hint = false} : vector<640x256xf32>, vector<256x256xf32>, vector<640x256xf32> -> vector<640x256xf32>
    %get3A_48 = arith.constant 0 : index
    %get3A_49 = arith.constant 0 : index
    %get3A_50 = vector.load %arg11[%get3A_48, %get3A_49] : memref<1x256xf32, #tpu.memory_space<vmem>>, vector<1x256xf32>
    %add3A_51 = vector.broadcast %get3A_50 : vector<1x256xf32> to vector<640x256xf32>
    %add3A_52 = arith.addf %dot_general3A_47, %add3A_51 : vector<640x256xf32>
    %max3A_53 = arith.constant 0.000000e+00 : f32
    %max3A_54 = vector.broadcast %max3A_53 : f32 to vector<640x256xf32>
    %max3A_55 = arith.maximumf %add3A_52, %max3A_54 : vector<640x256xf32>
    %get3A_56 = arith.constant 0 : index
    %get3A_57 = arith.constant 0 : index
    %get3A_58 = vector.load %arg12[%get3A_56, %get3A_57] : memref<256x1xf32, #tpu.memory_space<vmem>>, vector<256x1xf32>
    %dot_general3A_59 = arith.constant dense<0.000000e+00> : vector<640x1xf32>
    %dot_general3A_60 = tpu.matmul %max3A_55, %get3A_58, %dot_general3A_59 {dimension_numbers = #tpu.dot_dimension_numbers<[1], [0], [0], [1], [0, 0, 1, 1], [], []>, transpose_lhs_hint = false} : vector<640x256xf32>, vector<256x1xf32>, vector<640x1xf32> -> vector<640x1xf32>
    %get3A_61 = arith.constant 0 : index
    %get3A_62 = arith.constant 0 : index
    %get3A_63 = vector.load %arg13[%get3A_61, %get3A_62] : memref<1x1xf32, #tpu.memory_space<vmem>>, vector<1x1xf32>
    %add3A_64 = vector.broadcast %get3A_63 : vector<1x1xf32> to vector<640x1xf32>
    %add3A_65 = arith.addf %dot_general3A_60, %add3A_64 : vector<640x1xf32>
    %swap3A = arith.constant 0 : index
    %swap3A_66 = arith.constant 0 : index
    %swap3A_67 = vector.load %arg14[%swap3A, %swap3A_66] : memref<640x1xf32, #tpu.memory_space<vmem>>, vector<640x1xf32>
    tpu.vector_store %arg14[%swap3A, %swap3A_66], %add3A_65 {strides = array<i32>} : memref<640x1xf32, #tpu.memory_space<vmem>>, vector<640x1xf32>,
    return
  }
  func.func @transform_0(%arg0: i32) -> (i32, i32) {
    %c0_i32 = arith.constant 0 : i32
    %c0_i32_0 = arith.constant 0 : i32
    return %arg0, %c0_i32 : i32, i32
  }
  func.func @transform_1(%arg0: i32) -> (i32, i32) {
    %c0_i32 = arith.constant 0 : i32
    %c0_i32_0 = arith.constant 0 : i32
    return %arg0, %c0_i32 : i32, i32
  }
  func.func @transform_2(%arg0: i32) -> (i32, i32) {
    %c0_i32 = arith.constant 0 : i32
    %c0_i32_0 = arith.constant 0 : i32
    return %arg0, %c0_i32 : i32, i32
  }
  func.func @transform_3(%arg0: i32) -> (i32, i32) {
    %c0_i32 = arith.constant 0 : i32
    %c0_i32_0 = arith.constant 0 : i32
    return %arg0, %c0_i32 : i32, i32
  }
  func.func @transform_4(%arg0: i32) -> (i32, i32) {
    %c0_i32 = arith.constant 0 : i32
    %c0_i32_0 = arith.constant 0 : i32
    return %arg0, %c0_i32 : i32, i32
  }
  func.func @transform_5(%arg0: i32) -> (i32, i32) {
    %c0_i32 = arith.constant 0 : i32
    %c0_i32_0 = arith.constant 0 : i32
    return %arg0, %c0_i32 : i32, i32
  }
  func.func @transform_6(%arg0: i32) -> (i32, i32) {
    %c0_i32 = arith.constant 0 : i32
    %c0_i32_0 = arith.constant 0 : i32
    %c0_i32_1 = arith.constant 0 : i32
    return %c0_i32, %c0_i32_0 : i32, i32
  }
  func.func @transform_7(%arg0: i32) -> (i32, i32) {
    %c0_i32 = arith.constant 0 : i32
    %c0_i32_0 = arith.constant 0 : i32
    %c0_i32_1 = arith.constant 0 : i32
    return %c0_i32, %c0_i32_0 : i32, i32
  }
  func.func @transform_8(%arg0: i32) -> (i32, i32) {
    %c0_i32 = arith.constant 0 : i32
    %c0_i32_0 = arith.constant 0 : i32
    %c0_i32_1 = arith.constant 0 : i32
    return %c0_i32, %c0_i32_0 : i32, i32
  }
  func.func @transform_9(%arg0: i32) -> (i32, i32) {
    %c0_i32 = arith.constant 0 : i32
    %c0_i32_0 = arith.constant 0 : i32
    %c0_i32_1 = arith.constant 0 : i32
    return %c0_i32, %c0_i32_0 : i32, i32
  }
  func.func @transform_10(%arg0: i32) -> (i32, i32) {
    %c0_i32 = arith.constant 0 : i32
    %c0_i32_0 = arith.constant 0 : i32
    %c0_i32_1 = arith.constant 0 : i32
    return %c0_i32, %c0_i32_0 : i32, i32
  }
  func.func @transform_11(%arg0: i32) -> (i32, i32) {
    %c0_i32 = arith.constant 0 : i32
    %c0_i32_0 = arith.constant 0 : i32
    %c0_i32_1 = arith.constant 0 : i32
    return %c0_i32, %c0_i32_0 : i32, i32
  }
  func.func @transform_12(%arg0: i32) -> (i32, i32) {
    %c0_i32 = arith.constant 0 : i32
    %c0_i32_0 = arith.constant 0 : i32
    %c0_i32_1 = arith.constant 0 : i32
    return %c0_i32, %c0_i32_0 : i32, i32
  }
  func.func @transform_13(%arg0: i32) -> (i32, i32) {
    %c0_i32 = arith.constant 0 : i32
    %c0_i32_0 = arith.constant 0 : i32
    return %arg0, %c0_i32 : i32, i32
  }
}

</mosaic_0001>

<sc_bundles>
// kernel: kernel.6.cloned.1.call-start
scs
__scs_entry_jumppad:
0x0: {  	(pc) =	sbr.rel $0x88, $3  }
0x1: {  	(tag) =	ssettag $0x0;
	lr =	simm.s32 $0x1  }
0x2: {  	[smem:$0x3F97] =	sst lr;
	_ =	strace $0xD0000000  }
0x3: {  	_ = 	snop  }
0x4: {  	_ = 	snop  }
0x5: {  	_ = 	snop  }
0x6: {  	_ = 	snop  }
0x7: {  	_ = 	snop  }
__scs_overlays_trampoline_lowered:
0x8: {  	[smem:$0x3FA6] =	sst s0  }
0x9: {  	[smem:$0x3FA7] =	sst s1  }
0xa: {  	[smem:$0x3FA8] =	sst s2  }
0xb: {  	[smem:$0x3FA9] =	sst s3  }
0xc: {  	[smem:$0x3FAA] =	sst s4  }
0xd: {  	[smem:$0x3FAB] =	sst s5  }
0xe: {  	[smem:$0x3FAC] =	sst s6  }
0xf: {  	[smem:$0x3FAD] =	sst s7  }
0x10: {  	[smem:$0x3FAE] =	sst s8  }
0x11: {  	[smem:$0x3FAF] =	sst s9;
	s0 =	simm.s32 @!p0 $0x0  }
0x12: {  	s1 =	sld [smem:$0x3F95];
	s0 =	simm.s32 @p0 $0x1  }
0x13: {  	[smem:$0x3FB0] =	sst s0;
	s0 =	simm.s32 @!p1 $0x0  }
0x14: {  	s2 =	sld [smem:$0x3F94];
	s0 =	simm.s32 @p1 $0x1  }
0x15: {  	[smem:$0x3FB1] =	sst s0;
	s0 =	simm.s32 @!p2 $0x0  }
0x16: {  	s3 =	sld [smem:$0x3FDB];
	s0 =	simm.s32 @p2 $0x1  }
0x17: {  	s4 =	simm.s32 $0x1BF5;
	[smem:$0x3FB3] =	sst s0  }
0x18: {  	s0 =	sld [smem:$0x3F96];
	_ =	swait.ge [sflag:s4], $0x0  }
0x19: {  	s7 =	sld [smem:$0x3F97]  }
0x1a: {  	s8 =	sadd.s32 $0xFFFFE003, lr  }
0x1b: {  	s9 =	sadd.s32 $0xFFFFFEF7, lr;
	s5 =	simm.s32 $0xFFFFFFFF;
	p2 =	slt.u32 s8, $0xFFFFF086  }
0x1c: {  	p1 =	slt.u32 s9, $0xF7A;
	s5 =	simm.s32 @!p2 $0x0  }
0x1d: {  	s5 =	simm.s32 @p1 $0x1;
	p0 =	seq.s32 s7, s2  }
0x1e: {  	s7 =	smul.u32 @!p0 $0xF7A, s2;
	p2 =	seq.s32 @!p0 s5, $0x0  }
0x1f: {  	s9 =	smul.u32 $0xF7A, s1;
	s8 =	simm.s32 @!p0 $0x1BF5;
	p2 =	por !p2, p0  }
0x20: {  	[sflag:s8] =	ssyncset.s32 @!p0 $0xFFFFF086;
	s6 =	sadd.s32 @!p0 s3, s7;
	s7 =	simm.s32 @!p0 $0x108  }
0x21: {  	s3 =	sadd.s32 s3, s9;
	s6 =	sadd.s32 @!p0 $0x88, s6;
	s7 =	simm.s32 @p2 $0x1082  }
0x22: {  	[simem:s7], [sflag:s8] =	dma.local @!p0 [hbm:s6], $0xF7A  }
0x23: {  	s9 =	sor.u32 $0xD0000000, s2;
	s6 =	simm.s32 $0x108;
	_ =	swait.ge @!p0 [sflag:s8], $0x0  }
0x24: {  	s3 =	sadd.s32 $0x88, s3;
	s6 =	simm.s32 @!p1 $0x1082;
	[sflag:s4] =	ssyncset.s32 $0xFFFFF086  }
0x25: {  	[simem:s6], [sflag:s4] =	dma.local [hbm:s3], $0xF7A  }
0x26: {  	[smem:$0x3F97] =	sst s1;
	(tag) =	ssettag s2;
	_ =	strace s9  }
0x27: {  	s1 =	sld [smem:$0x3FA7]  }
0x28: {  	s2 =	sld [smem:$0x3FA8]  }
0x29: {  	s4 =	sld [smem:$0x3FAA]  }
0x2a: {  	p0 =	seq.s32 s5, $0x0;
	s5 =	sld [smem:$0x3FAB]  }
0x2b: {  	s6 =	sld [smem:$0x3FAC]  }
0x2c: {  	s7 =	sld [smem:$0x3FAD]  }
0x2d: {  	s3 =	simm.s32 $0x108;
	s8 =	sld [smem:$0x3FAE]  }
0x2e: {  	s3 =	simm.s32 @!p0 $0x1082;
	s9 =	sld [smem:$0x3FAF]  }
0x2f: {  	lr =	sadd.s32 s0, s3;
	s0 =	sld [smem:$0x3FA6]  }
0x30: {  	s3 =	sld [smem:$0x3FA9]  }
0x31: {  	[smem:$0x3FB2] =	sst s10  }
0x32: {  	s10 =	sld [smem:$0x3FB0];
	_ =	sdelay $0x3  }
0x33: {  	p0 =	seq.s32 s10, $0x1;
	s10 =	sld [smem:$0x3FB2];
	_ =	sdelay $0x3  }
0x34: {  	[smem:$0x3FB2] =	sst s10  }
0x35: {  	s10 =	sld [smem:$0x3FB1];
	_ =	sdelay $0x3  }
0x36: {  	p1 =	seq.s32 s10, $0x1;
	s10 =	sld [smem:$0x3FB2];
	_ =	sdelay $0x3  }
0x37: {  	[smem:$0x3FB2] =	sst s10  }
0x38: {  	s10 =	sld [smem:$0x3FB3]  }
0x39: {  	_ = 	snop;
	(pc) =	sbr.ind lr, $3  }
0x3a: {  	_ = 	snop  }
0x3b: {  	_ = 	snop  }
0x3c: {  	p2 =	seq.s32 s10, $0x1;
	s10 =	sld [smem:$0x3FB2]  }
0x3d: {  	_ =	shalt  }
0x3e: {  	_ =	shalt  }
0x3f: {  	_ =	shalt  }
0x40: {  	_ =	shalt  }
0x41: {  	_ =	shalt  }
0x42: {  	_ =	shalt  }
0x43: {  	_ =	shalt  }
0x44: {  	_ =	shalt  }
0x45: {  	_ =	shalt  }
0x46: {  	_ =	shalt  }
0x47: {  	_ =	shalt  }
0x48: {  	_ =	shalt  }
0x49: {  	_ =	shalt  }
0x4a: {  	_ =	shalt  }
0x4b: {  	_ =	shalt  }
0x4c: {  	_ =	shalt  }
0x4d: {  	_ =	shalt  }
0x4e: {  	_ =	shalt  }
0x4f: {  	_ =	shalt  }
0x50: {  	_ =	shalt  }
0x51: {  	_ =	shalt  }
0x52: {  	_ =	shalt  }
0x53: {  	_ =	shalt  }
0x54: {  	_ =	shalt  }
0x55: {  	_ =	shalt  }
0x56: {  	_ =	shalt  }
0x57: {  	_ =	shalt  }
0x58: {  	_ =	shalt  }
0x59: {  	_ =	shalt  }
0x5a: {  	_ =	shalt  }
0x5b: {  	_ =	shalt  }
0x5c: {  	_ =	shalt  }
0x5d: {  	_ =	shalt  }
0x5e: {  	_ =	shalt  }
0x5f: {  	_ =	shalt  }
0x60: {  	_ =	shalt  }
0x61: {  	_ =	shalt  }
0x62: {  	_ =	shalt  }
0x63: {  	_ =	shalt  }
0x64: {  	_ =	shalt  }
0x65: {  	_ =	shalt  }
0x66: {  	_ =	shalt  }
0x67: {  	_ =	shalt  }
0x68: {  	_ =	shalt  }
0x69: {  	_ =	shalt  }
0x6a: {  	_ =	shalt  }
0x6b: {  	_ =	shalt  }
0x6c: {  	_ =	shalt  }
0x6d: {  	_ =	shalt  }
0x6e: {  	_ =	shalt  }
0x6f: {  	_ =	shalt  }
0x70: {  	_ =	shalt  }
0x71: {  	_ =	shalt  }
0x72: {  	_ =	shalt  }
0x73: {  	_ =	shalt  }
0x74: {  	_ =	shalt  }
0x75: {  	_ =	shalt  }
0x76: {  	_ =	shalt  }
0x77: {  	_ =	shalt  }
0x78: {  	_ =	shalt  }
0x79: {  	_ =	shalt  }
0x7a: {  	_ =	shalt  }
0x7b: {  	_ =	shalt  }
0x7c: {  	_ =	shalt  }
0x7d: {  	_ =	shalt  }
0x7e: {  	_ =	shalt  }
0x7f: {  	_ =	shalt  }
0x80: {  	_ =	shalt  }
0x81: {  	_ =	shalt  }
0x82: {  	_ =	shalt  }
0x83: {  	_ =	shalt  }
0x84: {  	_ =	shalt  }
0x85: {  	_ =	shalt  }
0x86: {  	_ =	shalt  }
0x87: {  	_ =	shalt  }
.Lfunc_end0:
.L_simem_size_0:
called_computation_lowered:
.L_overlay_start_0:
0x88: {  	s2 =	sld [smem:$0x3FD9]  }
0x89: {  	s3 =	sld [smem:$0x3FFE];
	_ =	sdelay $0x1  }
0x8a: {  	s1 =	srdreg.scid  }
0x8b: {  	s0 =	sand.u32 $0x1, s1  }
0x8c: {  	s17 =	sshll.u32 s0, $0xA;
	s2 =	sadd.s32 s3, s2  }
0x8d: {  	s2 =	sadd.s32 s2, s17  }
0x8e: {  	[smem:$0x3FBE] =	sst s2  }
0x8f: {  	_ = 	snop  }
0x90: {  	s2 =	sld [smem:$0x3FD0];
	(tm) =	ssettm $0x1  }
0x91: {  	s18 =	sld [smem:$0x3FFB];
	_ =	sdelay $0x3  }
0x92: {  	_ =	strace s18  }
0x93: {  	s3 =	sld [smem:$0x3FFC];
	_ =	sdelay $0x3  }
0x94: {  	_ =	strace s3  }
0x95: {  	s3 =	sld [smem:$0x3FFD];
	_ =	sdelay $0x3  }
0x96: {  	_ =	strace s3  }
0x97: {  	_ =	strace $0x8FFFFFFF  }
0x98: {  	s19 =	sld [smem:$0x3FDB];
	_ =	sdelay $0x1  }
0x99: {  	s4 =	simm.s32 $_scs_section_size  }
0x9a: {  	s5 =	simm.s32 $_size__tile_overlayer_lowered;
	s6 =	simm.s32 $_tile_overlayer_lowered  }
0x9b: {  	s22 =	simm.s32 $0x1BFF;
	s21 =	sshll.u32 s6, $0x1;
	s3 =	sadd.s32 s4, s19  }
0x9c: {  	s7 =	simm.s32 $0x0;
	s20 =	sshll.u32 s5, $0x1;
	s5 =	sadd.s32 s21, s3  }
0x9d: {  	[timem:s7], [sflag:s22] =	dma.local [hbm:s5], s20  }
0x9e: {  	_ =	swait.ge [sflag:s22], s20  }
0x9f: {  	s4 =	ssub.s32 $0x0, s20;
	[sflag:s22] =	ssyncset.done $0x0  }
0xa0: {  	[sflag:s22] =	ssyncadd.s32 s4;
	_ =	sdelay $0x1  }
0xa1: {  	s23 =	simm.s32 $0x1B8B  }
0xa2: {  	_ =	swait.ge [sflag:s23], $0x1  }
0xa3: {  	[sflag:s23] =	ssyncset.done $0x0  }
0xa4: {  	s25 =	simm.s32 $0x1B8E;
	s24 =	sld [smem:$0x3FFE];
	[sflag:s23] =	ssyncadd.s32 $0xFFFFFFFF  }
0xa5: {  	s26 =	simm.s32 $execute0_lowered;
	[smem:$0x3FD2] =	sst s25  }
0xa6: {  	s5 =	sshll.u32 s26, $0x1;
	_ =	strace $0x80000046;
	[dreg:$0x1] =	wrdreg $0xFFFFFFFF  }
0xa7: {  	s28 =	simm.s32 $_size_execute0_lowered;
	s3 =	sadd.s32 s3, s5;
	[dreg:$0x0] =	wrdreg $0x0  }
0xa8: {  	s5 =	sshll.u32 s28, $0x1;
	[dreg:$0x2] =	wrdreg s3  }
0xa9: {  	[dreg:$0x3] =	wrdreg s5  }
0xaa: {  	[dreg:$0x4] =	wrdreg $0xC0  }
0xab: {  	_ =	task [dreg:s7], $0x5FFFF  }
0xac: {  	[dreg:$0x1] =	wrdreg $0xFFFFFFFF  }
0xad: {  	[dreg:$0x0] =	wrdreg $0x60  }
0xae: {  	[dreg:$0x2] =	wrdreg s24  }
0xaf: {  	[dreg:$0x3] =	wrdreg s2  }
0xb0: {  	[dreg:$0x4] =	wrdreg $0x70000  }
0xb1: {  	[dreg:$0x5] =	wrdreg $0x9  }
0xb2: {  	_ =	task.clear_ibuf [dreg:s7], $0x6FFFF;
	_ =	strace $0x90000046  }
0xb3: {  	s29 =	simm.s32 $0x9;
	_ =	strace $0x80000048  }
0xb4: {  	_ =	swait.ge [sflag:s29], $0x1  }
0xb5: {  	[sflag:s29] =	ssyncadd.s32 $0xFFFFFFFF  }
0xb6: {  	_ =	strace $0x90000048  }
0xb7: {  	_ =	sfence  }
0xb8: {  	s30 =	sld [smem:$0x0];
	_ =	sdelay $0x2  }
0xb9: {  	s31 =	sshll.u32 s1, $0xD;
	s1 =	sshrl.u32 s1, $0x2  }
0xba: {  	s3 =	sand.u32 $0x4000, s31;
	s1 =	sadd.s32 s1, s30  }
0xbb: {  	s0 =	sor.u32 s3, s0;
	s1 =	sshll.u32 s1, $0x11  }
0xbc: {  	s0 =	sor.u32 s1, s0  }
0xbd: {  	s0 =	sadd.s32 $0x8F2B, s0  }
0xbe: {  	[sflag:s0] =	ssyncadd.remote.s32 $0x1  }
0xbf: {  	_ =	sfence.sel $0xFFFF  }
0xc0: {  	[dreg:$0x0] =	wrdreg $0xFFFFFFFF;
	(pc) =	sbr.abs _section_cstart, $3  }
0xc1: {  	[dreg:$0x1] =	wrdreg $0xFFFFFFFF  }
0xc2: {  	_ =	task.clear_ibuf [dreg:s7], $0x2FFFF;
	_ =	strace $0x9FFFFFFF  }
0xc3: {  	(tm) =	ssettm $0x7FFFFFFF  }
tec
execute0_lowered:
.L_overlay_start_1:
0x0: {  	(tag) =	ssettag $0x1  }
0x1: {  	s6 =	rddreg [dreg:$0x0]  }
0x2: {  	s0 =	srdreg.scid;
	s2 =	rddreg [dreg:$0x1]  }
0x3: {  	s3 =	rddreg [dreg:$0x2];
	s4 =	simm.s32 $0x0;
	s12 =	simm.s32 $0x40  }
0x4: {  	s13 =	simm.s32 $0x1;
	s7 =	sand.u32 $0x1, s0;
	s0 =	stileid.u32  }
0x5: {  	[smem:$0x7FF] =	sst s4;
	s1 =	sshll.u32 s7, $0x4;
	s8 =	smul.u32 $0x28000, s7  }
0x6: {  	s9 =	smul.u32 $0x50000, s0;
	s7 =	ssub.s32 $0x2, s7;
	s31 =	sshll.u32 s0, $0x6  }
0x7: {  	s15 =	smul.u32 $0x2800, s0;
	s5 =	sor.u32 s0, s1;
	s1 =	rddreg [dreg:$0x3]  }
0x8: {  	_ =	strace $0x80000047;
	s30 =	sshrl.u32 s7, $0x1;
	s5 =	smul.u32 $0xA00, s5  }
0x9: {  	s8 =	sadd.s32 s8, s6;
	s9 =	sshrl.u32 s9, $0x2;
	s11 =	ssub.s32 s7, s30  }
0xa: {  	s9 =	sadd.s32 s9, s3;
	s14 =	sadd.s32 $0x19200, s8;
	s8 =	smax.u32 s11, $0x1  }
0xb: {  	s11 =	simm.s32 $0x5000;
	s10 =	sadd.s32 s5, s6;
	s5 =	sadd.s32 $0x16A00, s6  }
0xc: {  	s6 =	sor.u32 $0x1C02, s31;
	s9 =	sshrl.u32 s9, $0x3;
	s14 =	sadd.s32 s15, s14  }
0xd: {  	s15 =	simm.s32 $0x0;
	s7 =	sadd.s32 $0x2A00, s10;
	s10 =	simm.s32 $0x2  }
.LBB2_1:
0xe: {  	[spmem:s9], [sflag:s6] =	dma.local [hbm:s5], $0x2800  }
0xf: {  	_ =	swait.ge [sflag:s10], $0x2800  }
0x10: {  	[sflag:s10] =	ssyncset.done $0x0  }
0x11: {  	[sflag:s10] =	ssyncadd.s32 $0xFFFFD800  }
0x12: {  	[tilespmem:s11], [sflag:$0x2] =	stream.linear.gather [hbm4b:s2+s4], $0x2000, $0x38;
	[tilespmem:$0x1B000] =	vst v63  }
0x13: {  	_ =	swait.ge [sflag:s10], $0x2000  }
0x14: {  	[sflag:s10] =	ssyncset.done $0x0  }
0x15: {  	[sflag:s10] =	ssyncadd.s32 $0xFFFFE000  }
0x16: {  	[tilespmem:s4], [sflag:$0x2] =	stream.linear.gather [hbm4b:s7+s4], $0x5000, $0x38;
	[tilespmem:$0x1B000] =	vst v63  }
0x17: {  	_ =	swait.ge [sflag:s10], $0x5000  }
0x18: {  	[sflag:s10] =	ssyncset.done $0x0  }
0x19: {  	p0 =	por $0x1, $0x1;
	[sflag:s10] =	ssyncadd.s32 $0xFFFFB000  }
0x1a: {  	s17 =	simm.s32 @!p0 $0x1;
	[bflag:$0x0] =	sbarrier.arrive $0xFFFF  }
0x1b: {  	_ =	swait.ge @!p0 [sflag:s17], $0x2000  }
0x1c: {  	s16 =	simm.s32 $0x1;
	[sflag:s17] =	ssyncset.done @!p0 $0x0  }
0x1d: {  	s18 =	simm.s32 $0x0;
	[sflag:s17] =	ssyncadd.s32 @!p0 $0xFFFFE000;
	s17 =	simm.s32 $0x80  }
.LBB2_2:
0x1e: {  	[spmem:s3] =	stream.indirect.scatter.add.f32 [tilespmem:s11], [sflag:$0x1], $0x80, s18, s12, $0xb8;
	[tilespmem:$0x1B000] =	vst v63  }
0x1f: {  	p0 =	slt.u32 s16, $0x8;
	s16 =	sadd.s32 $0x1, s16  }
0x20: {  	p1 =	sne.s32 s16, $0xA0  }
.Ltmp0:
0x21: {  	(pc) =	sbr.rel @p1 .LBB2_2-.Ltmp0, $4  }
0x22: {  	s18 =	smov.u32 s17;
	s19 =	simm.s32 @!p0 $0x1  }
0x23: {  	_ =	swait.ge @!p0 [sflag:s19], $0x2000  }
0x24: {  	[sflag:s19] =	ssyncset.done @!p0 $0x0  }
0x25: {  	s17 =	sadd.s32 $0x80, s17;
	[sflag:s19] =	ssyncadd.s32 @!p0 $0xFFFFE000  }
0x26: {  	[spmem:s3] =	stream.indirect.scatter.add.f32 [tilespmem:s11], [sflag:$0x1], $0x80, s18, s12, $0xb8;
	[tilespmem:$0x1B000] =	vst v63  }
0x27: {  	_ =	swait.ge [sflag:s13], $0x2000  }
0x28: {  	[sflag:s13] =	ssyncset.done $0x0  }
0x29: {  	[sflag:s13] =	ssyncadd.s32 $0xFFFFE000  }
0x2a: {  	_ =	swait.ge [sflag:s13], $0x2000  }
0x2b: {  	[sflag:s13] =	ssyncset.done $0x0  }
0x2c: {  	[sflag:s13] =	ssyncadd.s32 $0xFFFFE000  }
0x2d: {  	_ =	swait.ge [sflag:s13], $0x2000  }
0x2e: {  	[sflag:s13] =	ssyncset.done $0x0  }
0x2f: {  	[sflag:s13] =	ssyncadd.s32 $0xFFFFE000  }
0x30: {  	_ =	swait.ge [sflag:s13], $0x2000  }
0x31: {  	[sflag:s13] =	ssyncset.done $0x0  }
0x32: {  	[sflag:s13] =	ssyncadd.s32 $0xFFFFE000  }
0x33: {  	_ =	swait.ge [sflag:s13], $0x2000  }
0x34: {  	[sflag:s13] =	ssyncset.done $0x0  }
0x35: {  	[sflag:s13] =	ssyncadd.s32 $0xFFFFE000  }
0x36: {  	_ =	swait.ge [sflag:s13], $0x2000  }
0x37: {  	[sflag:s13] =	ssyncset.done $0x0  }
0x38: {  	[sflag:s13] =	ssyncadd.s32 $0xFFFFE000  }
0x39: {  	_ =	swait.ge [sflag:s13], $0x2000  }
0x3a: {  	[sflag:s13] =	ssyncset.done $0x0  }
0x3b: {  	[sflag:s13] =	ssyncadd.s32 $0xFFFFE000  }
0x3c: {  	_ =	swait.ge [sflag:s13], $0x2000  }
0x3d: {  	s15 =	sadd.s32 $0x1, s15;
	[sflag:s13] =	ssyncset.done $0x0  }
0x3e: {  	p0 =	sne.s32 s15, s8;
	[sflag:s13] =	ssyncadd.s32 $0xFFFFE000  }
.Ltmp1:
0x3f: {  	[bflag:$0x0] =	sbarrier.arrive $0xFFFF;
	(pc) =	sbr.rel @p0 .LBB2_1-.Ltmp1, $4  }
0x40: {  	[hbm:s14], [sflag:s6] =	dma.local [spmem:s9], $0x2800  }
0x41: {  	_ =	swait.ge [sflag:s10], $0x2800  }
0x42: {  	[sflag:s10] =	ssyncset.done $0x0  }
0x43: {  	[sflag:s10] =	ssyncadd.s32 $0xFFFFD800  }
0x44: {  	_ =	sfence.sel $0x180000  }
0x45: {  	[bflag:$0x0] =	sbarrier.arrive $0xFFFF  }
0x46: {  	p0 =	sne.s32 s0, $0x0;
	_ =	strace $0x90000047  }
0x47: {  	s0 =	sadd.s32 @!p0 $0x100000, s1;
	[bflag:$0x2] =	sbarrier.arrive $0xFFFF  }
0x48: {  	[sflag:s0] =	ssyncadd.tile.s32 @!p0 $0x1;
	_ =	shalt  }
.Lfunc_end2:
_tile_overlayer_lowered:
.L_overlay_start_2:
0x49: {  	(tag) =	ssettag $0x2  }
0x4a: {  	s0 =	rddreg [dreg:$0x0];
	s2 =	stileid.u32  }
0x4b: {  	s1 =	rddreg [dreg:$0x1];
	p0 =	sne.s32 s2, $0x0  }
0x4c: {  	s3 =	rddreg [dreg:$0x2];
	[bflag:$0x3] =	sbarrier.arrive $0xFFFF;
	s2 =	simm.s32 @!p0 $0x1C02  }
0x4d: {  	[timem:s3], [sflag:s2] =	dma.local @!p0 [hbm:s0], s1  }
0x4e: {  	s0 =	simm.s32 @!p0 $0x2  }
0x4f: {  	_ =	swait.ge @!p0 [sflag:s0], s1  }
0x50: {  	s1 =	ssub.s32 @!p0 $0x0, s1;
	[sflag:s0] =	ssyncset.done @!p0 $0x0  }
0x51: {  	[sflag:s0] =	ssyncadd.s32 @!p0 s1  }
0x52: {  	[bflag:$0x3] =	sbarrier.arrive $0xFFFF  }
0x53: {  	_ =	shalt  }

// kernel: kernel.9.cloned.1.call-start
scs
__scs_entry_jumppad:
0x0: {  	(pc) =	sbr.rel $0x88, $3  }
0x1: {  	(tag) =	ssettag $0x0;
	lr =	simm.s32 $0x1  }
0x2: {  	[smem:$0x3F97] =	sst lr;
	_ =	strace $0xD0000000  }
0x3: {  	_ = 	snop  }
0x4: {  	_ = 	snop  }
0x5: {  	_ = 	snop  }
0x6: {  	_ = 	snop  }
0x7: {  	_ = 	snop  }
__scs_overlays_trampoline_lowered:
0x8: {  	[smem:$0x3FA6] =	sst s0  }
0x9: {  	[smem:$0x3FA7] =	sst s1  }
0xa: {  	[smem:$0x3FA8] =	sst s2  }
0xb: {  	[smem:$0x3FA9] =	sst s3  }
0xc: {  	[smem:$0x3FAA] =	sst s4  }
0xd: {  	[smem:$0x3FAB] =	sst s5  }
0xe: {  	[smem:$0x3FAC] =	sst s6  }
0xf: {  	[smem:$0x3FAD] =	sst s7  }
0x10: {  	[smem:$0x3FAE] =	sst s8  }
0x11: {  	[smem:$0x3FAF] =	sst s9;
	s0 =	simm.s32 @!p0 $0x0  }
0x12: {  	s1 =	sld [smem:$0x3F95];
	s0 =	simm.s32 @p0 $0x1  }
0x13: {  	[smem:$0x3FB0] =	sst s0;
	s0 =	simm.s32 @!p1 $0x0  }
0x14: {  	s2 =	sld [smem:$0x3F94];
	s0 =	simm.s32 @p1 $0x1  }
0x15: {  	[smem:$0x3FB1] =	sst s0;
	s0 =	simm.s32 @!p2 $0x0  }
0x16: {  	s3 =	sld [smem:$0x3FDB];
	s0 =	simm.s32 @p2 $0x1  }
0x17: {  	s4 =	simm.s32 $0x1BF5;
	[smem:$0x3FB3] =	sst s0  }
0x18: {  	s0 =	sld [smem:$0x3F96];
	_ =	swait.ge [sflag:s4], $0x0  }
0x19: {  	s7 =	sld [smem:$0x3F97]  }
0x1a: {  	s8 =	sadd.s32 $0xFFFFE003, lr  }
0x1b: {  	s9 =	sadd.s32 $0xFFFFFEF7, lr;
	s5 =	simm.s32 $0xFFFFFFFF;
	p2 =	slt.u32 s8, $0xFFFFF086  }
0x1c: {  	p1 =	slt.u32 s9, $0xF7A;
	s5 =	simm.s32 @!p2 $0x0  }
0x1d: {  	s5 =	simm.s32 @p1 $0x1;
	p0 =	seq.s32 s7, s2  }
0x1e: {  	s7 =	smul.u32 @!p0 $0xF7A, s2;
	p2 =	seq.s32 @!p0 s5, $0x0  }
0x1f: {  	s9 =	smul.u32 $0xF7A, s1;
	s8 =	simm.s32 @!p0 $0x1BF5;
	p2 =	por !p2, p0  }
0x20: {  	[sflag:s8] =	ssyncset.s32 @!p0 $0xFFFFF086;
	s6 =	sadd.s32 @!p0 s3, s7;
	s7 =	simm.s32 @!p0 $0x108  }
0x21: {  	s3 =	sadd.s32 s3, s9;
	s6 =	sadd.s32 @!p0 $0x88, s6;
	s7 =	simm.s32 @p2 $0x1082  }
0x22: {  	[simem:s7], [sflag:s8] =	dma.local @!p0 [hbm:s6], $0xF7A  }
0x23: {  	s9 =	sor.u32 $0xD0000000, s2;
	s6 =	simm.s32 $0x108;
	_ =	swait.ge @!p0 [sflag:s8], $0x0  }
0x24: {  	s3 =	sadd.s32 $0x88, s3;
	s6 =	simm.s32 @!p1 $0x1082;
	[sflag:s4] =	ssyncset.s32 $0xFFFFF086  }
0x25: {  	[simem:s6], [sflag:s4] =	dma.local [hbm:s3], $0xF7A  }
0x26: {  	[smem:$0x3F97] =	sst s1;
	(tag) =	ssettag s2;
	_ =	strace s9  }
0x27: {  	s1 =	sld [smem:$0x3FA7]  }
0x28: {  	s2 =	sld [smem:$0x3FA8]  }
0x29: {  	s4 =	sld [smem:$0x3FAA]  }
0x2a: {  	p0 =	seq.s32 s5, $0x0;
	s5 =	sld [smem:$0x3FAB]  }
0x2b: {  	s6 =	sld [smem:$0x3FAC]  }
0x2c: {  	s7 =	sld [smem:$0x3FAD]  }
0x2d: {  	s3 =	simm.s32 $0x108;
	s8 =	sld [smem:$0x3FAE]  }
0x2e: {  	s3 =	simm.s32 @!p0 $0x1082;
	s9 =	sld [smem:$0x3FAF]  }
0x2f: {  	lr =	sadd.s32 s0, s3;
	s0 =	sld [smem:$0x3FA6]  }
0x30: {  	s3 =	sld [smem:$0x3FA9]  }
0x31: {  	[smem:$0x3FB2] =	sst s10  }
0x32: {  	s10 =	sld [smem:$0x3FB0];
	_ =	sdelay $0x3  }
0x33: {  	p0 =	seq.s32 s10, $0x1;
	s10 =	sld [smem:$0x3FB2];
	_ =	sdelay $0x3  }
0x34: {  	[smem:$0x3FB2] =	sst s10  }
0x35: {  	s10 =	sld [smem:$0x3FB1];
	_ =	sdelay $0x3  }
0x36: {  	p1 =	seq.s32 s10, $0x1;
	s10 =	sld [smem:$0x3FB2];
	_ =	sdelay $0x3  }
0x37: {  	[smem:$0x3FB2] =	sst s10  }
0x38: {  	s10 =	sld [smem:$0x3FB3]  }
0x39: {  	_ = 	snop;
	(pc) =	sbr.ind lr, $3  }
0x3a: {  	_ = 	snop  }
0x3b: {  	_ = 	snop  }
0x3c: {  	p2 =	seq.s32 s10, $0x1;
	s10 =	sld [smem:$0x3FB2]  }
0x3d: {  	_ =	shalt  }
0x3e: {  	_ =	shalt  }
0x3f: {  	_ =	shalt  }
0x40: {  	_ =	shalt  }
0x41: {  	_ =	shalt  }
0x42: {  	_ =	shalt  }
0x43: {  	_ =	shalt  }
0x44: {  	_ =	shalt  }
0x45: {  	_ =	shalt  }
0x46: {  	_ =	shalt  }
0x47: {  	_ =	shalt  }
0x48: {  	_ =	shalt  }
0x49: {  	_ =	shalt  }
0x4a: {  	_ =	shalt  }
0x4b: {  	_ =	shalt  }
0x4c: {  	_ =	shalt  }
0x4d: {  	_ =	shalt  }
0x4e: {  	_ =	shalt  }
0x4f: {  	_ =	shalt  }
0x50: {  	_ =	shalt  }
0x51: {  	_ =	shalt  }
0x52: {  	_ =	shalt  }
0x53: {  	_ =	shalt  }
0x54: {  	_ =	shalt  }
0x55: {  	_ =	shalt  }
0x56: {  	_ =	shalt  }
0x57: {  	_ =	shalt  }
0x58: {  	_ =	shalt  }
0x59: {  	_ =	shalt  }
0x5a: {  	_ =	shalt  }
0x5b: {  	_ =	shalt  }
0x5c: {  	_ =	shalt  }
0x5d: {  	_ =	shalt  }
0x5e: {  	_ =	shalt  }
0x5f: {  	_ =	shalt  }
0x60: {  	_ =	shalt  }
0x61: {  	_ =	shalt  }
0x62: {  	_ =	shalt  }
0x63: {  	_ =	shalt  }
0x64: {  	_ =	shalt  }
0x65: {  	_ =	shalt  }
0x66: {  	_ =	shalt  }
0x67: {  	_ =	shalt  }
0x68: {  	_ =	shalt  }
0x69: {  	_ =	shalt  }
0x6a: {  	_ =	shalt  }
0x6b: {  	_ =	shalt  }
0x6c: {  	_ =	shalt  }
0x6d: {  	_ =	shalt  }
0x6e: {  	_ =	shalt  }
0x6f: {  	_ =	shalt  }
0x70: {  	_ =	shalt  }
0x71: {  	_ =	shalt  }
0x72: {  	_ =	shalt  }
0x73: {  	_ =	shalt  }
0x74: {  	_ =	shalt  }
0x75: {  	_ =	shalt  }
0x76: {  	_ =	shalt  }
0x77: {  	_ =	shalt  }
0x78: {  	_ =	shalt  }
0x79: {  	_ =	shalt  }
0x7a: {  	_ =	shalt  }
0x7b: {  	_ =	shalt  }
0x7c: {  	_ =	shalt  }
0x7d: {  	_ =	shalt  }
0x7e: {  	_ =	shalt  }
0x7f: {  	_ =	shalt  }
0x80: {  	_ =	shalt  }
0x81: {  	_ =	shalt  }
0x82: {  	_ =	shalt  }
0x83: {  	_ =	shalt  }
0x84: {  	_ =	shalt  }
0x85: {  	_ =	shalt  }
0x86: {  	_ =	shalt  }
0x87: {  	_ =	shalt  }
.Lfunc_end0:
.L_simem_size_0:
called_computation.1_lowered:
.L_overlay_start_0:
0x88: {  	s2 =	sld [smem:$0x3FD9]  }
0x89: {  	s3 =	sld [smem:$0x3FFE];
	_ =	sdelay $0x1  }
0x8a: {  	s1 =	srdreg.scid  }
0x8b: {  	s0 =	sand.u32 $0x1, s1  }
0x8c: {  	s16 =	sshll.u32 s0, $0xA;
	s2 =	sadd.s32 s3, s2  }
0x8d: {  	s2 =	sadd.s32 s2, s16  }
0x8e: {  	[smem:$0x3FBE] =	sst s2  }
0x8f: {  	_ = 	snop  }
0x90: {  	(tm) =	ssettm $0x1  }
0x91: {  	s17 =	sld [smem:$0x3FFB];
	_ =	sdelay $0x3  }
0x92: {  	_ =	strace s17  }
0x93: {  	s2 =	sld [smem:$0x3FFC];
	_ =	sdelay $0x3  }
0x94: {  	_ =	strace s2  }
0x95: {  	s2 =	sld [smem:$0x3FFD];
	_ =	sdelay $0x3  }
0x96: {  	_ =	strace s2  }
0x97: {  	_ =	strace $0x8FFFFFFF  }
0x98: {  	s18 =	sld [smem:$0x3FDB];
	_ =	sdelay $0x1  }
0x99: {  	s19 =	simm.s32 $_scs_section_size  }
0x9a: {  	s4 =	simm.s32 $_size__tile_overlayer_lowered;
	s5 =	simm.s32 $_tile_overlayer_lowered  }
0x9b: {  	s22 =	simm.s32 $0x1BFF;
	s21 =	sshll.u32 s5, $0x1;
	s2 =	sadd.s32 s19, s18  }
0x9c: {  	s6 =	simm.s32 $0x0;
	s20 =	sshll.u32 s4, $0x1;
	s4 =	sadd.s32 s21, s2  }
0x9d: {  	[timem:s6], [sflag:s22] =	dma.local [hbm:s4], s20  }
0x9e: {  	_ =	swait.ge [sflag:s22], s20  }
0x9f: {  	s3 =	ssub.s32 $0x0, s20;
	[sflag:s22] =	ssyncset.done $0x0  }
0xa0: {  	[sflag:s22] =	ssyncadd.s32 s3;
	_ =	sdelay $0x1  }
0xa1: {  	s23 =	simm.s32 $0x1B8B  }
0xa2: {  	_ =	swait.ge [sflag:s23], $0x1  }
0xa3: {  	[sflag:s23] =	ssyncset.done $0x0  }
0xa4: {  	s25 =	simm.s32 $0x1B8E;
	s24 =	sld [smem:$0x3FFE];
	[sflag:s23] =	ssyncadd.s32 $0xFFFFFFFF  }
0xa5: {  	s26 =	simm.s32 $execute0_lowered;
	[smem:$0x3FD2] =	sst s25  }
0xa6: {  	s4 =	sshll.u32 s26, $0x1;
	_ =	strace $0x80000049;
	[dreg:$0x1] =	wrdreg $0xFFFFFFFF  }
0xa7: {  	s28 =	simm.s32 $_size_execute0_lowered;
	s2 =	sadd.s32 s2, s4;
	[dreg:$0x0] =	wrdreg $0x0  }
0xa8: {  	s4 =	sshll.u32 s28, $0x1;
	[dreg:$0x2] =	wrdreg s2  }
0xa9: {  	[dreg:$0x3] =	wrdreg s4  }
0xaa: {  	[dreg:$0x4] =	wrdreg $0xC0  }
0xab: {  	_ =	task [dreg:s6], $0x5FFFF  }
0xac: {  	[dreg:$0x1] =	wrdreg $0xFFFFFFFF  }
0xad: {  	[dreg:$0x0] =	wrdreg $0x60  }
0xae: {  	[dreg:$0x2] =	wrdreg s24  }
0xaf: {  	[dreg:$0x3] =	wrdreg $0xA8000  }
0xb0: {  	[dreg:$0x4] =	wrdreg $0x9  }
0xb1: {  	_ =	task.clear_ibuf [dreg:s6], $0x5FFFF;
	_ =	strace $0x90000049  }
0xb2: {  	s29 =	simm.s32 $0x9;
	_ =	strace $0x8000004B  }
0xb3: {  	_ =	swait.ge [sflag:s29], $0x1  }
0xb4: {  	[sflag:s29] =	ssyncadd.s32 $0xFFFFFFFF  }
0xb5: {  	_ =	strace $0x9000004B  }
0xb6: {  	_ =	sfence  }
0xb7: {  	s30 =	sld [smem:$0x0];
	_ =	sdelay $0x2  }
0xb8: {  	s31 =	sshll.u32 s1, $0xD;
	s1 =	sshrl.u32 s1, $0x2  }
0xb9: {  	s3 =	sand.u32 $0x4000, s31;
	s1 =	sadd.s32 s1, s30  }
0xba: {  	s0 =	sor.u32 s3, s0;
	s1 =	sshll.u32 s1, $0x11  }
0xbb: {  	s0 =	sor.u32 s1, s0  }
0xbc: {  	s0 =	sadd.s32 $0x8F2B, s0  }
0xbd: {  	[sflag:s0] =	ssyncadd.remote.s32 $0x1  }
0xbe: {  	_ =	sfence.sel $0xFFFF  }
0xbf: {  	[dreg:$0x0] =	wrdreg $0xFFFFFFFF;
	(pc) =	sbr.abs _section_cstart, $3  }
0xc0: {  	[dreg:$0x1] =	wrdreg $0xFFFFFFFF  }
0xc1: {  	_ =	task.clear_ibuf [dreg:s6], $0x2FFFF;
	_ =	strace $0x9FFFFFFF  }
0xc2: {  	(tm) =	ssettm $0x7FFFFFFF  }
0xc3: {  	_ =	shalt  }
tec
execute0_lowered:
.L_overlay_start_1:
0x0: {  	(tag) =	ssettag $0x1  }
0x1: {  	s0 =	rddreg [dreg:$0x0]  }
0x2: {  	s1 =	rddreg [dreg:$0x1];
	s2 =	srdreg.scid;
	s3 =	simm.s32 $0x0  }
0x3: {  	s11 =	stileid.u32;
	s5 =	simm.s32 $0x118;
	s28 =	simm.s32 $0x2800  }
0x4: {  	s30 =	simm.s32 $0x4800;
	s31 =	simm.s32 $0x1;
	s2 =	sand.u32 $0x1, s2  }
0x5: {  	[smem:$0x7FF] =	sst s3;
	s4 =	sadd.s32 $0xA5200, s0;
	s8 =	sadd.s32 $0x91200, s0  }
0x6: {  	s9 =	sadd.s32 $0x2A00, s0;
	s10 =	smul.u32 $0x50000, s11;
	s12 =	sadd.s32 $0x16A00, s0  }
0x7: {  	s26 =	smul.u32 $0x28000, s2;
	p0 =	seq.s32 s2, $0x0;
	_ =	strace $0x8000004A  }
0x8: {  	s6 =	smul.u32 $0x1180, s2;
	s7 =	ssub.s32 $0x2, s2;
	[dreg:$0x3] =	wrdreg s12  }
0x9: {  	s12 =	sshll.u32 s11, $0x6;
	s5 =	simm.s32 @!p0 $0x28;
	s29 =	sshrl.u32 s7, $0x1  }
0xa: {  	s10 =	sshrl.u32 s10, $0x2;
	p0 =	sne.s32 s2, $0x0;
	s2 =	simm.s32 $0x6800  }
0xb: {  	s5 =	smul.u32 s11, s5;
	s0 =	sadd.s32 s26, s0;
	s3 =	ssub.s32 s7, s29  }
0xc: {  	s7 =	sadd.s32 s10, s1;
	s29 =	smul.u32 $0x2800, s11;
	s10 =	simm.s32 $0x2  }
0xd: {  	s11 =	simm.s32 $0x1480;
	[dreg:$0x4] =	wrdreg s7;
	s7 =	sor.u32 $0x1C09, s12  }
0xe: {  	s0 =	sadd.s32 $0xCD200, s0;
	s3 =	smax.u32 s3, $0x1;
	s6 =	sadd.s32 s6, s5  }
0xf: {  	[dreg:$0x13] =	wrdreg s3;
	s0 =	sadd.s32 s29, s0;
	s6 =	sshll.u32 s6, $0x4  }
0x10: {  	s5 =	sshll.u32 s5, $0x4;
	[dreg:$0x14] =	wrdreg s0;
	s13 =	sadd.s32 s8, s6  }
0x11: {  	s14 =	sadd.s32 $0x280, s5;
	s6 =	sadd.s32 s9, s6;
	[dreg:$0x5] =	wrdreg s13  }
0x12: {  	s15 =	sadd.s32 $0x500, s5;
	s16 =	sadd.s32 s8, s14;
	[dreg:$0x6] =	wrdreg s6  }
0x13: {  	s12 =	simm.s32 $0x180;
	s17 =	sadd.s32 s8, s15;
	[dreg:$0x7] =	wrdreg s16  }
0x14: {  	s19 =	sadd.s32 $0x780, s5;
	s18 =	sadd.s32 s9, s15;
	[dreg:$0x9] =	wrdreg s17  }
0x15: {  	s20 =	sadd.s32 $0xA00, s5;
	s21 =	sadd.s32 s8, s19;
	[dreg:$0xa] =	wrdreg s18  }
0x16: {  	s24 =	sadd.s32 $0xC80, s5;
	s22 =	sadd.s32 s8, s20;
	[dreg:$0xb] =	wrdreg s21  }
0x17: {  	s5 =	sadd.s32 $0xF00, s5;
	s23 =	sadd.s32 s9, s20;
	[dreg:$0xd] =	wrdreg s22  }
0x18: {  	s0 =	simm.s32 $0x100;
	s25 =	sadd.s32 s8, s24;
	[dreg:$0xe] =	wrdreg s23  }
0x19: {  	s26 =	sadd.s32 s8, s5;
	s5 =	sadd.s32 s9, s5;
	[dreg:$0xf] =	wrdreg s25  }
0x1a: {  	s15 =	simm.s32 $0x1500;
	s20 =	simm.s32 $0x6;
	[dreg:$0x11] =	wrdreg s26  }
0x1b: {  	s8 =	simm.s32 $0x0;
	s6 =	sadd.s32 s9, s14;
	[dreg:$0x12] =	wrdreg s5  }
0x1c: {  	s23 =	simm.s32 $0x9;
	s25 =	simm.s32 $0x1400;
	s26 =	simm.s32 $0x40  }
.Ltmp0:
0x1d: {  	s13 =	simm.s32 $0x8800;
	s14 =	simm.s32 $0x3;
	(pc) =	sbr.rel .LBB2_1-.Ltmp0, $4  }
0x1e: {  	s16 =	simm.s32 $0x5;
	s17 =	simm.s32 $0x200;
	s18 =	simm.s32 $0x4  }
0x1f: {  	s21 =	simm.s32 $0x280;
	[dreg:$0x8] =	wrdreg s6;
	s6 =	sadd.s32 s9, s19  }
0x20: {  	s5 =	simm.s32 $0x7;
	[dreg:$0xc] =	wrdreg s6;
	s6 =	sadd.s32 s9, s24  }
0x21: {  	s19 =	simm.s32 $0x1580;
	[dreg:$0x10] =	wrdreg s6;
	s6 =	simm.s32 $0x8  }
.LBB2_23:
0x22: {  	_ =	swait.ge [sflag:s18], $0x2000  }
0x23: {  	[sflag:s18] =	ssyncset.done $0x0  }
0x24: {  	[sflag:s18] =	ssyncadd.s32 $0xFFFFE000  }
0x25: {  	[spmem:s1] =	stream.indirect.scatter.add.f32 [tilespmem:s13], [sflag:$0x8], $0x80, s3, s26, $0xb8;
	[tilespmem:$0x1E800] =	vst v63  }
0x26: {  	_ =	swait.ge [sflag:s20], $0x2000  }
0x27: {  	[sflag:s20] =	ssyncset.done $0x0  }
0x28: {  	[sflag:s20] =	ssyncadd.s32 $0xFFFFE000  }
0x29: {  	_ =	swait.ge [sflag:s5], $0x2000  }
0x2a: {  	[sflag:s5] =	ssyncset.done $0x0  }
0x2b: {  	[sflag:s5] =	ssyncadd.s32 $0xFFFFE000  }
0x2c: {  	_ =	swait.ge [sflag:s6], $0x2000  }
0x2d: {  	[sflag:s6] =	ssyncset.done $0x0  }
0x2e: {  	[sflag:s6] =	ssyncadd.s32 $0xFFFFE000  }
.LBB2_24:
0x2f: {  	[bflag:$0x0] =	sbarrier.arrive $0xFFFF  }
0x30: {  	s3 =	rddreg [dreg:$0x14]  }
0x31: {  	[hbm:s3], [sflag:s29] =	dma.local [spmem:s9], $0x2800  }
0x32: {  	_ =	swait.ge [sflag:s23], $0x2800  }
0x33: {  	s7 =	smov.u32 s29;
	s8 =	sadd.s32 $0x1, s8;
	s29 =	rddreg [dreg:$0x13]  }
0x34: {  	p1 =	sne.s32 s8, s29  }
.Ltmp1:
0x35: {  	_ = 	snop;
	(pc) =	sbr.rel @!p1 .LBB2_25-.Ltmp1, $3  }
0x36: {  	_ =	sdelay $0x1  }
0x37: {  	[sflag:s23] =	ssyncset.done $0x0  }
0x38: {  	[sflag:s23] =	ssyncadd.s32 $0xFFFFD800  }
.LBB2_1:
0x39: {  	s3 =	rddreg [dreg:$0x4]  }
0x3a: {  	s22 =	rddreg [dreg:$0x3];
	s9 =	sshrl.u32 s3, $0x3  }
0x3b: {  	[spmem:s9], [sflag:s7] =	dma.local [hbm:s22], $0x2800  }
0x3c: {  	_ =	swait.ge [sflag:s23], $0x2800  }
0x3d: {  	[sflag:s23] =	ssyncset.done $0x0  }
0x3e: {  	[sflag:s23] =	ssyncadd.s32 $0xFFFFD800  }
0x3f: {  	[bflag:$0x0] =	sbarrier.arrive $0xFFFF  }
0x40: {  	s3 =	simm.s32 $0x0;
	s24 =	rddreg [dreg:$0x5]  }
0x41: {  	[tilespmem:s3], [sflag:$0x9] =	stream.linear.gather [hbm4b:s24+s3], $0x1400, $0x38;
	[tilespmem:$0x1E800] =	vst v63  }
0x42: {  	_ =	swait.ge [sflag:s23], $0x1400  }
0x43: {  	[sflag:s23] =	ssyncset.done $0x0  }
0x44: {  	s22 =	rddreg [dreg:$0x6];
	[sflag:s23] =	ssyncadd.s32 $0xFFFFEC00  }
0x45: {  	[tilespmem:s25], [sflag:$0x9] =	stream.linear.gather [hbm4b:s22+s3], $0x1400, $0x38;
	[tilespmem:$0x1E800] =	vst v63  }
0x46: {  	_ =	swait.ge [sflag:s23], $0x1400  }
0x47: {  	[sflag:s23] =	ssyncset.done $0x0  }
0x48: {  	[sflag:s23] =	ssyncadd.s32 $0xFFFFEC00  }
0x49: {  	[tilespmem:s28], [sflag:$0x1] =	stream.indirect.gather [hbm4b:s4+s26], $0x80, s3, s26, $0xb8;
	[tilespmem:$0x1E800] =	vst v63  }
0x4a: {  	s24 =	simm.s32 $0x80  }
0x4b: {  	[tilespmem:s30], [sflag:$0x2] =	stream.indirect.gather [hbm4b:s4+s26], $0x80, s24, s26, $0xb8;
	[tilespmem:$0x1E800] =	vst v63  }
0x4c: {  	_ =	swait.ge [sflag:s31], $0x2000  }
0x4d: {  	[sflag:s31] =	ssyncset.done $0x0  }
0x4e: {  	[sflag:s31] =	ssyncadd.s32 $0xFFFFE000  }
0x4f: {  	[spmem:s1] =	stream.indirect.scatter.add.f32 [tilespmem:s28], [sflag:$0x5], $0x80, s25, s26, $0xb8;
	[tilespmem:$0x1E800] =	vst v63  }
0x50: {  	_ = 	snop  }
0x51: {  	[tilespmem:s2], [sflag:$0x3] =	stream.indirect.gather [hbm4b:s4+s26], $0x80, s0, s26, $0xb8;
	[tilespmem:$0x1E800] =	vst v63  }
0x52: {  	_ =	swait.ge [sflag:s10], $0x2000  }
0x53: {  	[sflag:s10] =	ssyncset.done $0x0  }
0x54: {  	[sflag:s10] =	ssyncadd.s32 $0xFFFFE000  }
0x55: {  	[spmem:s1] =	stream.indirect.scatter.add.f32 [tilespmem:s30], [sflag:$0x6], $0x80, s11, s26, $0xb8;
	[tilespmem:$0x1E800] =	vst v63  }
0x56: {  	_ = 	snop  }
0x57: {  	[tilespmem:s13], [sflag:$0x4] =	stream.indirect.gather [hbm4b:s4+s26], $0x80, s12, s26, $0xb8;
	[tilespmem:$0x1E800] =	vst v63  }
0x58: {  	_ =	swait.ge [sflag:s14], $0x2000  }
0x59: {  	[sflag:s14] =	ssyncset.done $0x0  }
0x5a: {  	[sflag:s14] =	ssyncadd.s32 $0xFFFFE000  }
0x5b: {  	[spmem:s1] =	stream.indirect.scatter.add.f32 [tilespmem:s2], [sflag:$0x7], $0x80, s15, s26, $0xb8;
	[tilespmem:$0x1E800] =	vst v63  }
0x5c: {  	_ =	swait.ge [sflag:s16], $0x2000  }
0x5d: {  	[sflag:s16] =	ssyncset.done $0x0  }
0x5e: {  	[sflag:s16] =	ssyncadd.s32 $0xFFFFE000  }
0x5f: {  	[tilespmem:s28], [sflag:$0x1] =	stream.indirect.gather [hbm4b:s4+s26], $0x80, s17, s26, $0xb8;
	[tilespmem:$0x1E800] =	vst v63  }
0x60: {  	_ =	swait.ge [sflag:s18], $0x2000  }
0x61: {  	[sflag:s18] =	ssyncset.done $0x0  }
0x62: {  	[sflag:s18] =	ssyncadd.s32 $0xFFFFE000  }
0x63: {  	[spmem:s1] =	stream.indirect.scatter.add.f32 [tilespmem:s13], [sflag:$0x8], $0x80, s19, s26, $0xb8;
	[tilespmem:$0x1E800] =	vst v63  }
0x64: {  	_ =	swait.ge [sflag:s20], $0x2000  }
0x65: {  	[sflag:s20] =	ssyncset.done $0x0  }
0x66: {  	s29 =	smov.u32 s7;
	s22 =	simm.s32 $0x0;
	[sflag:s20] =	ssyncadd.s32 $0xFFFFE000  }
0x67: {  	[tilespmem:s30], [sflag:$0x2] =	stream.indirect.gather [hbm4b:s4+s26], $0x80, s21, s26, $0xb8;
	[tilespmem:$0x1E800] =	vst v63  }
.LBB2_2:
0x68: {  	_ =	swait.ge [sflag:s31], $0x2000  }
0x69: {  	s24 =	sshra.s32 s22, $0x2;
	[sflag:s31] =	ssyncset.done $0x0  }
0x6a: {  	s3 =	sadd.s32 $0x1600, s24;
	[sflag:s31] =	ssyncadd.s32 $0xFFFFE000  }
0x6b: {  	[spmem:s1] =	stream.indirect.scatter.add.f32 [tilespmem:s28], [sflag:$0x5], $0x80, s3, s26, $0xb8;
	[tilespmem:$0x1E800] =	vst v63  }
0x6c: {  	_ =	swait.ge [sflag:s5], $0x2000  }
0x6d: {  	[sflag:s5] =	ssyncset.done $0x0  }
0x6e: {  	s7 =	sadd.s32 $0x300, s24;
	[sflag:s5] =	ssyncadd.s32 $0xFFFFE000  }
0x6f: {  	[tilespmem:s2], [sflag:$0x3] =	stream.indirect.gather [hbm4b:s4+s26], $0x80, s7, s26, $0xb8;
	[tilespmem:$0x1E800] =	vst v63  }
0x70: {  	_ =	swait.ge [sflag:s10], $0x2000  }
0x71: {  	[sflag:s10] =	ssyncset.done $0x0  }
0x72: {  	s7 =	sadd.s32 $0x1680, s24;
	[sflag:s10] =	ssyncadd.s32 $0xFFFFE000  }
0x73: {  	[spmem:s1] =	stream.indirect.scatter.add.f32 [tilespmem:s30], [sflag:$0x6], $0x80, s7, s26, $0xb8;
	[tilespmem:$0x1E800] =	vst v63  }
0x74: {  	_ =	swait.ge [sflag:s6], $0x2000  }
0x75: {  	[sflag:s6] =	ssyncset.done $0x0  }
0x76: {  	s7 =	sadd.s32 $0x380, s24;
	[sflag:s6] =	ssyncadd.s32 $0xFFFFE000  }
0x77: {  	[tilespmem:s13], [sflag:$0x4] =	stream.indirect.gather [hbm4b:s4+s26], $0x80, s7, s26, $0xb8;
	[tilespmem:$0x1E800] =	vst v63  }
0x78: {  	_ =	swait.ge [sflag:s14], $0x2000  }
0x79: {  	p1 =	seq.s32 s22, $0x4000;
	[sflag:s14] =	ssyncset.done $0x0  }
.Ltmp2:
0x7a: {  	s7 =	sadd.s32 $0x1700, s24;
	[sflag:s14] =	ssyncadd.s32 $0xFFFFE000;
	(pc) =	sbr.rel @p1 .LBB2_4-.Ltmp2, $4  }
0x7b: {  	[spmem:s1] =	stream.indirect.scatter.add.f32 [tilespmem:s2], [sflag:$0x7], $0x80, s7, s26, $0xb8;
	[tilespmem:$0x1E800] =	vst v63  }
0x7c: {  	_ =	swait.ge [sflag:s16], $0x2000  }
0x7d: {  	[sflag:s16] =	ssyncset.done $0x0  }
0x7e: {  	s3 =	sadd.s32 $0x1780, s24;
	[sflag:s16] =	ssyncadd.s32 $0xFFFFE000  }
0x7f: {  	s7 =	sadd.s32 $0x400, s24  }
0x80: {  	[tilespmem:s28], [sflag:$0x1] =	stream.indirect.gather [hbm4b:s4+s26], $0x80, s7, s26, $0xb8;
	[tilespmem:$0x1E800] =	vst v63  }
0x81: {  	_ =	swait.ge [sflag:s18], $0x2000  }
0x82: {  	[sflag:s18] =	ssyncset.done $0x0  }
0x83: {  	[sflag:s18] =	ssyncadd.s32 $0xFFFFE000  }
0x84: {  	[spmem:s1] =	stream.indirect.scatter.add.f32 [tilespmem:s13], [sflag:$0x8], $0x80, s3, s26, $0xb8;
	[tilespmem:$0x1E800] =	vst v63  }
.Ltmp3:
0x85: {  	_ = 	snop;
	(pc) =	sbr.rel .LBB2_2-.Ltmp3, $4  }
0x86: {  	_ =	swait.ge [sflag:s20], $0x2000  }
0x87: {  	[sflag:s20] =	ssyncset.done $0x0  }
0x88: {  	s24 =	sadd.s32 $0x480, s24;
	s22 =	sadd.s32 $0x800, s22;
	[sflag:s20] =	ssyncadd.s32 $0xFFFFE000  }
0x89: {  	[tilespmem:s30], [sflag:$0x2] =	stream.indirect.gather [hbm4b:s4+s26], $0x80, s24, s26, $0xb8;
	[tilespmem:$0x1E800] =	vst v63  }
.LBB2_4:
0x8a: {  	_ =	swait.ge [sflag:s18], $0x2000  }
0x8b: {  	[sflag:s18] =	ssyncset.done $0x0  }
0x8c: {  	[sflag:s18] =	ssyncadd.s32 $0xFFFFE000  }
0x8d: {  	[spmem:s1] =	stream.indirect.scatter.add.f32 [tilespmem:s13], [sflag:$0x8], $0x80, s3, s26, $0xb8;
	[tilespmem:$0x1E800] =	vst v63  }
0x8e: {  	_ =	swait.ge [sflag:s20], $0x2000  }
0x8f: {  	[sflag:s20] =	ssyncset.done $0x0  }
0x90: {  	[sflag:s20] =	ssyncadd.s32 $0xFFFFE000  }
0x91: {  	_ =	swait.ge [sflag:s5], $0x2000  }
.Ltmp4:
0x92: {  	[sflag:s5] =	ssyncset.done $0x0;
	(pc) =	sbr.rel @p0 .LBB2_24-.Ltmp4, $4  }
0x93: {  	[sflag:s5] =	ssyncadd.s32 $0xFFFFE000  }
0x94: {  	_ =	swait.ge [sflag:s6], $0x2000  }
0x95: {  	[sflag:s6] =	ssyncset.done $0x0  }
0x96: {  	[sflag:s6] =	ssyncadd.s32 $0xFFFFE000  }
0x97: {  	s22 =	simm.s32 $0x0;
	s3 =	rddreg [dreg:$0x7]  }
0x98: {  	[tilespmem:s22], [sflag:$0x9] =	stream.linear.gather [hbm4b:s3+s22], $0x1400, $0x38;
	[tilespmem:$0x1E800] =	vst v63  }
0x99: {  	_ =	swait.ge [sflag:s23], $0x1400  }
0x9a: {  	[sflag:s23] =	ssyncset.done $0x0  }
0x9b: {  	s7 =	rddreg [dreg:$0x8];
	[sflag:s23] =	ssyncadd.s32 $0xFFFFEC00  }
0x9c: {  	[tilespmem:s25], [sflag:$0x9] =	stream.linear.gather [hbm4b:s7+s22], $0x1400, $0x38;
	[tilespmem:$0x1E800] =	vst v63  }
0x9d: {  	_ =	swait.ge [sflag:s23], $0x1400  }
0x9e: {  	[sflag:s23] =	ssyncset.done $0x0  }
0x9f: {  	[sflag:s23] =	ssyncadd.s32 $0xFFFFEC00  }
0xa0: {  	[tilespmem:s28], [sflag:$0x1] =	stream.indirect.gather [hbm4b:s4+s26], $0x80, s22, s26, $0xb8;
	[tilespmem:$0x1E800] =	vst v63  }
0xa1: {  	s24 =	simm.s32 $0x80  }
0xa2: {  	[tilespmem:s30], [sflag:$0x2] =	stream.indirect.gather [hbm4b:s4+s26], $0x80, s24, s26, $0xb8;
	[tilespmem:$0x1E800] =	vst v63  }
0xa3: {  	_ =	swait.ge [sflag:s31], $0x2000  }
0xa4: {  	[sflag:s31] =	ssyncset.done $0x0  }
0xa5: {  	[sflag:s31] =	ssyncadd.s32 $0xFFFFE000  }
0xa6: {  	[spmem:s1] =	stream.indirect.scatter.add.f32 [tilespmem:s28], [sflag:$0x5], $0x80, s25, s26, $0xb8;
	[tilespmem:$0x1E800] =	vst v63  }
0xa7: {  	_ = 	snop  }
0xa8: {  	[tilespmem:s2], [sflag:$0x3] =	stream.indirect.gather [hbm4b:s4+s26], $0x80, s0, s26, $0xb8;
	[tilespmem:$0x1E800] =	vst v63  }
0xa9: {  	_ =	swait.ge [sflag:s10], $0x2000  }
0xaa: {  	[sflag:s10] =	ssyncset.done $0x0  }
0xab: {  	[sflag:s10] =	ssyncadd.s32 $0xFFFFE000  }
0xac: {  	[spmem:s1] =	stream.indirect.scatter.add.f32 [tilespmem:s30], [sflag:$0x6], $0x80, s11, s26, $0xb8;
	[tilespmem:$0x1E800] =	vst v63  }
0xad: {  	_ = 	snop  }
0xae: {  	[tilespmem:s13], [sflag:$0x4] =	stream.indirect.gather [hbm4b:s4+s26], $0x80, s12, s26, $0xb8;
	[tilespmem:$0x1E800] =	vst v63  }
0xaf: {  	_ =	swait.ge [sflag:s14], $0x2000  }
0xb0: {  	[sflag:s14] =	ssyncset.done $0x0  }
0xb1: {  	[sflag:s14] =	ssyncadd.s32 $0xFFFFE000  }
0xb2: {  	[spmem:s1] =	stream.indirect.scatter.add.f32 [tilespmem:s2], [sflag:$0x7], $0x80, s15, s26, $0xb8;
	[tilespmem:$0x1E800] =	vst v63  }
0xb3: {  	_ =	swait.ge [sflag:s16], $0x2000  }
0xb4: {  	[sflag:s16] =	ssyncset.done $0x0  }
0xb5: {  	[sflag:s16] =	ssyncadd.s32 $0xFFFFE000  }
0xb6: {  	[tilespmem:s28], [sflag:$0x1] =	stream.indirect.gather [hbm4b:s4+s26], $0x80, s17, s26, $0xb8;
	[tilespmem:$0x1E800] =	vst v63  }
0xb7: {  	_ =	swait.ge [sflag:s18], $0x2000  }
0xb8: {  	[sflag:s18] =	ssyncset.done $0x0  }
0xb9: {  	[sflag:s18] =	ssyncadd.s32 $0xFFFFE000  }
0xba: {  	[spmem:s1] =	stream.indirect.scatter.add.f32 [tilespmem:s13], [sflag:$0x8], $0x80, s19, s26, $0xb8;
	[tilespmem:$0x1E800] =	vst v63  }
0xbb: {  	_ =	swait.ge [sflag:s20], $0x2000  }
0xbc: {  	[sflag:s20] =	ssyncset.done $0x0  }
0xbd: {  	[sflag:s20] =	ssyncadd.s32 $0xFFFFE000  }
0xbe: {  	[tilespmem:s30], [sflag:$0x2] =	stream.indirect.gather [hbm4b:s4+s26], $0x80, s21, s26, $0xb8;
	[tilespmem:$0x1E800] =	vst v63  }
.LBB2_6:
0xbf: {  	_ =	swait.ge [sflag:s31], $0x2000  }
0xc0: {  	s24 =	sshra.s32 s22, $0x2;
	[sflag:s31] =	ssyncset.done $0x0  }
0xc1: {  	s3 =	sadd.s32 $0x1600, s24;
	[sflag:s31] =	ssyncadd.s32 $0xFFFFE000  }
0xc2: {  	[spmem:s1] =	stream.indirect.scatter.add.f32 [tilespmem:s28], [sflag:$0x5], $0x80, s3, s26, $0xb8;
	[tilespmem:$0x1E800] =	vst v63  }
0xc3: {  	_ =	swait.ge [sflag:s5], $0x2000  }
0xc4: {  	[sflag:s5] =	ssyncset.done $0x0  }
0xc5: {  	s7 =	sadd.s32 $0x300, s24;
	[sflag:s5] =	ssyncadd.s32 $0xFFFFE000  }
0xc6: {  	[tilespmem:s2], [sflag:$0x3] =	stream.indirect.gather [hbm4b:s4+s26], $0x80, s7, s26, $0xb8;
	[tilespmem:$0x1E800] =	vst v63  }
0xc7: {  	_ =	swait.ge [sflag:s10], $0x2000  }
0xc8: {  	[sflag:s10] =	ssyncset.done $0x0  }
0xc9: {  	s7 =	sadd.s32 $0x1680, s24;
	[sflag:s10] =	ssyncadd.s32 $0xFFFFE000  }
0xca: {  	[spmem:s1] =	stream.indirect.scatter.add.f32 [tilespmem:s30], [sflag:$0x6], $0x80, s7, s26, $0xb8;
	[tilespmem:$0x1E800] =	vst v63  }
0xcb: {  	_ =	swait.ge [sflag:s6], $0x2000  }
0xcc: {  	[sflag:s6] =	ssyncset.done $0x0  }
0xcd: {  	s7 =	sadd.s32 $0x380, s24;
	[sflag:s6] =	ssyncadd.s32 $0xFFFFE000  }
0xce: {  	[tilespmem:s13], [sflag:$0x4] =	stream.indirect.gather [hbm4b:s4+s26], $0x80, s7, s26, $0xb8;
	[tilespmem:$0x1E800] =	vst v63  }
0xcf: {  	_ =	swait.ge [sflag:s14], $0x2000  }
0xd0: {  	p1 =	seq.s32 s22, $0x4000;
	[sflag:s14] =	ssyncset.done $0x0  }
.Ltmp5:
0xd1: {  	s7 =	sadd.s32 $0x1700, s24;
	[sflag:s14] =	ssyncadd.s32 $0xFFFFE000;
	(pc) =	sbr.rel @p1 .LBB2_8-.Ltmp5, $4  }
0xd2: {  	[spmem:s1] =	stream.indirect.scatter.add.f32 [tilespmem:s2], [sflag:$0x7], $0x80, s7, s26, $0xb8;
	[tilespmem:$0x1E800] =	vst v63  }
0xd3: {  	_ =	swait.ge [sflag:s16], $0x2000  }
0xd4: {  	[sflag:s16] =	ssyncset.done $0x0  }
0xd5: {  	s3 =	sadd.s32 $0x1780, s24;
	[sflag:s16] =	ssyncadd.s32 $0xFFFFE000  }
0xd6: {  	s7 =	sadd.s32 $0x400, s24  }
0xd7: {  	[tilespmem:s28], [sflag:$0x1] =	stream.indirect.gather [hbm4b:s4+s26], $0x80, s7, s26, $0xb8;
	[tilespmem:$0x1E800] =	vst v63  }
0xd8: {  	_ =	swait.ge [sflag:s18], $0x2000  }
0xd9: {  	[sflag:s18] =	ssyncset.done $0x0  }
0xda: {  	[sflag:s18] =	ssyncadd.s32 $0xFFFFE000  }
0xdb: {  	[spmem:s1] =	stream.indirect.scatter.add.f32 [tilespmem:s13], [sflag:$0x8], $0x80, s3, s26, $0xb8;
	[tilespmem:$0x1E800] =	vst v63  }
.Ltmp6:
0xdc: {  	_ = 	snop;
	(pc) =	sbr.rel .LBB2_6-.Ltmp6, $4  }
0xdd: {  	_ =	swait.ge [sflag:s20], $0x2000  }
0xde: {  	[sflag:s20] =	ssyncset.done $0x0  }
0xdf: {  	s24 =	sadd.s32 $0x480, s24;
	s22 =	sadd.s32 $0x800, s22;
	[sflag:s20] =	ssyncadd.s32 $0xFFFFE000  }
0xe0: {  	[tilespmem:s30], [sflag:$0x2] =	stream.indirect.gather [hbm4b:s4+s26], $0x80, s24, s26, $0xb8;
	[tilespmem:$0x1E800] =	vst v63  }
.LBB2_8:
0xe1: {  	_ =	swait.ge [sflag:s18], $0x2000  }
0xe2: {  	[sflag:s18] =	ssyncset.done $0x0  }
0xe3: {  	[sflag:s18] =	ssyncadd.s32 $0xFFFFE000  }
0xe4: {  	[spmem:s1] =	stream.indirect.scatter.add.f32 [tilespmem:s13], [sflag:$0x8], $0x80, s3, s26, $0xb8;
	[tilespmem:$0x1E800] =	vst v63  }
0xe5: {  	_ =	swait.ge [sflag:s20], $0x2000  }
0xe6: {  	[sflag:s20] =	ssyncset.done $0x0  }
0xe7: {  	[sflag:s20] =	ssyncadd.s32 $0xFFFFE000  }
0xe8: {  	_ =	swait.ge [sflag:s5], $0x2000  }
0xe9: {  	[sflag:s5] =	ssyncset.done $0x0  }
0xea: {  	[sflag:s5] =	ssyncadd.s32 $0xFFFFE000  }
0xeb: {  	_ =	swait.ge [sflag:s6], $0x2000  }
0xec: {  	[sflag:s6] =	ssyncset.done $0x0  }
0xed: {  	s22 =	simm.s32 $0x0;
	s24 =	rddreg [dreg:$0x9];
	[sflag:s6] =	ssyncadd.s32 $0xFFFFE000  }
0xee: {  	[tilespmem:s22], [sflag:$0x9] =	stream.linear.gather [hbm4b:s24+s22], $0x1400, $0x38;
	[tilespmem:$0x1E800] =	vst v63  }
0xef: {  	_ =	swait.ge [sflag:s23], $0x1400  }
0xf0: {  	[sflag:s23] =	ssyncset.done $0x0  }
0xf1: {  	s7 =	rddreg [dreg:$0xa];
	[sflag:s23] =	ssyncadd.s32 $0xFFFFEC00  }
0xf2: {  	[tilespmem:s25], [sflag:$0x9] =	stream.linear.gather [hbm4b:s7+s22], $0x1400, $0x38;
	[tilespmem:$0x1E800] =	vst v63  }
0xf3: {  	_ =	swait.ge [sflag:s23], $0x1400  }
0xf4: {  	[sflag:s23] =	ssyncset.done $0x0  }
0xf5: {  	[sflag:s23] =	ssyncadd.s32 $0xFFFFEC00  }
0xf6: {  	[tilespmem:s28], [sflag:$0x1] =	stream.indirect.gather [hbm4b:s4+s26], $0x80, s22, s26, $0xb8;
	[tilespmem:$0x1E800] =	vst v63  }
0xf7: {  	s24 =	simm.s32 $0x80  }
0xf8: {  	[tilespmem:s30], [sflag:$0x2] =	stream.indirect.gather [hbm4b:s4+s26], $0x80, s24, s26, $0xb8;
	[tilespmem:$0x1E800] =	vst v63  }
0xf9: {  	_ =	swait.ge [sflag:s31], $0x2000  }
0xfa: {  	[sflag:s31] =	ssyncset.done $0x0  }
0xfb: {  	[sflag:s31] =	ssyncadd.s32 $0xFFFFE000  }
0xfc: {  	[spmem:s1] =	stream.indirect.scatter.add.f32 [tilespmem:s28], [sflag:$0x5], $0x80, s25, s26, $0xb8;
	[tilespmem:$0x1E800] =	vst v63  }
0xfd: {  	_ = 	snop  }
0xfe: {  	[tilespmem:s2], [sflag:$0x3] =	stream.indirect.gather [hbm4b:s4+s26], $0x80, s0, s26, $0xb8;
	[tilespmem:$0x1E800] =	vst v63  }
0xff: {  	_ =	swait.ge [sflag:s10], $0x2000  }
0x100: {  	[sflag:s10] =	ssyncset.done $0x0  }
0x101: {  	[sflag:s10] =	ssyncadd.s32 $0xFFFFE000  }
0x102: {  	[spmem:s1] =	stream.indirect.scatter.add.f32 [tilespmem:s30], [sflag:$0x6], $0x80, s11, s26, $0xb8;
	[tilespmem:$0x1E800] =	vst v63  }
0x103: {  	_ = 	snop  }
0x104: {  	[tilespmem:s13], [sflag:$0x4] =	stream.indirect.gather [hbm4b:s4+s26], $0x80, s12, s26, $0xb8;
	[tilespmem:$0x1E800] =	vst v63  }
0x105: {  	_ =	swait.ge [sflag:s14], $0x2000  }
0x106: {  	[sflag:s14] =	ssyncset.done $0x0  }
0x107: {  	[sflag:s14] =	ssyncadd.s32 $0xFFFFE000  }
0x108: {  	[spmem:s1] =	stream.indirect.scatter.add.f32 [tilespmem:s2], [sflag:$0x7], $0x80, s15, s26, $0xb8;
	[tilespmem:$0x1E800] =	vst v63  }
0x109: {  	_ =	swait.ge [sflag:s16], $0x2000  }
0x10a: {  	[sflag:s16] =	ssyncset.done $0x0  }
0x10b: {  	[sflag:s16] =	ssyncadd.s32 $0xFFFFE000  }
0x10c: {  	[tilespmem:s28], [sflag:$0x1] =	stream.indirect.gather [hbm4b:s4+s26], $0x80, s17, s26, $0xb8;
	[tilespmem:$0x1E800] =	vst v63  }
0x10d: {  	_ =	swait.ge [sflag:s18], $0x2000  }
0x10e: {  	[sflag:s18] =	ssyncset.done $0x0  }
0x10f: {  	[sflag:s18] =	ssyncadd.s32 $0xFFFFE000  }
0x110: {  	[spmem:s1] =	stream.indirect.scatter.add.f32 [tilespmem:s13], [sflag:$0x8], $0x80, s19, s26, $0xb8;
	[tilespmem:$0x1E800] =	vst v63  }
0x111: {  	_ =	swait.ge [sflag:s20], $0x2000  }
0x112: {  	[sflag:s20] =	ssyncset.done $0x0  }
0x113: {  	[sflag:s20] =	ssyncadd.s32 $0xFFFFE000  }
0x114: {  	[tilespmem:s30], [sflag:$0x2] =	stream.indirect.gather [hbm4b:s4+s26], $0x80, s21, s26, $0xb8;
	[tilespmem:$0x1E800] =	vst v63  }
.LBB2_9:
0x115: {  	_ =	swait.ge [sflag:s31], $0x2000  }
0x116: {  	s24 =	sshra.s32 s22, $0x2;
	[sflag:s31] =	ssyncset.done $0x0  }
0x117: {  	s3 =	sadd.s32 $0x1600, s24;
	[sflag:s31] =	ssyncadd.s32 $0xFFFFE000  }
0x118: {  	[spmem:s1] =	stream.indirect.scatter.add.f32 [tilespmem:s28], [sflag:$0x5], $0x80, s3, s26, $0xb8;
	[tilespmem:$0x1E800] =	vst v63  }
0x119: {  	_ =	swait.ge [sflag:s5], $0x2000  }
0x11a: {  	[sflag:s5] =	ssyncset.done $0x0  }
0x11b: {  	s7 =	sadd.s32 $0x300, s24;
	[sflag:s5] =	ssyncadd.s32 $0xFFFFE000  }
0x11c: {  	[tilespmem:s2], [sflag:$0x3] =	stream.indirect.gather [hbm4b:s4+s26], $0x80, s7, s26, $0xb8;
	[tilespmem:$0x1E800] =	vst v63  }
0x11d: {  	_ =	swait.ge [sflag:s10], $0x2000  }
0x11e: {  	[sflag:s10] =	ssyncset.done $0x0  }
0x11f: {  	s7 =	sadd.s32 $0x1680, s24;
	[sflag:s10] =	ssyncadd.s32 $0xFFFFE000  }
0x120: {  	[spmem:s1] =	stream.indirect.scatter.add.f32 [tilespmem:s30], [sflag:$0x6], $0x80, s7, s26, $0xb8;
	[tilespmem:$0x1E800] =	vst v63  }
0x121: {  	_ =	swait.ge [sflag:s6], $0x2000  }
0x122: {  	[sflag:s6] =	ssyncset.done $0x0  }
0x123: {  	s7 =	sadd.s32 $0x380, s24;
	[sflag:s6] =	ssyncadd.s32 $0xFFFFE000  }
0x124: {  	[tilespmem:s13], [sflag:$0x4] =	stream.indirect.gather [hbm4b:s4+s26], $0x80, s7, s26, $0xb8;
	[tilespmem:$0x1E800] =	vst v63  }
0x125: {  	_ =	swait.ge [sflag:s14], $0x2000  }
0x126: {  	p1 =	seq.s32 s22, $0x4000;
	[sflag:s14] =	ssyncset.done $0x0  }
.Ltmp7:
0x127: {  	s7 =	sadd.s32 $0x1700, s24;
	[sflag:s14] =	ssyncadd.s32 $0xFFFFE000;
	(pc) =	sbr.rel @p1 .LBB2_11-.Ltmp7, $4  }
0x128: {  	[spmem:s1] =	stream.indirect.scatter.add.f32 [tilespmem:s2], [sflag:$0x7], $0x80, s7, s26, $0xb8;
	[tilespmem:$0x1E800] =	vst v63  }
0x129: {  	_ =	swait.ge [sflag:s16], $0x2000  }
0x12a: {  	[sflag:s16] =	ssyncset.done $0x0  }
0x12b: {  	s3 =	sadd.s32 $0x1780, s24;
	[sflag:s16] =	ssyncadd.s32 $0xFFFFE000  }
0x12c: {  	s7 =	sadd.s32 $0x400, s24  }
0x12d: {  	[tilespmem:s28], [sflag:$0x1] =	stream.indirect.gather [hbm4b:s4+s26], $0x80, s7, s26, $0xb8;
	[tilespmem:$0x1E800] =	vst v63  }
0x12e: {  	_ =	swait.ge [sflag:s18], $0x2000  }
0x12f: {  	[sflag:s18] =	ssyncset.done $0x0  }
0x130: {  	[sflag:s18] =	ssyncadd.s32 $0xFFFFE000  }
0x131: {  	[spmem:s1] =	stream.indirect.scatter.add.f32 [tilespmem:s13], [sflag:$0x8], $0x80, s3, s26, $0xb8;
	[tilespmem:$0x1E800] =	vst v63  }
.Ltmp8:
0x132: {  	_ = 	snop;
	(pc) =	sbr.rel .LBB2_9-.Ltmp8, $4  }
0x133: {  	_ =	swait.ge [sflag:s20], $0x2000  }
0x134: {  	[sflag:s20] =	ssyncset.done $0x0  }
0x135: {  	s24 =	sadd.s32 $0x480, s24;
	s22 =	sadd.s32 $0x800, s22;
	[sflag:s20] =	ssyncadd.s32 $0xFFFFE000  }
0x136: {  	[tilespmem:s30], [sflag:$0x2] =	stream.indirect.gather [hbm4b:s4+s26], $0x80, s24, s26, $0xb8;
	[tilespmem:$0x1E800] =	vst v63  }
.LBB2_11:
0x137: {  	_ =	swait.ge [sflag:s18], $0x2000  }
0x138: {  	[sflag:s18] =	ssyncset.done $0x0  }
0x139: {  	[sflag:s18] =	ssyncadd.s32 $0xFFFFE000  }
0x13a: {  	[spmem:s1] =	stream.indirect.scatter.add.f32 [tilespmem:s13], [sflag:$0x8], $0x80, s3, s26, $0xb8;
	[tilespmem:$0x1E800] =	vst v63  }
0x13b: {  	_ =	swait.ge [sflag:s20], $0x2000  }
0x13c: {  	[sflag:s20] =	ssyncset.done $0x0  }
0x13d: {  	[sflag:s20] =	ssyncadd.s32 $0xFFFFE000  }
0x13e: {  	_ =	swait.ge [sflag:s5], $0x2000  }
0x13f: {  	[sflag:s5] =	ssyncset.done $0x0  }
0x140: {  	[sflag:s5] =	ssyncadd.s32 $0xFFFFE000  }
0x141: {  	_ =	swait.ge [sflag:s6], $0x2000  }
0x142: {  	[sflag:s6] =	ssyncset.done $0x0  }
0x143: {  	s22 =	simm.s32 $0x0;
	s24 =	rddreg [dreg:$0xb];
	[sflag:s6] =	ssyncadd.s32 $0xFFFFE000  }
0x144: {  	[tilespmem:s22], [sflag:$0x9] =	stream.linear.gather [hbm4b:s24+s22], $0x1400, $0x38;
	[tilespmem:$0x1E800] =	vst v63  }
0x145: {  	_ =	swait.ge [sflag:s23], $0x1400  }
0x146: {  	[sflag:s23] =	ssyncset.done $0x0  }
0x147: {  	s7 =	rddreg [dreg:$0xc];
	[sflag:s23] =	ssyncadd.s32 $0xFFFFEC00  }
0x148: {  	[tilespmem:s25], [sflag:$0x9] =	stream.linear.gather [hbm4b:s7+s22], $0x1400, $0x38;
	[tilespmem:$0x1E800] =	vst v63  }
0x149: {  	_ =	swait.ge [sflag:s23], $0x1400  }
0x14a: {  	[sflag:s23] =	ssyncset.done $0x0  }
0x14b: {  	[sflag:s23] =	ssyncadd.s32 $0xFFFFEC00  }
0x14c: {  	[tilespmem:s28], [sflag:$0x1] =	stream.indirect.gather [hbm4b:s4+s26], $0x80, s22, s26, $0xb8;
	[tilespmem:$0x1E800] =	vst v63  }
0x14d: {  	s24 =	simm.s32 $0x80  }
0x14e: {  	[tilespmem:s30], [sflag:$0x2] =	stream.indirect.gather [hbm4b:s4+s26], $0x80, s24, s26, $0xb8;
	[tilespmem:$0x1E800] =	vst v63  }
0x14f: {  	_ =	swait.ge [sflag:s31], $0x2000  }
0x150: {  	[sflag:s31] =	ssyncset.done $0x0  }
0x151: {  	[sflag:s31] =	ssyncadd.s32 $0xFFFFE000  }
0x152: {  	[spmem:s1] =	stream.indirect.scatter.add.f32 [tilespmem:s28], [sflag:$0x5], $0x80, s25, s26, $0xb8;
	[tilespmem:$0x1E800] =	vst v63  }
0x153: {  	_ = 	snop  }
0x154: {  	[tilespmem:s2], [sflag:$0x3] =	stream.indirect.gather [hbm4b:s4+s26], $0x80, s0, s26, $0xb8;
	[tilespmem:$0x1E800] =	vst v63  }
0x155: {  	_ =	swait.ge [sflag:s10], $0x2000  }
0x156: {  	[sflag:s10] =	ssyncset.done $0x0  }
0x157: {  	[sflag:s10] =	ssyncadd.s32 $0xFFFFE000  }
0x158: {  	[spmem:s1] =	stream.indirect.scatter.add.f32 [tilespmem:s30], [sflag:$0x6], $0x80, s11, s26, $0xb8;
	[tilespmem:$0x1E800] =	vst v63  }
0x159: {  	_ = 	snop  }
0x15a: {  	[tilespmem:s13], [sflag:$0x4] =	stream.indirect.gather [hbm4b:s4+s26], $0x80, s12, s26, $0xb8;
	[tilespmem:$0x1E800] =	vst v63  }
0x15b: {  	_ =	swait.ge [sflag:s14], $0x2000  }
0x15c: {  	[sflag:s14] =	ssyncset.done $0x0  }
0x15d: {  	[sflag:s14] =	ssyncadd.s32 $0xFFFFE000  }
0x15e: {  	[spmem:s1] =	stream.indirect.scatter.add.f32 [tilespmem:s2], [sflag:$0x7], $0x80, s15, s26, $0xb8;
	[tilespmem:$0x1E800] =	vst v63  }
0x15f: {  	_ =	swait.ge [sflag:s16], $0x2000  }
0x160: {  	[sflag:s16] =	ssyncset.done $0x0  }
0x161: {  	[sflag:s16] =	ssyncadd.s32 $0xFFFFE000  }
0x162: {  	[tilespmem:s28], [sflag:$0x1] =	stream.indirect.gather [hbm4b:s4+s26], $0x80, s17, s26, $0xb8;
	[tilespmem:$0x1E800] =	vst v63  }
0x163: {  	_ =	swait.ge [sflag:s18], $0x2000  }
0x164: {  	[sflag:s18] =	ssyncset.done $0x0  }
0x165: {  	[sflag:s18] =	ssyncadd.s32 $0xFFFFE000  }
0x166: {  	[spmem:s1] =	stream.indirect.scatter.add.f32 [tilespmem:s13], [sflag:$0x8], $0x80, s19, s26, $0xb8;
	[tilespmem:$0x1E800] =	vst v63  }
0x167: {  	_ =	swait.ge [sflag:s20], $0x2000  }
0x168: {  	[sflag:s20] =	ssyncset.done $0x0  }
0x169: {  	[sflag:s20] =	ssyncadd.s32 $0xFFFFE000  }
0x16a: {  	[tilespmem:s30], [sflag:$0x2] =	stream.indirect.gather [hbm4b:s4+s26], $0x80, s21, s26, $0xb8;
	[tilespmem:$0x1E800] =	vst v63  }
.LBB2_12:
0x16b: {  	_ =	swait.ge [sflag:s31], $0x2000  }
0x16c: {  	s24 =	sshra.s32 s22, $0x2;
	[sflag:s31] =	ssyncset.done $0x0  }
0x16d: {  	s3 =	sadd.s32 $0x1600, s24;
	[sflag:s31] =	ssyncadd.s32 $0xFFFFE000  }
0x16e: {  	[spmem:s1] =	stream.indirect.scatter.add.f32 [tilespmem:s28], [sflag:$0x5], $0x80, s3, s26, $0xb8;
	[tilespmem:$0x1E800] =	vst v63  }
0x16f: {  	_ =	swait.ge [sflag:s5], $0x2000  }
0x170: {  	[sflag:s5] =	ssyncset.done $0x0  }
0x171: {  	s7 =	sadd.s32 $0x300, s24;
	[sflag:s5] =	ssyncadd.s32 $0xFFFFE000  }
0x172: {  	[tilespmem:s2], [sflag:$0x3] =	stream.indirect.gather [hbm4b:s4+s26], $0x80, s7, s26, $0xb8;
	[tilespmem:$0x1E800] =	vst v63  }
0x173: {  	_ =	swait.ge [sflag:s10], $0x2000  }
0x174: {  	[sflag:s10] =	ssyncset.done $0x0  }
0x175: {  	s7 =	sadd.s32 $0x1680, s24;
	[sflag:s10] =	ssyncadd.s32 $0xFFFFE000  }
0x176: {  	[spmem:s1] =	stream.indirect.scatter.add.f32 [tilespmem:s30], [sflag:$0x6], $0x80, s7, s26, $0xb8;
	[tilespmem:$0x1E800] =	vst v63  }
0x177: {  	_ =	swait.ge [sflag:s6], $0x2000  }
0x178: {  	[sflag:s6] =	ssyncset.done $0x0  }
0x179: {  	s7 =	sadd.s32 $0x380, s24;
	[sflag:s6] =	ssyncadd.s32 $0xFFFFE000  }
0x17a: {  	[tilespmem:s13], [sflag:$0x4] =	stream.indirect.gather [hbm4b:s4+s26], $0x80, s7, s26, $0xb8;
	[tilespmem:$0x1E800] =	vst v63  }
0x17b: {  	_ =	swait.ge [sflag:s14], $0x2000  }
0x17c: {  	p1 =	seq.s32 s22, $0x4000;
	[sflag:s14] =	ssyncset.done $0x0  }
.Ltmp9:
0x17d: {  	s7 =	sadd.s32 $0x1700, s24;
	[sflag:s14] =	ssyncadd.s32 $0xFFFFE000;
	(pc) =	sbr.rel @p1 .LBB2_14-.Ltmp9, $4  }
0x17e: {  	[spmem:s1] =	stream.indirect.scatter.add.f32 [tilespmem:s2], [sflag:$0x7], $0x80, s7, s26, $0xb8;
	[tilespmem:$0x1E800] =	vst v63  }
0x17f: {  	_ =	swait.ge [sflag:s16], $0x2000  }
0x180: {  	[sflag:s16] =	ssyncset.done $0x0  }
0x181: {  	s3 =	sadd.s32 $0x1780, s24;
	[sflag:s16] =	ssyncadd.s32 $0xFFFFE000  }
0x182: {  	s7 =	sadd.s32 $0x400, s24  }
0x183: {  	[tilespmem:s28], [sflag:$0x1] =	stream.indirect.gather [hbm4b:s4+s26], $0x80, s7, s26, $0xb8;
	[tilespmem:$0x1E800] =	vst v63  }
0x184: {  	_ =	swait.ge [sflag:s18], $0x2000  }
0x185: {  	[sflag:s18] =	ssyncset.done $0x0  }
0x186: {  	[sflag:s18] =	ssyncadd.s32 $0xFFFFE000  }
0x187: {  	[spmem:s1] =	stream.indirect.scatter.add.f32 [tilespmem:s13], [sflag:$0x8], $0x80, s3, s26, $0xb8;
	[tilespmem:$0x1E800] =	vst v63  }
.Ltmp10:
0x188: {  	_ = 	snop;
	(pc) =	sbr.rel .LBB2_12-.Ltmp10, $4  }
0x189: {  	_ =	swait.ge [sflag:s20], $0x2000  }
0x18a: {  	[sflag:s20] =	ssyncset.done $0x0  }
0x18b: {  	s24 =	sadd.s32 $0x480, s24;
	s22 =	sadd.s32 $0x800, s22;
	[sflag:s20] =	ssyncadd.s32 $0xFFFFE000  }
0x18c: {  	[tilespmem:s30], [sflag:$0x2] =	stream.indirect.gather [hbm4b:s4+s26], $0x80, s24, s26, $0xb8;
	[tilespmem:$0x1E800] =	vst v63  }
.LBB2_14:
0x18d: {  	_ =	swait.ge [sflag:s18], $0x2000  }
0x18e: {  	[sflag:s18] =	ssyncset.done $0x0  }
0x18f: {  	[sflag:s18] =	ssyncadd.s32 $0xFFFFE000  }
0x190: {  	[spmem:s1] =	stream.indirect.scatter.add.f32 [tilespmem:s13], [sflag:$0x8], $0x80, s3, s26, $0xb8;
	[tilespmem:$0x1E800] =	vst v63  }
0x191: {  	_ =	swait.ge [sflag:s20], $0x2000  }
0x192: {  	[sflag:s20] =	ssyncset.done $0x0  }
0x193: {  	[sflag:s20] =	ssyncadd.s32 $0xFFFFE000  }
0x194: {  	_ =	swait.ge [sflag:s5], $0x2000  }
0x195: {  	[sflag:s5] =	ssyncset.done $0x0  }
0x196: {  	[sflag:s5] =	ssyncadd.s32 $0xFFFFE000  }
0x197: {  	_ =	swait.ge [sflag:s6], $0x2000  }
0x198: {  	[sflag:s6] =	ssyncset.done $0x0  }
0x199: {  	s22 =	simm.s32 $0x0;
	s24 =	rddreg [dreg:$0xd];
	[sflag:s6] =	ssyncadd.s32 $0xFFFFE000  }
0x19a: {  	[tilespmem:s22], [sflag:$0x9] =	stream.linear.gather [hbm4b:s24+s22], $0x1400, $0x38;
	[tilespmem:$0x1E800] =	vst v63  }
0x19b: {  	_ =	swait.ge [sflag:s23], $0x1400  }
0x19c: {  	[sflag:s23] =	ssyncset.done $0x0  }
0x19d: {  	s7 =	rddreg [dreg:$0xe];
	[sflag:s23] =	ssyncadd.s32 $0xFFFFEC00  }
0x19e: {  	[tilespmem:s25], [sflag:$0x9] =	stream.linear.gather [hbm4b:s7+s22], $0x1400, $0x38;
	[tilespmem:$0x1E800] =	vst v63  }
0x19f: {  	_ =	swait.ge [sflag:s23], $0x1400  }
0x1a0: {  	[sflag:s23] =	ssyncset.done $0x0  }
0x1a1: {  	[sflag:s23] =	ssyncadd.s32 $0xFFFFEC00  }
0x1a2: {  	[tilespmem:s28], [sflag:$0x1] =	stream.indirect.gather [hbm4b:s4+s26], $0x80, s22, s26, $0xb8;
	[tilespmem:$0x1E800] =	vst v63  }
0x1a3: {  	s24 =	simm.s32 $0x80  }
0x1a4: {  	[tilespmem:s30], [sflag:$0x2] =	stream.indirect.gather [hbm4b:s4+s26], $0x80, s24, s26, $0xb8;
	[tilespmem:$0x1E800] =	vst v63  }
0x1a5: {  	_ =	swait.ge [sflag:s31], $0x2000  }
0x1a6: {  	[sflag:s31] =	ssyncset.done $0x0  }
0x1a7: {  	[sflag:s31] =	ssyncadd.s32 $0xFFFFE000  }
0x1a8: {  	[spmem:s1] =	stream.indirect.scatter.add.f32 [tilespmem:s28], [sflag:$0x5], $0x80, s25, s26, $0xb8;
	[tilespmem:$0x1E800] =	vst v63  }
0x1a9: {  	_ = 	snop  }
0x1aa: {  	[tilespmem:s2], [sflag:$0x3] =	stream.indirect.gather [hbm4b:s4+s26], $0x80, s0, s26, $0xb8;
	[tilespmem:$0x1E800] =	vst v63  }
0x1ab: {  	_ =	swait.ge [sflag:s10], $0x2000  }
0x1ac: {  	[sflag:s10] =	ssyncset.done $0x0  }
0x1ad: {  	[sflag:s10] =	ssyncadd.s32 $0xFFFFE000  }
0x1ae: {  	[spmem:s1] =	stream.indirect.scatter.add.f32 [tilespmem:s30], [sflag:$0x6], $0x80, s11, s26, $0xb8;
	[tilespmem:$0x1E800] =	vst v63  }
0x1af: {  	_ = 	snop  }
0x1b0: {  	[tilespmem:s13], [sflag:$0x4] =	stream.indirect.gather [hbm4b:s4+s26], $0x80, s12, s26, $0xb8;
	[tilespmem:$0x1E800] =	vst v63  }
0x1b1: {  	_ =	swait.ge [sflag:s14], $0x2000  }
0x1b2: {  	[sflag:s14] =	ssyncset.done $0x0  }
0x1b3: {  	[sflag:s14] =	ssyncadd.s32 $0xFFFFE000  }
0x1b4: {  	[spmem:s1] =	stream.indirect.scatter.add.f32 [tilespmem:s2], [sflag:$0x7], $0x80, s15, s26, $0xb8;
	[tilespmem:$0x1E800] =	vst v63  }
0x1b5: {  	_ =	swait.ge [sflag:s16], $0x2000  }
0x1b6: {  	[sflag:s16] =	ssyncset.done $0x0  }
0x1b7: {  	[sflag:s16] =	ssyncadd.s32 $0xFFFFE000  }
0x1b8: {  	[tilespmem:s28], [sflag:$0x1] =	stream.indirect.gather [hbm4b:s4+s26], $0x80, s17, s26, $0xb8;
	[tilespmem:$0x1E800] =	vst v63  }
0x1b9: {  	_ =	swait.ge [sflag:s18], $0x2000  }
0x1ba: {  	[sflag:s18] =	ssyncset.done $0x0  }
0x1bb: {  	[sflag:s18] =	ssyncadd.s32 $0xFFFFE000  }
0x1bc: {  	[spmem:s1] =	stream.indirect.scatter.add.f32 [tilespmem:s13], [sflag:$0x8], $0x80, s19, s26, $0xb8;
	[tilespmem:$0x1E800] =	vst v63  }
0x1bd: {  	_ =	swait.ge [sflag:s20], $0x2000  }
0x1be: {  	[sflag:s20] =	ssyncset.done $0x0  }
0x1bf: {  	[sflag:s20] =	ssyncadd.s32 $0xFFFFE000  }
0x1c0: {  	[tilespmem:s30], [sflag:$0x2] =	stream.indirect.gather [hbm4b:s4+s26], $0x80, s21, s26, $0xb8;
	[tilespmem:$0x1E800] =	vst v63  }
.LBB2_15:
0x1c1: {  	_ =	swait.ge [sflag:s31], $0x2000  }
0x1c2: {  	s24 =	sshra.s32 s22, $0x2;
	[sflag:s31] =	ssyncset.done $0x0  }
0x1c3: {  	s3 =	sadd.s32 $0x1600, s24;
	[sflag:s31] =	ssyncadd.s32 $0xFFFFE000  }
0x1c4: {  	[spmem:s1] =	stream.indirect.scatter.add.f32 [tilespmem:s28], [sflag:$0x5], $0x80, s3, s26, $0xb8;
	[tilespmem:$0x1E800] =	vst v63  }
0x1c5: {  	_ =	swait.ge [sflag:s5], $0x2000  }
0x1c6: {  	[sflag:s5] =	ssyncset.done $0x0  }
0x1c7: {  	s7 =	sadd.s32 $0x300, s24;
	[sflag:s5] =	ssyncadd.s32 $0xFFFFE000  }
0x1c8: {  	[tilespmem:s2], [sflag:$0x3] =	stream.indirect.gather [hbm4b:s4+s26], $0x80, s7, s26, $0xb8;
	[tilespmem:$0x1E800] =	vst v63  }
0x1c9: {  	_ =	swait.ge [sflag:s10], $0x2000  }
0x1ca: {  	[sflag:s10] =	ssyncset.done $0x0  }
0x1cb: {  	s7 =	sadd.s32 $0x1680, s24;
	[sflag:s10] =	ssyncadd.s32 $0xFFFFE000  }
0x1cc: {  	[spmem:s1] =	stream.indirect.scatter.add.f32 [tilespmem:s30], [sflag:$0x6], $0x80, s7, s26, $0xb8;
	[tilespmem:$0x1E800] =	vst v63  }
0x1cd: {  	_ =	swait.ge [sflag:s6], $0x2000  }
0x1ce: {  	[sflag:s6] =	ssyncset.done $0x0  }
0x1cf: {  	s7 =	sadd.s32 $0x380, s24;
	[sflag:s6] =	ssyncadd.s32 $0xFFFFE000  }
0x1d0: {  	[tilespmem:s13], [sflag:$0x4] =	stream.indirect.gather [hbm4b:s4+s26], $0x80, s7, s26, $0xb8;
	[tilespmem:$0x1E800] =	vst v63  }
0x1d1: {  	_ =	swait.ge [sflag:s14], $0x2000  }
0x1d2: {  	p1 =	seq.s32 s22, $0x4000;
	[sflag:s14] =	ssyncset.done $0x0  }
.Ltmp11:
0x1d3: {  	s7 =	sadd.s32 $0x1700, s24;
	[sflag:s14] =	ssyncadd.s32 $0xFFFFE000;
	(pc) =	sbr.rel @p1 .LBB2_17-.Ltmp11, $4  }
0x1d4: {  	[spmem:s1] =	stream.indirect.scatter.add.f32 [tilespmem:s2], [sflag:$0x7], $0x80, s7, s26, $0xb8;
	[tilespmem:$0x1E800] =	vst v63  }
0x1d5: {  	_ =	swait.ge [sflag:s16], $0x2000  }
0x1d6: {  	[sflag:s16] =	ssyncset.done $0x0  }
0x1d7: {  	s3 =	sadd.s32 $0x1780, s24;
	[sflag:s16] =	ssyncadd.s32 $0xFFFFE000  }
0x1d8: {  	s7 =	sadd.s32 $0x400, s24  }
0x1d9: {  	[tilespmem:s28], [sflag:$0x1] =	stream.indirect.gather [hbm4b:s4+s26], $0x80, s7, s26, $0xb8;
	[tilespmem:$0x1E800] =	vst v63  }
0x1da: {  	_ =	swait.ge [sflag:s18], $0x2000  }
0x1db: {  	[sflag:s18] =	ssyncset.done $0x0  }
0x1dc: {  	[sflag:s18] =	ssyncadd.s32 $0xFFFFE000  }
0x1dd: {  	[spmem:s1] =	stream.indirect.scatter.add.f32 [tilespmem:s13], [sflag:$0x8], $0x80, s3, s26, $0xb8;
	[tilespmem:$0x1E800] =	vst v63  }
.Ltmp12:
0x1de: {  	_ = 	snop;
	(pc) =	sbr.rel .LBB2_15-.Ltmp12, $4  }
0x1df: {  	_ =	swait.ge [sflag:s20], $0x2000  }
0x1e0: {  	[sflag:s20] =	ssyncset.done $0x0  }
0x1e1: {  	s24 =	sadd.s32 $0x480, s24;
	s22 =	sadd.s32 $0x800, s22;
	[sflag:s20] =	ssyncadd.s32 $0xFFFFE000  }
0x1e2: {  	[tilespmem:s30], [sflag:$0x2] =	stream.indirect.gather [hbm4b:s4+s26], $0x80, s24, s26, $0xb8;
	[tilespmem:$0x1E800] =	vst v63  }
.LBB2_17:
0x1e3: {  	_ =	swait.ge [sflag:s18], $0x2000  }
0x1e4: {  	[sflag:s18] =	ssyncset.done $0x0  }
0x1e5: {  	[sflag:s18] =	ssyncadd.s32 $0xFFFFE000  }
0x1e6: {  	[spmem:s1] =	stream.indirect.scatter.add.f32 [tilespmem:s13], [sflag:$0x8], $0x80, s3, s26, $0xb8;
	[tilespmem:$0x1E800] =	vst v63  }
0x1e7: {  	_ =	swait.ge [sflag:s20], $0x2000  }
0x1e8: {  	[sflag:s20] =	ssyncset.done $0x0  }
0x1e9: {  	[sflag:s20] =	ssyncadd.s32 $0xFFFFE000  }
0x1ea: {  	_ =	swait.ge [sflag:s5], $0x2000  }
0x1eb: {  	[sflag:s5] =	ssyncset.done $0x0  }
0x1ec: {  	[sflag:s5] =	ssyncadd.s32 $0xFFFFE000  }
0x1ed: {  	_ =	swait.ge [sflag:s6], $0x2000  }
0x1ee: {  	[sflag:s6] =	ssyncset.done $0x0  }
0x1ef: {  	s22 =	simm.s32 $0x0;
	s24 =	rddreg [dreg:$0xf];
	[sflag:s6] =	ssyncadd.s32 $0xFFFFE000  }
0x1f0: {  	[tilespmem:s22], [sflag:$0x9] =	stream.linear.gather [hbm4b:s24+s22], $0x1400, $0x38;
	[tilespmem:$0x1E800] =	vst v63  }
0x1f1: {  	_ =	swait.ge [sflag:s23], $0x1400  }
0x1f2: {  	[sflag:s23] =	ssyncset.done $0x0  }
0x1f3: {  	s7 =	rddreg [dreg:$0x10];
	[sflag:s23] =	ssyncadd.s32 $0xFFFFEC00  }
0x1f4: {  	[tilespmem:s25], [sflag:$0x9] =	stream.linear.gather [hbm4b:s7+s22], $0x1400, $0x38;
	[tilespmem:$0x1E800] =	vst v63  }
0x1f5: {  	_ =	swait.ge [sflag:s23], $0x1400  }
0x1f6: {  	[sflag:s23] =	ssyncset.done $0x0  }
0x1f7: {  	[sflag:s23] =	ssyncadd.s32 $0xFFFFEC00  }
0x1f8: {  	[tilespmem:s28], [sflag:$0x1] =	stream.indirect.gather [hbm4b:s4+s26], $0x80, s22, s26, $0xb8;
	[tilespmem:$0x1E800] =	vst v63  }
0x1f9: {  	s24 =	simm.s32 $0x80  }
0x1fa: {  	[tilespmem:s30], [sflag:$0x2] =	stream.indirect.gather [hbm4b:s4+s26], $0x80, s24, s26, $0xb8;
	[tilespmem:$0x1E800] =	vst v63  }
0x1fb: {  	_ =	swait.ge [sflag:s31], $0x2000  }
0x1fc: {  	[sflag:s31] =	ssyncset.done $0x0  }
0x1fd: {  	[sflag:s31] =	ssyncadd.s32 $0xFFFFE000  }
0x1fe: {  	[spmem:s1] =	stream.indirect.scatter.add.f32 [tilespmem:s28], [sflag:$0x5], $0x80, s25, s26, $0xb8;
	[tilespmem:$0x1E800] =	vst v63  }
0x1ff: {  	_ = 	snop  }
0x200: {  	[tilespmem:s2], [sflag:$0x3] =	stream.indirect.gather [hbm4b:s4+s26], $0x80, s0, s26, $0xb8;
	[tilespmem:$0x1E800] =	vst v63  }
0x201: {  	_ =	swait.ge [sflag:s10], $0x2000  }
0x202: {  	[sflag:s10] =	ssyncset.done $0x0  }
0x203: {  	[sflag:s10] =	ssyncadd.s32 $0xFFFFE000  }
0x204: {  	[spmem:s1] =	stream.indirect.scatter.add.f32 [tilespmem:s30], [sflag:$0x6], $0x80, s11, s26, $0xb8;
	[tilespmem:$0x1E800] =	vst v63  }
0x205: {  	_ = 	snop  }
0x206: {  	[tilespmem:s13], [sflag:$0x4] =	stream.indirect.gather [hbm4b:s4+s26], $0x80, s12, s26, $0xb8;
	[tilespmem:$0x1E800] =	vst v63  }
0x207: {  	_ =	swait.ge [sflag:s14], $0x2000  }
0x208: {  	[sflag:s14] =	ssyncset.done $0x0  }
0x209: {  	[sflag:s14] =	ssyncadd.s32 $0xFFFFE000  }
0x20a: {  	[spmem:s1] =	stream.indirect.scatter.add.f32 [tilespmem:s2], [sflag:$0x7], $0x80, s15, s26, $0xb8;
	[tilespmem:$0x1E800] =	vst v63  }
0x20b: {  	_ =	swait.ge [sflag:s16], $0x2000  }
0x20c: {  	[sflag:s16] =	ssyncset.done $0x0  }
0x20d: {  	[sflag:s16] =	ssyncadd.s32 $0xFFFFE000  }
0x20e: {  	[tilespmem:s28], [sflag:$0x1] =	stream.indirect.gather [hbm4b:s4+s26], $0x80, s17, s26, $0xb8;
	[tilespmem:$0x1E800] =	vst v63  }
0x20f: {  	_ =	swait.ge [sflag:s18], $0x2000  }
0x210: {  	[sflag:s18] =	ssyncset.done $0x0  }
0x211: {  	[sflag:s18] =	ssyncadd.s32 $0xFFFFE000  }
0x212: {  	[spmem:s1] =	stream.indirect.scatter.add.f32 [tilespmem:s13], [sflag:$0x8], $0x80, s19, s26, $0xb8;
	[tilespmem:$0x1E800] =	vst v63  }
0x213: {  	_ =	swait.ge [sflag:s20], $0x2000  }
0x214: {  	[sflag:s20] =	ssyncset.done $0x0  }
0x215: {  	[sflag:s20] =	ssyncadd.s32 $0xFFFFE000  }
0x216: {  	[tilespmem:s30], [sflag:$0x2] =	stream.indirect.gather [hbm4b:s4+s26], $0x80, s21, s26, $0xb8;
	[tilespmem:$0x1E800] =	vst v63  }
.LBB2_18:
0x217: {  	_ =	swait.ge [sflag:s31], $0x2000  }
0x218: {  	s24 =	sshra.s32 s22, $0x2;
	[sflag:s31] =	ssyncset.done $0x0  }
0x219: {  	s3 =	sadd.s32 $0x1600, s24;
	[sflag:s31] =	ssyncadd.s32 $0xFFFFE000  }
0x21a: {  	[spmem:s1] =	stream.indirect.scatter.add.f32 [tilespmem:s28], [sflag:$0x5], $0x80, s3, s26, $0xb8;
	[tilespmem:$0x1E800] =	vst v63  }
0x21b: {  	_ =	swait.ge [sflag:s5], $0x2000  }
0x21c: {  	[sflag:s5] =	ssyncset.done $0x0  }
0x21d: {  	s7 =	sadd.s32 $0x300, s24;
	[sflag:s5] =	ssyncadd.s32 $0xFFFFE000  }
0x21e: {  	[tilespmem:s2], [sflag:$0x3] =	stream.indirect.gather [hbm4b:s4+s26], $0x80, s7, s26, $0xb8;
	[tilespmem:$0x1E800] =	vst v63  }
0x21f: {  	_ =	swait.ge [sflag:s10], $0x2000  }
0x220: {  	[sflag:s10] =	ssyncset.done $0x0  }
0x221: {  	s7 =	sadd.s32 $0x1680, s24;
	[sflag:s10] =	ssyncadd.s32 $0xFFFFE000  }
0x222: {  	[spmem:s1] =	stream.indirect.scatter.add.f32 [tilespmem:s30], [sflag:$0x6], $0x80, s7, s26, $0xb8;
	[tilespmem:$0x1E800] =	vst v63  }
0x223: {  	_ =	swait.ge [sflag:s6], $0x2000  }
0x224: {  	[sflag:s6] =	ssyncset.done $0x0  }
0x225: {  	s7 =	sadd.s32 $0x380, s24;
	[sflag:s6] =	ssyncadd.s32 $0xFFFFE000  }
0x226: {  	[tilespmem:s13], [sflag:$0x4] =	stream.indirect.gather [hbm4b:s4+s26], $0x80, s7, s26, $0xb8;
	[tilespmem:$0x1E800] =	vst v63  }
0x227: {  	_ =	swait.ge [sflag:s14], $0x2000  }
0x228: {  	p1 =	seq.s32 s22, $0x4000;
	[sflag:s14] =	ssyncset.done $0x0  }
.Ltmp13:
0x229: {  	s7 =	sadd.s32 $0x1700, s24;
	[sflag:s14] =	ssyncadd.s32 $0xFFFFE000;
	(pc) =	sbr.rel @p1 .LBB2_20-.Ltmp13, $4  }
0x22a: {  	[spmem:s1] =	stream.indirect.scatter.add.f32 [tilespmem:s2], [sflag:$0x7], $0x80, s7, s26, $0xb8;
	[tilespmem:$0x1E800] =	vst v63  }
0x22b: {  	_ =	swait.ge [sflag:s16], $0x2000  }
0x22c: {  	[sflag:s16] =	ssyncset.done $0x0  }
0x22d: {  	s3 =	sadd.s32 $0x1780, s24;
	[sflag:s16] =	ssyncadd.s32 $0xFFFFE000  }
0x22e: {  	s7 =	sadd.s32 $0x400, s24  }
0x22f: {  	[tilespmem:s28], [sflag:$0x1] =	stream.indirect.gather [hbm4b:s4+s26], $0x80, s7, s26, $0xb8;
	[tilespmem:$0x1E800] =	vst v63  }
0x230: {  	_ =	swait.ge [sflag:s18], $0x2000  }
0x231: {  	[sflag:s18] =	ssyncset.done $0x0  }
0x232: {  	[sflag:s18] =	ssyncadd.s32 $0xFFFFE000  }
0x233: {  	[spmem:s1] =	stream.indirect.scatter.add.f32 [tilespmem:s13], [sflag:$0x8], $0x80, s3, s26, $0xb8;
	[tilespmem:$0x1E800] =	vst v63  }
.Ltmp14:
0x234: {  	_ = 	snop;
	(pc) =	sbr.rel .LBB2_18-.Ltmp14, $4  }
0x235: {  	_ =	swait.ge [sflag:s20], $0x2000  }
0x236: {  	[sflag:s20] =	ssyncset.done $0x0  }
0x237: {  	s24 =	sadd.s32 $0x480, s24;
	s22 =	sadd.s32 $0x800, s22;
	[sflag:s20] =	ssyncadd.s32 $0xFFFFE000  }
0x238: {  	[tilespmem:s30], [sflag:$0x2] =	stream.indirect.gather [hbm4b:s4+s26], $0x80, s24, s26, $0xb8;
	[tilespmem:$0x1E800] =	vst v63  }
.LBB2_20:
0x239: {  	_ =	swait.ge [sflag:s18], $0x2000  }
0x23a: {  	[sflag:s18] =	ssyncset.done $0x0  }
0x23b: {  	[sflag:s18] =	ssyncadd.s32 $0xFFFFE000  }
0x23c: {  	[spmem:s1] =	stream.indirect.scatter.add.f32 [tilespmem:s13], [sflag:$0x8], $0x80, s3, s26, $0xb8;
	[tilespmem:$0x1E800] =	vst v63  }
0x23d: {  	_ =	swait.ge [sflag:s20], $0x2000  }
0x23e: {  	[sflag:s20] =	ssyncset.done $0x0  }
0x23f: {  	[sflag:s20] =	ssyncadd.s32 $0xFFFFE000  }
0x240: {  	_ =	swait.ge [sflag:s5], $0x2000  }
0x241: {  	[sflag:s5] =	ssyncset.done $0x0  }
0x242: {  	[sflag:s5] =	ssyncadd.s32 $0xFFFFE000  }
0x243: {  	_ =	swait.ge [sflag:s6], $0x2000  }
0x244: {  	[sflag:s6] =	ssyncset.done $0x0  }
0x245: {  	s22 =	simm.s32 $0x0;
	s24 =	rddreg [dreg:$0x11];
	[sflag:s6] =	ssyncadd.s32 $0xFFFFE000  }
0x246: {  	[tilespmem:s22], [sflag:$0x9] =	stream.linear.gather [hbm4b:s24+s22], $0x1400, $0x38;
	[tilespmem:$0x1E800] =	vst v63  }
0x247: {  	_ =	swait.ge [sflag:s23], $0x1400  }
0x248: {  	[sflag:s23] =	ssyncset.done $0x0  }
0x249: {  	s7 =	rddreg [dreg:$0x12];
	[sflag:s23] =	ssyncadd.s32 $0xFFFFEC00  }
0x24a: {  	[tilespmem:s25], [sflag:$0x9] =	stream.linear.gather [hbm4b:s7+s22], $0x1400, $0x38;
	[tilespmem:$0x1E800] =	vst v63  }
0x24b: {  	_ =	swait.ge [sflag:s23], $0x1400  }
0x24c: {  	[sflag:s23] =	ssyncset.done $0x0  }
0x24d: {  	[sflag:s23] =	ssyncadd.s32 $0xFFFFEC00  }
0x24e: {  	[tilespmem:s28], [sflag:$0x1] =	stream.indirect.gather [hbm4b:s4+s26], $0x80, s22, s26, $0xb8;
	[tilespmem:$0x1E800] =	vst v63  }
0x24f: {  	s24 =	simm.s32 $0x80  }
0x250: {  	[tilespmem:s30], [sflag:$0x2] =	stream.indirect.gather [hbm4b:s4+s26], $0x80, s24, s26, $0xb8;
	[tilespmem:$0x1E800] =	vst v63  }
0x251: {  	_ =	swait.ge [sflag:s31], $0x2000  }
0x252: {  	[sflag:s31] =	ssyncset.done $0x0  }
0x253: {  	[sflag:s31] =	ssyncadd.s32 $0xFFFFE000  }
0x254: {  	[spmem:s1] =	stream.indirect.scatter.add.f32 [tilespmem:s28], [sflag:$0x5], $0x80, s25, s26, $0xb8;
	[tilespmem:$0x1E800] =	vst v63  }
0x255: {  	_ = 	snop  }
0x256: {  	[tilespmem:s2], [sflag:$0x3] =	stream.indirect.gather [hbm4b:s4+s26], $0x80, s0, s26, $0xb8;
	[tilespmem:$0x1E800] =	vst v63  }
0x257: {  	_ =	swait.ge [sflag:s10], $0x2000  }
0x258: {  	[sflag:s10] =	ssyncset.done $0x0  }
0x259: {  	[sflag:s10] =	ssyncadd.s32 $0xFFFFE000  }
0x25a: {  	[spmem:s1] =	stream.indirect.scatter.add.f32 [tilespmem:s30], [sflag:$0x6], $0x80, s11, s26, $0xb8;
	[tilespmem:$0x1E800] =	vst v63  }
0x25b: {  	_ = 	snop  }
0x25c: {  	[tilespmem:s13], [sflag:$0x4] =	stream.indirect.gather [hbm4b:s4+s26], $0x80, s12, s26, $0xb8;
	[tilespmem:$0x1E800] =	vst v63  }
0x25d: {  	_ =	swait.ge [sflag:s14], $0x2000  }
0x25e: {  	[sflag:s14] =	ssyncset.done $0x0  }
0x25f: {  	[sflag:s14] =	ssyncadd.s32 $0xFFFFE000  }
0x260: {  	[spmem:s1] =	stream.indirect.scatter.add.f32 [tilespmem:s2], [sflag:$0x7], $0x80, s15, s26, $0xb8;
	[tilespmem:$0x1E800] =	vst v63  }
0x261: {  	_ =	swait.ge [sflag:s16], $0x2000  }
0x262: {  	[sflag:s16] =	ssyncset.done $0x0  }
0x263: {  	[sflag:s16] =	ssyncadd.s32 $0xFFFFE000  }
0x264: {  	[tilespmem:s28], [sflag:$0x1] =	stream.indirect.gather [hbm4b:s4+s26], $0x80, s17, s26, $0xb8;
	[tilespmem:$0x1E800] =	vst v63  }
0x265: {  	_ =	swait.ge [sflag:s18], $0x2000  }
0x266: {  	[sflag:s18] =	ssyncset.done $0x0  }
0x267: {  	[sflag:s18] =	ssyncadd.s32 $0xFFFFE000  }
0x268: {  	[spmem:s1] =	stream.indirect.scatter.add.f32 [tilespmem:s13], [sflag:$0x8], $0x80, s19, s26, $0xb8;
	[tilespmem:$0x1E800] =	vst v63  }
0x269: {  	_ =	swait.ge [sflag:s20], $0x2000  }
0x26a: {  	[sflag:s20] =	ssyncset.done $0x0  }
0x26b: {  	[sflag:s20] =	ssyncadd.s32 $0xFFFFE000  }
0x26c: {  	[tilespmem:s30], [sflag:$0x2] =	stream.indirect.gather [hbm4b:s4+s26], $0x80, s21, s26, $0xb8;
	[tilespmem:$0x1E800] =	vst v63  }
.LBB2_21:
0x26d: {  	_ =	swait.ge [sflag:s31], $0x2000  }
0x26e: {  	s24 =	sshra.s32 s22, $0x2;
	[sflag:s31] =	ssyncset.done $0x0  }
0x26f: {  	s3 =	sadd.s32 $0x1600, s24;
	[sflag:s31] =	ssyncadd.s32 $0xFFFFE000  }
0x270: {  	[spmem:s1] =	stream.indirect.scatter.add.f32 [tilespmem:s28], [sflag:$0x5], $0x80, s3, s26, $0xb8;
	[tilespmem:$0x1E800] =	vst v63  }
0x271: {  	_ =	swait.ge [sflag:s5], $0x2000  }
0x272: {  	[sflag:s5] =	ssyncset.done $0x0  }
0x273: {  	s7 =	sadd.s32 $0x300, s24;
	[sflag:s5] =	ssyncadd.s32 $0xFFFFE000  }
0x274: {  	[tilespmem:s2], [sflag:$0x3] =	stream.indirect.gather [hbm4b:s4+s26], $0x80, s7, s26, $0xb8;
	[tilespmem:$0x1E800] =	vst v63  }
0x275: {  	_ =	swait.ge [sflag:s10], $0x2000  }
0x276: {  	[sflag:s10] =	ssyncset.done $0x0  }
0x277: {  	s7 =	sadd.s32 $0x1680, s24;
	[sflag:s10] =	ssyncadd.s32 $0xFFFFE000  }
0x278: {  	[spmem:s1] =	stream.indirect.scatter.add.f32 [tilespmem:s30], [sflag:$0x6], $0x80, s7, s26, $0xb8;
	[tilespmem:$0x1E800] =	vst v63  }
0x279: {  	_ =	swait.ge [sflag:s6], $0x2000  }
0x27a: {  	[sflag:s6] =	ssyncset.done $0x0  }
0x27b: {  	s7 =	sadd.s32 $0x380, s24;
	[sflag:s6] =	ssyncadd.s32 $0xFFFFE000  }
0x27c: {  	[tilespmem:s13], [sflag:$0x4] =	stream.indirect.gather [hbm4b:s4+s26], $0x80, s7, s26, $0xb8;
	[tilespmem:$0x1E800] =	vst v63  }
0x27d: {  	_ =	swait.ge [sflag:s14], $0x2000  }
0x27e: {  	p1 =	seq.s32 s22, $0x4000;
	[sflag:s14] =	ssyncset.done $0x0  }
.Ltmp15:
0x27f: {  	s7 =	sadd.s32 $0x1700, s24;
	[sflag:s14] =	ssyncadd.s32 $0xFFFFE000;
	(pc) =	sbr.rel @p1 .LBB2_23-.Ltmp15, $4  }
0x280: {  	[spmem:s1] =	stream.indirect.scatter.add.f32 [tilespmem:s2], [sflag:$0x7], $0x80, s7, s26, $0xb8;
	[tilespmem:$0x1E800] =	vst v63  }
0x281: {  	_ =	swait.ge [sflag:s16], $0x2000  }
0x282: {  	[sflag:s16] =	ssyncset.done $0x0  }
0x283: {  	s3 =	sadd.s32 $0x1780, s24;
	[sflag:s16] =	ssyncadd.s32 $0xFFFFE000  }
0x284: {  	s7 =	sadd.s32 $0x400, s24  }
0x285: {  	[tilespmem:s28], [sflag:$0x1] =	stream.indirect.gather [hbm4b:s4+s26], $0x80, s7, s26, $0xb8;
	[tilespmem:$0x1E800] =	vst v63  }
0x286: {  	_ =	swait.ge [sflag:s18], $0x2000  }
0x287: {  	[sflag:s18] =	ssyncset.done $0x0  }
0x288: {  	[sflag:s18] =	ssyncadd.s32 $0xFFFFE000  }
0x289: {  	[spmem:s1] =	stream.indirect.scatter.add.f32 [tilespmem:s13], [sflag:$0x8], $0x80, s3, s26, $0xb8;
	[tilespmem:$0x1E800] =	vst v63  }
.Ltmp16:
0x28a: {  	_ = 	snop;
	(pc) =	sbr.rel .LBB2_21-.Ltmp16, $4  }
0x28b: {  	_ =	swait.ge [sflag:s20], $0x2000  }
0x28c: {  	[sflag:s20] =	ssyncset.done $0x0  }
0x28d: {  	s24 =	sadd.s32 $0x480, s24;
	s22 =	sadd.s32 $0x800, s22;
	[sflag:s20] =	ssyncadd.s32 $0xFFFFE000  }
0x28e: {  	[tilespmem:s30], [sflag:$0x2] =	stream.indirect.gather [hbm4b:s4+s26], $0x80, s24, s26, $0xb8;
	[tilespmem:$0x1E800] =	vst v63  }
.LBB2_25:
0x28f: {  	_ =	sfence.sel $0x180000  }
0x290: {  	[bflag:$0x0] =	sbarrier.arrive $0xFFFF  }
0x291: {  	_ =	strace $0x9000004A  }
0x292: {  	s0 =	stileid.u32;
	[bflag:$0x2] =	sbarrier.arrive $0xFFFF  }
0x293: {  	p0 =	sne.s32 s0, $0x0;
	s0 =	rddreg [dreg:$0x2]  }
0x294: {  	s0 =	sadd.s32 @!p0 $0x100000, s0  }
0x295: {  	[sflag:s0] =	ssyncadd.tile.s32 @!p0 $0x1;
	_ =	shalt  }
.Lfunc_end2:
_tile_overlayer_lowered:
.L_overlay_start_2:
0x296: {  	(tag) =	ssettag $0x2  }
0x297: {  	s0 =	rddreg [dreg:$0x0];
	s2 =	stileid.u32  }
0x298: {  	s1 =	rddreg [dreg:$0x1];
	p0 =	sne.s32 s2, $0x0  }
0x299: {  	s3 =	rddreg [dreg:$0x2];
	[bflag:$0x3] =	sbarrier.arrive $0xFFFF;
	s2 =	simm.s32 @!p0 $0x1C09  }
0x29a: {  	[timem:s3], [sflag:s2] =	dma.local @!p0 [hbm:s0], s1  }
0x29b: {  	s0 =	simm.s32 @!p0 $0x9  }
0x29c: {  	_ =	swait.ge @!p0 [sflag:s0], s1  }
0x29d: {  	s1 =	ssub.s32 @!p0 $0x0, s1;
	[sflag:s0] =	ssyncset.done @!p0 $0x0  }
0x29e: {  	[sflag:s0] =	ssyncadd.s32 @!p0 s1  }
0x29f: {  	[bflag:$0x3] =	sbarrier.arrive $0xFFFF  }
0x2a0: {  	_ =	shalt  }

</sc_bundles>
